<compile_context>
chip_gen: v7x
topology: tpu7x:2x2x1
jax: 0.10.2.dev20260603
libtpu: 0.0.44.dev20260713+nightly
codegen_flags: <defaults>
</compile_context>

<pallas_src>
import functools

import jax
import jax.numpy as jnp
from jax import lax
from jax.experimental import pallas as pl
from jax.experimental.pallas import tpu as pltpu
from jax.experimental.pallas import tpu_sc as plsc

_N = 10000
_E = 320000
_D = 128
_G = 128
_PF = 0.3
_PE = 0.3

_CH = 128
_ROWS = 2560
_EPAD = _ROWS * _CH
_NT = 16
_NSC = 2
_RPT = _ROWS // _NT
_RPTH = _ROWS // (_NSC * _NT)
_NACC = 10240
_TRASH = _N
_ZC = _NACC // _NT // _CH

_SLAB = 40

_BLK = 1000
_NBLK = _N // _BLK


def _zero_rows(rows):
    def _body(i, carry):
        for j in range(8):
            rows[i, pl.ds(j * 16, 16)] = jnp.zeros((16,), jnp.float32)
        return carry
    lax.fori_loop(0, _CH, _body, None)


def _agg_loop(table_hbm, src_hbm, d_hbm, idx_s, idx_d, r0, r1, g0, g1,
              accum, base, nrows):
    def _run_slab(off, slab_rows):
        pltpu.sync_copy(src_hbm.at[pl.ds(off, slab_rows)],
                        idx_s.at[pl.ds(0, slab_rows)])
        pltpu.sync_copy(d_hbm.at[pl.ds(off, slab_rows)],
                        idx_d.at[pl.ds(0, slab_rows)])
        pltpu.async_copy(table_hbm.at[idx_s.at[0]], r0, g0)

        def _inner(u, c2):
            j0 = 2 * u
            j1 = j0 + 1
            j2 = j0 + 2
            pltpu.async_copy(table_hbm.at[idx_s.at[j1]], r1, g1)
            pltpu.make_async_copy(table_hbm.at[idx_s.at[j0]], r0, g0).wait()
            pltpu.sync_copy(r0, accum.at[idx_d.at[j0]], add=True)

            @pl.when(j2 < slab_rows)
            def _():
                pltpu.async_copy(table_hbm.at[idx_s.at[j2]], r0, g0)

            pltpu.make_async_copy(table_hbm.at[idx_s.at[j1]], r1, g1).wait()
            pltpu.sync_copy(r1, accum.at[idx_d.at[j1]], add=True)
            return c2
        lax.fori_loop(0, slab_rows // 2, _inner, None)

    nfull = nrows // _SLAB
    rem = nrows % _SLAB

    def _outer(t, carry):
        _run_slab(base + t * _SLAB, _SLAB)
        return carry
    lax.fori_loop(0, nfull, _outer, None)
    if rem:
        _run_slab(base + nfull * _SLAB, rem)


def _zero_accum(rows, accum, zbase):
    def _body(k, carry):
        pltpu.sync_copy(rows, accum.at[pl.ds(zbase + k * _CH, _CH)])
        return carry
    lax.fori_loop(0, _ZC, _body, None)


def _writeout(rows, accum, out_hbm, slot, zbase):
    def _body(k, carry):
        off = zbase + k * _CH
        pltpu.sync_copy(accum.at[pl.ds(off, _CH)], rows)
        pltpu.sync_copy(rows, out_hbm.at[slot, pl.ds(off, _CH)])
        return carry
    lax.fori_loop(0, _ZC, _body, None)


def _sc_scratch():
    return [
        pltpu.MemorySpace.VMEM_SHARED((_NACC, _D), jnp.float32),
        pltpu.VMEM((_SLAB, _CH), jnp.int32),
        pltpu.VMEM((_SLAB, _CH), jnp.int32),
        pltpu.VMEM((_CH, _D), jnp.float32),
        pltpu.VMEM((_CH, _D), jnp.float32),
        pltpu.SemaphoreType.DMA,
        pltpu.SemaphoreType.DMA,
    ]


def _sc_mesh():
    return plsc.VectorSubcoreMesh(core_axis_name="c", subcore_axis_name="s")


def _sc_layer1(x, src2d, dstA2d, dstB2d):

    @functools.partial(
        pl.kernel,
        out_type=jax.ShapeDtypeStruct((2, _NACC, _D), jnp.float32),
        mesh=_sc_mesh(),
        scratch_types=_sc_scratch(),
    )
    def _k(x_hbm, src_hbm, dA_hbm, dB_hbm, out_hbm,
           accum, idx_s, idx_d, r0, r1, g0, g1):
        c = lax.axis_index("c")
        s = lax.axis_index("s")
        zbase = s * (_NACC // _NT)

        _zero_rows(r0)
        _zero_accum(r0, accum, zbase)
        plsc.subcore_barrier()

        @pl.when(c == 0)
        def _():
            _agg_loop(x_hbm, src_hbm, dA_hbm, idx_s, idx_d, r0, r1, g0, g1,
                      accum, s * _RPT, _RPT)

        @pl.when(c == 1)
        def _():
            _agg_loop(x_hbm, src_hbm, dB_hbm, idx_s, idx_d, r0, r1, g0, g1,
                      accum, s * _RPT, _RPT)

        plsc.subcore_barrier()
        _writeout(r0, accum, out_hbm, c, zbase)

    return _k(x, src2d, dstA2d, dstB2d)


def _sc_layer2(h0, h1, h2, src2d, dstA2d, dstB2d):

    @functools.partial(
        pl.kernel,
        out_type=jax.ShapeDtypeStruct((4, _NACC, _D), jnp.float32),
        mesh=_sc_mesh(),
        scratch_types=_sc_scratch(),
    )
    def _k(h0_hbm, h1_hbm, h2_hbm, src_hbm, dA_hbm, dB_hbm, out_hbm,
           accum, idx_s, idx_d, r0, r1, g0, g1):
        c = lax.axis_index("c")
        s = lax.axis_index("s")
        zbase = s * (_NACC // _NT)

        _zero_rows(r0)
        _zero_accum(r0, accum, zbase)
        plsc.subcore_barrier()

        base = s * _RPT

        @pl.when(c == 0)
        def _():
            _agg_loop(h0_hbm, src_hbm, dA_hbm, idx_s, idx_d, r0, r1, g0, g1,
                      accum, base, _RPT)

        @pl.when(c == 1)
        def _():
            _agg_loop(h1_hbm, src_hbm, dA_hbm, idx_s, idx_d, r0, r1, g0, g1,
                      accum, base, _RPT)

        plsc.subcore_barrier()
        _writeout(r0, accum, out_hbm, c, zbase)
        plsc.subcore_barrier()

        _zero_rows(r0)
        _zero_accum(r0, accum, zbase)
        plsc.subcore_barrier()

        baseB = c * (_ROWS // 2) + s * _RPTH
        _agg_loop(h2_hbm, src_hbm, dB_hbm, idx_s, idx_d, r0, r1, g0, g1,
                  accum, baseB, _RPTH)
        plsc.subcore_barrier()
        _writeout(r0, accum, out_hbm, 2 + c, zbase)

    return _k(h0, h1, h2, src2d, dstA2d, dstB2d)


def _tc_layer1(agg1, W1, W1m, b1):

    def _body(a_ref, a2_ref, w_ref, wm_ref, b_ref, h0_ref, h1_ref, h2_ref):
        a = a_ref[0]
        a2 = a2_ref[0]
        w = w_ref[...]
        wm = wm_ref[...]
        b = b_ref[...]
        h0_ref[...] = jnp.maximum(
            jnp.dot(a, w, preferred_element_type=jnp.float32) + b, 0.0)
        h1_ref[...] = jnp.maximum(
            jnp.dot(a, wm, preferred_element_type=jnp.float32) + b, 0.0)
        h2_ref[...] = jnp.maximum(
            jnp.dot(a2, w, preferred_element_type=jnp.float32) + b, 0.0)

    slot0 = pl.BlockSpec((1, _BLK, _D), lambda i: (0, i, 0))
    slot1 = pl.BlockSpec((1, _BLK, _D), lambda i: (1, i, 0))
    row = pl.BlockSpec((_BLK, _D), lambda i: (i, 0))
    full = pl.BlockSpec((_D, _D), lambda i: (0, 0))
    bias = pl.BlockSpec((1, _D), lambda i: (0, 0))
    return pl.pallas_call(
        _body,
        grid=(_NBLK,),
        in_specs=[slot0, slot1, full, full, bias],
        out_specs=[row, row, row],
        out_shape=[jax.ShapeDtypeStruct((_N, _D), jnp.float32)] * 3,
    )(agg1, agg1, W1, W1m, b1)


def _tc_pool(agg2, W2, b2, batch3d):

    def _body(bz_ref, b1_ref, b2a_ref, b2b_ref, w_ref, bb_ref, bat_ref,
              oz_ref, o1_ref, o2_ref, cnt_ref):
        i = pl.program_id(0)

        @pl.when(i == 0)
        def _():
            oz_ref[...] = jnp.zeros_like(oz_ref)
            o1_ref[...] = jnp.zeros_like(o1_ref)
            o2_ref[...] = jnp.zeros_like(o2_ref)
            cnt_ref[...] = jnp.zeros_like(cnt_ref)

        w = w_ref[...]
        b = bb_ref[...]
        hz = jnp.maximum(
            jnp.dot(bz_ref[0], w, preferred_element_type=jnp.float32) + b, 0.0)
        h1 = jnp.maximum(
            jnp.dot(b1_ref[0], w, preferred_element_type=jnp.float32) + b, 0.0)
        h2 = jnp.maximum(
            jnp.dot(b2a_ref[0] + b2b_ref[0], w,
                    preferred_element_type=jnp.float32) + b, 0.0)
        bat = bat_ref[0]
        oh = (lax.broadcasted_iota(jnp.int32, (_G, _BLK), 0) == bat
              ).astype(jnp.float32)
        oz_ref[...] += jnp.dot(oh, hz, preferred_element_type=jnp.float32)
        o1_ref[...] += jnp.dot(oh, h1, preferred_element_type=jnp.float32)
        o2_ref[...] += jnp.dot(oh, h2, preferred_element_type=jnp.float32)
        cnt_ref[...] += jnp.dot(oh, jnp.ones((_BLK, _D), jnp.float32),
                                preferred_element_type=jnp.float32)

        @pl.when(i == _NBLK - 1)
        def _():
            cnt = jnp.maximum(cnt_ref[...], 1.0)
            oz_ref[...] = oz_ref[...] / cnt
            o1_ref[...] = o1_ref[...] / cnt
            o2_ref[...] = o2_ref[...] / cnt

    slots = [pl.BlockSpec((1, _BLK, _D), lambda i, k=k: (k, i, 0))
             for k in range(4)]
    full = pl.BlockSpec((_D, _D), lambda i: (0, 0))
    bias = pl.BlockSpec((1, _D), lambda i: (0, 0))
    batb = pl.BlockSpec((1, 1, _BLK), lambda i: (i, 0, 0))
    outb = pl.BlockSpec((_G, _D), lambda i: (0, 0))
    return pl.pallas_call(
        _body,
        grid=(_NBLK,),
        in_specs=slots + [full, bias, batb],
        out_specs=[outb, outb, outb],
        out_shape=[jax.ShapeDtypeStruct((_G, _D), jnp.float32)] * 3,
        scratch_shapes=[pltpu.VMEM((_G, _D), jnp.float32)],
    )(agg2, agg2, agg2, agg2, W2, b2, batch3d)


def kernel(x, edge_index, batch, W1, b1, W2, b2):
    ka, kb = jax.random.split(jax.random.key(42))
    feat_mask = (jax.random.uniform(ka, (_D,)) > _PF).astype(jnp.float32)
    ew2 = jax.random.uniform(kb, (_E,)) > _PE
    W1m = feat_mask[:, None] * W1

    src = edge_index[0]
    dst = edge_index[1]
    dst2 = jnp.where(ew2, dst, _TRASH)
    pad = _EPAD - _E
    src2d = jnp.concatenate([src, jnp.zeros((pad,), jnp.int32)]).reshape(_ROWS, _CH)
    dA2d = jnp.concatenate([dst, jnp.full((pad,), _TRASH, jnp.int32)]).reshape(_ROWS, _CH)
    dB2d = jnp.concatenate([dst2, jnp.full((pad,), _TRASH, jnp.int32)]).reshape(_ROWS, _CH)

    agg1 = _sc_layer1(x, src2d, dA2d, dB2d)
    h0, h1, h2 = _tc_layer1(agg1, W1, W1m, b1.reshape(1, _D))
    agg2 = _sc_layer2(h0, h1, h2, src2d, dA2d, dB2d)
    batch3d = batch.reshape(_NBLK, 1, _BLK)
    z, z1, z2 = _tc_pool(agg2, W2, b2.reshape(1, _D), batch3d)
    return (z, z1, z2)

# --- scband reference (transcript-rebuilt; emitter-appended) ---
"""Pipeline reference for scband-encoder-84628035600729 (READ-ONLY COPY).

The authoritative reference and input builder live on the scoring server;
editing this copy changes nothing except your own understanding.
"""

import jax, jax.numpy as jnp
import numpy as np

N = 10000
E = 320000
D = 128
H = 128
G = 128
PF = 0.3
PE = 0.3


def setup_inputs(seed: int = 0) -> dict:
    key = jax.random.key(seed)
    k1, k2, k3, k4, k5 = jax.random.split(key, 5)
    x = jax.random.normal(k1, (N, D), dtype=jnp.float32)
    edge_index = jax.random.randint(k2, (2, E), 0, N, dtype=jnp.int32)
    batch = jnp.sort(jax.random.randint(k3, (N,), 0, G, dtype=jnp.int32))
    W1 = jax.random.normal(k4, (D, H), dtype=jnp.float32) * (1.0 / np.sqrt(D))
    b1 = jnp.zeros((H,), dtype=jnp.float32)
    W2 = jax.random.normal(k5, (H, H), dtype=jnp.float32) * (1.0 / np.sqrt(H))
    b2 = jnp.zeros((H,), dtype=jnp.float32)
    return {"x": x, "edge_index": edge_index, "batch": batch, "W1": W1, "b1": b1, "W2": W2, "b2": b2}


def _gconv(x, edge_index, edge_weight, W, b):
    src = edge_index[0]
    dst = edge_index[1]
    msgs = jnp.take(x, src, axis=0) * edge_weight[:, None]
    agg = jax.ops.segment_sum(msgs, dst, num_segments=N)
    return jax.nn.relu(agg @ W + b)


def _encoder(x, edge_index, edge_weight, batch, W1, b1, W2, b2):
    h = _gconv(x, edge_index, edge_weight, W1, b1)
    h = _gconv(h, edge_index, edge_weight, W2, b2)
    counts = jax.ops.segment_sum(jnp.ones((N,), jnp.float32), batch, num_segments=G)
    sums = jax.ops.segment_sum(h, batch, num_segments=G)
    return sums / jnp.clip(counts, 1.0, None)[:, None]


def reference(x, edge_index, batch, W1, b1, W2, b2):
    akey = jax.random.key(42)
    ka, kb = jax.random.split(akey)
    # augmentor 1: feature masking (drop feature dims with prob PF)
    feat_mask = (jax.random.uniform(ka, (D,)) > PF).astype(jnp.float32)
    x1 = x * feat_mask[None, :]
    ew1 = jnp.ones((E,), jnp.float32)
    # augmentor 2: edge removing (zero edge weights with prob PE; static shapes)
    ew2 = (jax.random.uniform(kb, (E,)) > PE).astype(jnp.float32)
    ew0 = jnp.ones((E,), jnp.float32)
    z = _encoder(x, edge_index, ew0, batch, W1, b1, W2, b2)
    z1 = _encoder(x1, edge_index, ew1, batch, W1, b1, W2, b2)
    z2 = _encoder(x, edge_index, ew2, batch, W1, b1, W2, b2)
    return (z, z1, z2)

if __name__ == "__main__":
    import jax
    _d = setup_inputs()
    print(jax.jit(kernel)(*tuple(_d.values())))

</pallas_src>

<mosaic_0001>
#map = affine_map<(d0, d1) -> (0, 0)>
#map1 = affine_map<(d0, d1) -> (0, 0, 0)>
module attributes {stable_mosaic.version = 14 : i64} {
  func.func @_k(%arg0: i32, %arg1: i32, %arg2: memref<10000x128xf32, #tpu.memory_space<hbm>>, %arg3: memref<2560x128xi32, #tpu.memory_space<hbm>>, %arg4: memref<2560x128xi32, #tpu.memory_space<hbm>>, %arg5: memref<2560x128xi32, #tpu.memory_space<hbm>>, %arg6: memref<2x10240x128xf32, #tpu.memory_space<hbm>>, %arg7: memref<10240x128xf32, #tpu.memory_space<vmem_shared>>, %arg8: memref<40x128xi32, #tpu.memory_space<vmem>>, %arg9: memref<40x128xi32, #tpu.memory_space<vmem>>, %arg10: memref<128x128xf32, #tpu.memory_space<vmem>>, %arg11: memref<128x128xf32, #tpu.memory_space<vmem>>, %arg12: memref<!tpu.dma_semaphore, #tpu.memory_space<semaphore_mem>>, %arg13: memref<!tpu.dma_semaphore, #tpu.memory_space<semaphore_mem>>) attributes {dimension_semantics = [#tpu.dimension_semantics<core_parallel>, #tpu.dimension_semantics<subcore_parallel>], iteration_bounds = array<i64: 2, 16>, scalar_prefetch = 0 : i64, scratch_operands = 7 : i64, tpu.core_type = #tpu.core_type<sc_vector_subcore>, window_params = [{transform_indices = #map}, {transform_indices = #map}, {transform_indices = #map}, {transform_indices = #map}, {transform_indices = #map1}]} {
    %mul3A = arith.constant 640 : i32
    %mul3A_0 = arith.muli %arg1, %mul3A : i32
    %scan3A = arith.constant 0 : i32
    %scan3A_1 = arith.constant 128 : i32
    %scan3A_2 = arith.addi %scan3A, %scan3A_1 : i32
    %scan3A_3 = arith.constant 1 : i32
    scf.for %scan3A_23 = %scan3A to %scan3A_2 step %scan3A_3  : i32 {
      %broadcast_in_dim3A = arith.constant 0.000000e+00 : f32
      %broadcast_in_dim3A_24 = vector.broadcast %broadcast_in_dim3A : f32 to vector<16xf32>
      %swap3A = arith.index_cast %scan3A_23 : i32 to index
      %swap3A_25 = arith.constant 0 : index
      %swap3A_26 = tpu.vector_load %arg10[%swap3A, %swap3A_25] {strides = array<i32>} : memref<128x128xf32, #tpu.memory_space<vmem>>, vector<1x16xf32>,
      %swap3A_27 = vector.shape_cast %swap3A_26 : vector<1x16xf32> to vector<16xf32>
      %swap3A_28 = vector.shape_cast %broadcast_in_dim3A_24 : vector<16xf32> to vector<1x16xf32>
      tpu.vector_store %arg10[%swap3A, %swap3A_25], %swap3A_28 {strides = array<i32>} : memref<128x128xf32, #tpu.memory_space<vmem>>, vector<1x16xf32>,
      %broadcast_in_dim3A_29 = arith.constant 0.000000e+00 : f32
      %broadcast_in_dim3A_30 = vector.broadcast %broadcast_in_dim3A_29 : f32 to vector<16xf32>
      %swap3A_31 = arith.index_cast %scan3A_23 : i32 to index
      %swap3A_32 = arith.constant 16 : index
      %swap3A_33 = tpu.vector_load %arg10[%swap3A_31, %swap3A_32] {strides = array<i32>} : memref<128x128xf32, #tpu.memory_space<vmem>>, vector<1x16xf32>,
      %swap3A_34 = vector.shape_cast %swap3A_33 : vector<1x16xf32> to vector<16xf32>
      %swap3A_35 = vector.shape_cast %broadcast_in_dim3A_30 : vector<16xf32> to vector<1x16xf32>
      tpu.vector_store %arg10[%swap3A_31, %swap3A_32], %swap3A_35 {strides = array<i32>} : memref<128x128xf32, #tpu.memory_space<vmem>>, vector<1x16xf32>,
      %broadcast_in_dim3A_36 = arith.constant 0.000000e+00 : f32
      %broadcast_in_dim3A_37 = vector.broadcast %broadcast_in_dim3A_36 : f32 to vector<16xf32>
      %swap3A_38 = arith.index_cast %scan3A_23 : i32 to index
      %swap3A_39 = arith.constant 32 : index
      %swap3A_40 = tpu.vector_load %arg10[%swap3A_38, %swap3A_39] {strides = array<i32>} : memref<128x128xf32, #tpu.memory_space<vmem>>, vector<1x16xf32>,
      %swap3A_41 = vector.shape_cast %swap3A_40 : vector<1x16xf32> to vector<16xf32>
      %swap3A_42 = vector.shape_cast %broadcast_in_dim3A_37 : vector<16xf32> to vector<1x16xf32>
      tpu.vector_store %arg10[%swap3A_38, %swap3A_39], %swap3A_42 {strides = array<i32>} : memref<128x128xf32, #tpu.memory_space<vmem>>, vector<1x16xf32>,
      %broadcast_in_dim3A_43 = arith.constant 0.000000e+00 : f32
      %broadcast_in_dim3A_44 = vector.broadcast %broadcast_in_dim3A_43 : f32 to vector<16xf32>
      %swap3A_45 = arith.index_cast %scan3A_23 : i32 to index
      %swap3A_46 = arith.constant 48 : index
      %swap3A_47 = tpu.vector_load %arg10[%swap3A_45, %swap3A_46] {strides = array<i32>} : memref<128x128xf32, #tpu.memory_space<vmem>>, vector<1x16xf32>,
      %swap3A_48 = vector.shape_cast %swap3A_47 : vector<1x16xf32> to vector<16xf32>
      %swap3A_49 = vector.shape_cast %broadcast_in_dim3A_44 : vector<16xf32> to vector<1x16xf32>
      tpu.vector_store %arg10[%swap3A_45, %swap3A_46], %swap3A_49 {strides = array<i32>} : memref<128x128xf32, #tpu.memory_space<vmem>>, vector<1x16xf32>,
      %broadcast_in_dim3A_50 = arith.constant 0.000000e+00 : f32
      %broadcast_in_dim3A_51 = vector.broadcast %broadcast_in_dim3A_50 : f32 to vector<16xf32>
      %swap3A_52 = arith.index_cast %scan3A_23 : i32 to index
      %swap3A_53 = arith.constant 64 : index
      %swap3A_54 = tpu.vector_load %arg10[%swap3A_52, %swap3A_53] {strides = array<i32>} : memref<128x128xf32, #tpu.memory_space<vmem>>, vector<1x16xf32>,
      %swap3A_55 = vector.shape_cast %swap3A_54 : vector<1x16xf32> to vector<16xf32>
      %swap3A_56 = vector.shape_cast %broadcast_in_dim3A_51 : vector<16xf32> to vector<1x16xf32>
      tpu.vector_store %arg10[%swap3A_52, %swap3A_53], %swap3A_56 {strides = array<i32>} : memref<128x128xf32, #tpu.memory_space<vmem>>, vector<1x16xf32>,
      %broadcast_in_dim3A_57 = arith.constant 0.000000e+00 : f32
      %broadcast_in_dim3A_58 = vector.broadcast %broadcast_in_dim3A_57 : f32 to vector<16xf32>
      %swap3A_59 = arith.index_cast %scan3A_23 : i32 to index
      %swap3A_60 = arith.constant 80 : index
      %swap3A_61 = tpu.vector_load %arg10[%swap3A_59, %swap3A_60] {strides = array<i32>} : memref<128x128xf32, #tpu.memory_space<vmem>>, vector<1x16xf32>,
      %swap3A_62 = vector.shape_cast %swap3A_61 : vector<1x16xf32> to vector<16xf32>
      %swap3A_63 = vector.shape_cast %broadcast_in_dim3A_58 : vector<16xf32> to vector<1x16xf32>
      tpu.vector_store %arg10[%swap3A_59, %swap3A_60], %swap3A_63 {strides = array<i32>} : memref<128x128xf32, #tpu.memory_space<vmem>>, vector<1x16xf32>,
      %broadcast_in_dim3A_64 = arith.constant 0.000000e+00 : f32
      %broadcast_in_dim3A_65 = vector.broadcast %broadcast_in_dim3A_64 : f32 to vector<16xf32>
      %swap3A_66 = arith.index_cast %scan3A_23 : i32 to index
      %swap3A_67 = arith.constant 96 : index
      %swap3A_68 = tpu.vector_load %arg10[%swap3A_66, %swap3A_67] {strides = array<i32>} : memref<128x128xf32, #tpu.memory_space<vmem>>, vector<1x16xf32>,
      %swap3A_69 = vector.shape_cast %swap3A_68 : vector<1x16xf32> to vector<16xf32>
      %swap3A_70 = vector.shape_cast %broadcast_in_dim3A_65 : vector<16xf32> to vector<1x16xf32>
      tpu.vector_store %arg10[%swap3A_66, %swap3A_67], %swap3A_70 {strides = array<i32>} : memref<128x128xf32, #tpu.memory_space<vmem>>, vector<1x16xf32>,
      %broadcast_in_dim3A_71 = arith.constant 0.000000e+00 : f32
      %broadcast_in_dim3A_72 = vector.broadcast %broadcast_in_dim3A_71 : f32 to vector<16xf32>
      %swap3A_73 = arith.index_cast %scan3A_23 : i32 to index
      %swap3A_74 = arith.constant 112 : index
      %swap3A_75 = tpu.vector_load %arg10[%swap3A_73, %swap3A_74] {strides = array<i32>} : memref<128x128xf32, #tpu.memory_space<vmem>>, vector<1x16xf32>,
      %swap3A_76 = vector.shape_cast %swap3A_75 : vector<1x16xf32> to vector<16xf32>
      %swap3A_77 = vector.shape_cast %broadcast_in_dim3A_72 : vector<16xf32> to vector<1x16xf32>
      tpu.vector_store %arg10[%swap3A_73, %swap3A_74], %swap3A_77 {strides = array<i32>} : memref<128x128xf32, #tpu.memory_space<vmem>>, vector<1x16xf32>,
    }
    %scan3A_4 = arith.constant 128 : i32
    %scan3A_5 = arith.constant 0 : i32
    %scan3A_6 = arith.constant 5 : i32
    %scan3A_7 = arith.addi %scan3A_5, %scan3A_6 : i32
    %scan3A_8 = arith.constant 1 : i32
    scf.for %scan3A_23 = %scan3A_5 to %scan3A_7 step %scan3A_8  : i32 {
      %mul3A_24 = arith.constant 128 : i32
      %mul3A_25 = arith.muli %scan3A_23, %mul3A_24 : i32
      %add3A = arith.addi %mul3A_0, %mul3A_25 : i32
      "tpu.region"() ({
        %run_scoped3A = tpu.sem_alloc : memref<!tpu.dma_semaphore, #tpu.memory_space<semaphore_mem>>
        %dma_start3A = arith.constant 0 : i32
        %dma_start3A_26 = tpu.memref_slice %arg7[%add3A, %dma_start3A] : memref<10240x128xf32, #tpu.memory_space<vmem_shared>> -> memref<128x128xf32, #tpu.memory_space<vmem_shared>>
        %dma_start3A_27 = arith.constant 0 : i32
        %dma_start3A_28 = tpu.memref_slice %arg7[%add3A, %dma_start3A_27] : memref<10240x128xf32, #tpu.memory_space<vmem_shared>> -> memref<128x128xf32, #tpu.memory_space<vmem_shared>>
        tpu.enqueue_dma source(%arg10 : memref<128x128xf32, #tpu.memory_space<vmem>>) target(%dma_start3A_28 : memref<128x128xf32, #tpu.memory_space<vmem_shared>>) target_semaphore(%run_scoped3A : memref<!tpu.dma_semaphore, #tpu.memory_space<semaphore_mem>>)
        %dma_wait3A = arith.constant 0 : i32
        %dma_wait3A_29 = tpu.memref_slice %arg7[%add3A, %dma_wait3A] : memref<10240x128xf32, #tpu.memory_space<vmem_shared>> -> memref<128x128xf32, #tpu.memory_space<vmem_shared>>
        %dma_wait3A_30 = arith.constant 0 : i32
        %dma_wait3A_31 = tpu.memref_slice %arg7[%add3A, %dma_wait3A_30] : memref<10240x128xf32, #tpu.memory_space<vmem_shared>> -> memref<128x128xf32, #tpu.memory_space<vmem_shared>>
        tpu.wait_dma2 semaphore(%run_scoped3A : memref<!tpu.dma_semaphore, #tpu.memory_space<semaphore_mem>>) src(%arg10 : memref<128x128xf32, #tpu.memory_space<vmem>>) dst(%dma_wait3A_31 : memref<128x128xf32, #tpu.memory_space<vmem_shared>>)
        tpu.yield
      }) : () -> ()
    }
    %scan3A_9 = arith.constant 5 : i32
    %barrier3A = arith.constant 0 : index
    tpu.barrier barrier_id(%barrier3A)
    %eq3A = arith.constant 0 : i32
    %eq3A_10 = arith.cmpi eq, %arg0, %eq3A : i32
    %convert_element_type3A = arith.extui %eq3A_10 : i1 to i32
    %cond3A = arith.constant 0 : i32
    %cond3A_11 = arith.cmpi ne, %convert_element_type3A, %cond3A : i32
    scf.if %cond3A_11 {
      %mul3A_23 = arith.constant 160 : i32
      %mul3A_24 = arith.muli %arg1, %mul3A_23 : i32
      %scan3A_25 = arith.constant 0 : i32
      %scan3A_26 = arith.constant 4 : i32
      %scan3A_27 = arith.addi %scan3A_25, %scan3A_26 : i32
      %scan3A_28 = arith.constant 1 : i32
      scf.for %scan3A_30 = %scan3A_25 to %scan3A_27 step %scan3A_28  : i32 {
        %mul3A_31 = arith.constant 40 : i32
        %mul3A_32 = arith.muli %scan3A_30, %mul3A_31 : i32
        %add3A = arith.addi %mul3A_24, %mul3A_32 : i32
        "tpu.region"() ({
          %run_scoped3A = tpu.sem_alloc : memref<!tpu.dma_semaphore, #tpu.memory_space<semaphore_mem>>
          %dma_start3A_44 = arith.constant 0 : i32
          %dma_start3A_45 = arith.constant 0 : i32
          %dma_start3A_46 = tpu.memref_slice %arg8[%dma_start3A_44, %dma_start3A_45] : memref<40x128xi32, #tpu.memory_space<vmem>> -> memref<40x128xi32, #tpu.memory_space<vmem>>
          %dma_start3A_47 = arith.constant 0 : i32
          %dma_start3A_48 = tpu.memref_slice %arg3[%add3A, %dma_start3A_47] : memref<2560x128xi32, #tpu.memory_space<hbm>> -> memref<40x128xi32, #tpu.memory_space<hbm>>
          %dma_start3A_49 = arith.constant 0 : i32
          %dma_start3A_50 = arith.constant 0 : i32
          %dma_start3A_51 = tpu.memref_slice %arg8[%dma_start3A_49, %dma_start3A_50] : memref<40x128xi32, #tpu.memory_space<vmem>> -> memref<40x128xi32, #tpu.memory_space<vmem>>
          %dma_start3A_52 = arith.constant 0 : i32
          %dma_start3A_53 = tpu.memref_slice %arg3[%add3A, %dma_start3A_52] : memref<2560x128xi32, #tpu.memory_space<hbm>> -> memref<40x128xi32, #tpu.memory_space<hbm>>
          tpu.enqueue_dma source(%dma_start3A_53 : memref<40x128xi32, #tpu.memory_space<hbm>>) target(%dma_start3A_51 : memref<40x128xi32, #tpu.memory_space<vmem>>) target_semaphore(%run_scoped3A : memref<!tpu.dma_semaphore, #tpu.memory_space<semaphore_mem>>)
          %dma_wait3A = arith.constant 0 : i32
          %dma_wait3A_54 = arith.constant 0 : i32
          %dma_wait3A_55 = tpu.memref_slice %arg8[%dma_wait3A, %dma_wait3A_54] : memref<40x128xi32, #tpu.memory_space<vmem>> -> memref<40x128xi32, #tpu.memory_space<vmem>>
          %dma_wait3A_56 = arith.constant 0 : i32
          %dma_wait3A_57 = tpu.memref_slice %arg3[%add3A, %dma_wait3A_56] : memref<2560x128xi32, #tpu.memory_space<hbm>> -> memref<40x128xi32, #tpu.memory_space<hbm>>
          %dma_wait3A_58 = arith.constant 0 : i32
          %dma_wait3A_59 = arith.constant 0 : i32
          %dma_wait3A_60 = tpu.memref_slice %arg8[%dma_wait3A_58, %dma_wait3A_59] : memref<40x128xi32, #tpu.memory_space<vmem>> -> memref<40x128xi32, #tpu.memory_space<vmem>>
          %dma_wait3A_61 = arith.constant 0 : i32
          %dma_wait3A_62 = tpu.memref_slice %arg3[%add3A, %dma_wait3A_61] : memref<2560x128xi32, #tpu.memory_space<hbm>> -> memref<40x128xi32, #tpu.memory_space<hbm>>
          tpu.wait_dma2 semaphore(%run_scoped3A : memref<!tpu.dma_semaphore, #tpu.memory_space<semaphore_mem>>) src(%dma_wait3A_62 : memref<40x128xi32, #tpu.memory_space<hbm>>) dst(%dma_wait3A_60 : memref<40x128xi32, #tpu.memory_space<vmem>>)
          tpu.yield
        }) : () -> ()
        "tpu.region"() ({
          %run_scoped3A = tpu.sem_alloc : memref<!tpu.dma_semaphore, #tpu.memory_space<semaphore_mem>>
          %dma_start3A_44 = arith.constant 0 : i32
          %dma_start3A_45 = arith.constant 0 : i32
          %dma_start3A_46 = tpu.memref_slice %arg9[%dma_start3A_44, %dma_start3A_45] : memref<40x128xi32, #tpu.memory_space<vmem>> -> memref<40x128xi32, #tpu.memory_space<vmem>>
          %dma_start3A_47 = arith.constant 0 : i32
          %dma_start3A_48 = tpu.memref_slice %arg4[%add3A, %dma_start3A_47] : memref<2560x128xi32, #tpu.memory_space<hbm>> -> memref<40x128xi32, #tpu.memory_space<hbm>>
          %dma_start3A_49 = arith.constant 0 : i32
          %dma_start3A_50 = arith.constant 0 : i32
          %dma_start3A_51 = tpu.memref_slice %arg9[%dma_start3A_49, %dma_start3A_50] : memref<40x128xi32, #tpu.memory_space<vmem>> -> memref<40x128xi32, #tpu.memory_space<vmem>>
          %dma_start3A_52 = arith.constant 0 : i32
          %dma_start3A_53 = tpu.memref_slice %arg4[%add3A, %dma_start3A_52] : memref<2560x128xi32, #tpu.memory_space<hbm>> -> memref<40x128xi32, #tpu.memory_space<hbm>>
          tpu.enqueue_dma source(%dma_start3A_53 : memref<40x128xi32, #tpu.memory_space<hbm>>) target(%dma_start3A_51 : memref<40x128xi32, #tpu.memory_space<vmem>>) target_semaphore(%run_scoped3A : memref<!tpu.dma_semaphore, #tpu.memory_space<semaphore_mem>>)
          %dma_wait3A = arith.constant 0 : i32
          %dma_wait3A_54 = arith.constant 0 : i32
          %dma_wait3A_55 = tpu.memref_slice %arg9[%dma_wait3A, %dma_wait3A_54] : memref<40x128xi32, #tpu.memory_space<vmem>> -> memref<40x128xi32, #tpu.memory_space<vmem>>
          %dma_wait3A_56 = arith.constant 0 : i32
          %dma_wait3A_57 = tpu.memref_slice %arg4[%add3A, %dma_wait3A_56] : memref<2560x128xi32, #tpu.memory_space<hbm>> -> memref<40x128xi32, #tpu.memory_space<hbm>>
          %dma_wait3A_58 = arith.constant 0 : i32
          %dma_wait3A_59 = arith.constant 0 : i32
          %dma_wait3A_60 = tpu.memref_slice %arg9[%dma_wait3A_58, %dma_wait3A_59] : memref<40x128xi32, #tpu.memory_space<vmem>> -> memref<40x128xi32, #tpu.memory_space<vmem>>
          %dma_wait3A_61 = arith.constant 0 : i32
          %dma_wait3A_62 = tpu.memref_slice %arg4[%add3A, %dma_wait3A_61] : memref<2560x128xi32, #tpu.memory_space<hbm>> -> memref<40x128xi32, #tpu.memory_space<hbm>>
          tpu.wait_dma2 semaphore(%run_scoped3A : memref<!tpu.dma_semaphore, #tpu.memory_space<semaphore_mem>>) src(%dma_wait3A_62 : memref<40x128xi32, #tpu.memory_space<hbm>>) dst(%dma_wait3A_60 : memref<40x128xi32, #tpu.memory_space<vmem>>)
          tpu.yield
        }) : () -> ()
        %dma_start3A = arith.constant 0 : i32
        %dma_start3A_33 = arith.constant 0 : i32
        %dma_start3A_34 = tpu.memref_slice %arg8[%dma_start3A, %dma_start3A_33] : memref<40x128xi32, #tpu.memory_space<vmem>> -> memref<1x128xi32, #tpu.memory_space<vmem>>
        %dma_start3A_35 = tpu.memref_squeeze %dma_start3A_34 : memref<1x128xi32, #tpu.memory_space<vmem>> -> memref<128xi32, #tpu.memory_space<vmem>>
        %dma_start3A_36 = arith.constant 0 : i32
        %dma_start3A_37 = arith.constant 0 : i32
        %dma_start3A_38 = tpu.memref_slice %arg2[%dma_start3A_36, %dma_start3A_37] : memref<10000x128xf32, #tpu.memory_space<hbm>> -> memref<10000x128xf32, #tpu.memory_space<hbm>>
        tpu.enqueue_indirect_dma source(%dma_start3A_38 : memref<10000x128xf32, #tpu.memory_space<hbm>>) target(%arg10 : memref<128x128xf32, #tpu.memory_space<vmem>>) offsets(%dma_start3A_35 : memref<128xi32, #tpu.memory_space<vmem>>) semaphore(%arg12 : memref<!tpu.dma_semaphore, #tpu.memory_space<semaphore_mem>>)
        %scan3A_39 = arith.constant 0 : i32
        %scan3A_40 = arith.constant 20 : i32
        %scan3A_41 = arith.addi %scan3A_39, %scan3A_40 : i32
        %scan3A_42 = arith.constant 1 : i32
        scf.for %scan3A_44 = %scan3A_39 to %scan3A_41 step %scan3A_42  : i32 {
          %mul3A_45 = arith.constant 2 : i32
          %mul3A_46 = arith.muli %mul3A_45, %scan3A_44 : i32
          %add3A_47 = arith.constant 1 : i32
          %add3A_48 = arith.addi %mul3A_46, %add3A_47 : i32
          %add3A_49 = arith.constant 2 : i32
          %add3A_50 = arith.addi %mul3A_46, %add3A_49 : i32
          %dma_start3A_51 = arith.constant 0 : i32
          %dma_start3A_52 = tpu.memref_slice %arg8[%add3A_48, %dma_start3A_51] : memref<40x128xi32, #tpu.memory_space<vmem>> -> memref<1x128xi32, #tpu.memory_space<vmem>>
          %dma_start3A_53 = tpu.memref_squeeze %dma_start3A_52 : memref<1x128xi32, #tpu.memory_space<vmem>> -> memref<128xi32, #tpu.memory_space<vmem>>
          %dma_start3A_54 = arith.constant 0 : i32
          %dma_start3A_55 = arith.constant 0 : i32
          %dma_start3A_56 = tpu.memref_slice %arg2[%dma_start3A_54, %dma_start3A_55] : memref<10000x128xf32, #tpu.memory_space<hbm>> -> memref<10000x128xf32, #tpu.memory_space<hbm>>
          tpu.enqueue_indirect_dma source(%dma_start3A_56 : memref<10000x128xf32, #tpu.memory_space<hbm>>) target(%arg11 : memref<128x128xf32, #tpu.memory_space<vmem>>) offsets(%dma_start3A_53 : memref<128xi32, #tpu.memory_space<vmem>>) semaphore(%arg13 : memref<!tpu.dma_semaphore, #tpu.memory_space<semaphore_mem>>)
          %dma_wait3A = arith.constant 0 : i32
          %dma_wait3A_57 = tpu.memref_slice %arg8[%mul3A_46, %dma_wait3A] : memref<40x128xi32, #tpu.memory_space<vmem>> -> memref<1x128xi32, #tpu.memory_space<vmem>>
          %dma_wait3A_58 = tpu.memref_squeeze %dma_wait3A_57 : memref<1x128xi32, #tpu.memory_space<vmem>> -> memref<128xi32, #tpu.memory_space<vmem>>
          %dma_wait3A_59 = arith.constant 0 : i32
          %dma_wait3A_60 = arith.constant 0 : i32
          %dma_wait3A_61 = tpu.memref_slice %arg2[%dma_wait3A_59, %dma_wait3A_60] : memref<10000x128xf32, #tpu.memory_space<hbm>> -> memref<10000x128xf32, #tpu.memory_space<hbm>>
          tpu.wait_indirect_dma semaphore(%arg12 : memref<!tpu.dma_semaphore, #tpu.memory_space<semaphore_mem>>) src(%dma_wait3A_61 : memref<10000x128xf32, #tpu.memory_space<hbm>>) dst(%arg10 : memref<128x128xf32, #tpu.memory_space<vmem>>)
          "tpu.region"() ({
            %run_scoped3A = tpu.sem_alloc : memref<!tpu.dma_semaphore, #tpu.memory_space<semaphore_mem>>
            %dma_start3A_72 = arith.constant 0 : i32
            %dma_start3A_73 = tpu.memref_slice %arg9[%mul3A_46, %dma_start3A_72] : memref<40x128xi32, #tpu.memory_space<vmem>> -> memref<1x128xi32, #tpu.memory_space<vmem>>
            %dma_start3A_74 = tpu.memref_squeeze %dma_start3A_73 : memref<1x128xi32, #tpu.memory_space<vmem>> -> memref<128xi32, #tpu.memory_space<vmem>>
            %dma_start3A_75 = arith.constant 0 : i32
            %dma_start3A_76 = arith.constant 0 : i32
            %dma_start3A_77 = tpu.memref_slice %arg7[%dma_start3A_75, %dma_start3A_76] : memref<10240x128xf32, #tpu.memory_space<vmem_shared>> -> memref<10240x128xf32, #tpu.memory_space<vmem_shared>>
            tpu.enqueue_indirect_dma source(%arg10 : memref<128x128xf32, #tpu.memory_space<vmem>>) target(%dma_start3A_77 : memref<10240x128xf32, #tpu.memory_space<vmem_shared>>) offsets(%dma_start3A_74 : memref<128xi32, #tpu.memory_space<vmem>>) semaphore(%run_scoped3A : memref<!tpu.dma_semaphore, #tpu.memory_space<semaphore_mem>>) {add = true}
            %dma_wait3A_78 = arith.constant 0 : i32
            %dma_wait3A_79 = tpu.memref_slice %arg9[%mul3A_46, %dma_wait3A_78] : memref<40x128xi32, #tpu.memory_space<vmem>> -> memref<1x128xi32, #tpu.memory_space<vmem>>
            %dma_wait3A_80 = tpu.memref_squeeze %dma_wait3A_79 : memref<1x128xi32, #tpu.memory_space<vmem>> -> memref<128xi32, #tpu.memory_space<vmem>>
            %dma_wait3A_81 = arith.constant 0 : i32
            %dma_wait3A_82 = arith.constant 0 : i32
            %dma_wait3A_83 = tpu.memref_slice %arg7[%dma_wait3A_81, %dma_wait3A_82] : memref<10240x128xf32, #tpu.memory_space<vmem_shared>> -> memref<10240x128xf32, #tpu.memory_space<vmem_shared>>
            tpu.wait_indirect_dma semaphore(%run_scoped3A : memref<!tpu.dma_semaphore, #tpu.memory_space<semaphore_mem>>) src(%arg10 : memref<128x128xf32, #tpu.memory_space<vmem>>) dst(%dma_wait3A_83 : memref<10240x128xf32, #tpu.memory_space<vmem_shared>>)
            tpu.yield
          }) : () -> ()
          %lt3A = arith.constant 40 : i32
          %lt3A_62 = arith.cmpi slt, %add3A_50, %lt3A : i32
          %convert_element_type3A_63 = arith.extui %lt3A_62 : i1 to i32
          %cond3A_64 = arith.constant 0 : i32
          %cond3A_65 = arith.cmpi ne, %convert_element_type3A_63, %cond3A_64 : i32
          scf.if %cond3A_65 {
            %dma_start3A_72 = arith.constant 0 : i32
            %dma_start3A_73 = tpu.memref_slice %arg8[%add3A_50, %dma_start3A_72] : memref<40x128xi32, #tpu.memory_space<vmem>> -> memref<1x128xi32, #tpu.memory_space<vmem>>
            %dma_start3A_74 = tpu.memref_squeeze %dma_start3A_73 : memref<1x128xi32, #tpu.memory_space<vmem>> -> memref<128xi32, #tpu.memory_space<vmem>>
            %dma_start3A_75 = arith.constant 0 : i32
            %dma_start3A_76 = arith.constant 0 : i32
            %dma_start3A_77 = tpu.memref_slice %arg2[%dma_start3A_75, %dma_start3A_76] : memref<10000x128xf32, #tpu.memory_space<hbm>> -> memref<10000x128xf32, #tpu.memory_space<hbm>>
            tpu.enqueue_indirect_dma source(%dma_start3A_77 : memref<10000x128xf32, #tpu.memory_space<hbm>>) target(%arg10 : memref<128x128xf32, #tpu.memory_space<vmem>>) offsets(%dma_start3A_74 : memref<128xi32, #tpu.memory_space<vmem>>) semaphore(%arg12 : memref<!tpu.dma_semaphore, #tpu.memory_space<semaphore_mem>>)
          } else {
          }
          %dma_wait3A_66 = arith.constant 0 : i32
          %dma_wait3A_67 = tpu.memref_slice %arg8[%add3A_48, %dma_wait3A_66] : memref<40x128xi32, #tpu.memory_space<vmem>> -> memref<1x128xi32, #tpu.memory_space<vmem>>
          %dma_wait3A_68 = tpu.memref_squeeze %dma_wait3A_67 : memref<1x128xi32, #tpu.memory_space<vmem>> -> memref<128xi32, #tpu.memory_space<vmem>>
          %dma_wait3A_69 = arith.constant 0 : i32
          %dma_wait3A_70 = arith.constant 0 : i32
          %dma_wait3A_71 = tpu.memref_slice %arg2[%dma_wait3A_69, %dma_wait3A_70] : memref<10000x128xf32, #tpu.memory_space<hbm>> -> memref<10000x128xf32, #tpu.memory_space<hbm>>
          tpu.wait_indirect_dma semaphore(%arg13 : memref<!tpu.dma_semaphore, #tpu.memory_space<semaphore_mem>>) src(%dma_wait3A_71 : memref<10000x128xf32, #tpu.memory_space<hbm>>) dst(%arg11 : memref<128x128xf32, #tpu.memory_space<vmem>>)
          "tpu.region"() ({
            %run_scoped3A = tpu.sem_alloc : memref<!tpu.dma_semaphore, #tpu.memory_space<semaphore_mem>>
            %dma_start3A_72 = arith.constant 0 : i32
            %dma_start3A_73 = tpu.memref_slice %arg9[%add3A_48, %dma_start3A_72] : memref<40x128xi32, #tpu.memory_space<vmem>> -> memref<1x128xi32, #tpu.memory_space<vmem>>
            %dma_start3A_74 = tpu.memref_squeeze %dma_start3A_73 : memref<1x128xi32, #tpu.memory_space<vmem>> -> memref<128xi32, #tpu.memory_space<vmem>>
            %dma_start3A_75 = arith.constant 0 : i32
            %dma_start3A_76 = arith.constant 0 : i32
            %dma_start3A_77 = tpu.memref_slice %arg7[%dma_start3A_75, %dma_start3A_76] : memref<10240x128xf32, #tpu.memory_space<vmem_shared>> -> memref<10240x128xf32, #tpu.memory_space<vmem_shared>>
            tpu.enqueue_indirect_dma source(%arg11 : memref<128x128xf32, #tpu.memory_space<vmem>>) target(%dma_start3A_77 : memref<10240x128xf32, #tpu.memory_space<vmem_shared>>) offsets(%dma_start3A_74 : memref<128xi32, #tpu.memory_space<vmem>>) semaphore(%run_scoped3A : memref<!tpu.dma_semaphore, #tpu.memory_space<semaphore_mem>>) {add = true}
            %dma_wait3A_78 = arith.constant 0 : i32
            %dma_wait3A_79 = tpu.memref_slice %arg9[%add3A_48, %dma_wait3A_78] : memref<40x128xi32, #tpu.memory_space<vmem>> -> memref<1x128xi32, #tpu.memory_space<vmem>>
            %dma_wait3A_80 = tpu.memref_squeeze %dma_wait3A_79 : memref<1x128xi32, #tpu.memory_space<vmem>> -> memref<128xi32, #tpu.memory_space<vmem>>
            %dma_wait3A_81 = arith.constant 0 : i32
            %dma_wait3A_82 = arith.constant 0 : i32
            %dma_wait3A_83 = tpu.memref_slice %arg7[%dma_wait3A_81, %dma_wait3A_82] : memref<10240x128xf32, #tpu.memory_space<vmem_shared>> -> memref<10240x128xf32, #tpu.memory_space<vmem_shared>>
            tpu.wait_indirect_dma semaphore(%run_scoped3A : memref<!tpu.dma_semaphore, #tpu.memory_space<semaphore_mem>>) src(%arg11 : memref<128x128xf32, #tpu.memory_space<vmem>>) dst(%dma_wait3A_83 : memref<10240x128xf32, #tpu.memory_space<vmem_shared>>)
            tpu.yield
          }) : () -> ()
        }
        %scan3A_43 = arith.constant 20 : i32
      }
      %scan3A_29 = arith.constant 4 : i32
    } else {
    }
    %eq3A_12 = arith.constant 1 : i32
    %eq3A_13 = arith.cmpi eq, %arg0, %eq3A_12 : i32
    %convert_element_type3A_14 = arith.extui %eq3A_13 : i1 to i32
    %cond3A_15 = arith.constant 0 : i32
    %cond3A_16 = arith.cmpi ne, %convert_element_type3A_14, %cond3A_15 : i32
    scf.if %cond3A_16 {
      %mul3A_23 = arith.constant 160 : i32
      %mul3A_24 = arith.muli %arg1, %mul3A_23 : i32
      %scan3A_25 = arith.constant 0 : i32
      %scan3A_26 = arith.constant 4 : i32
      %scan3A_27 = arith.addi %scan3A_25, %scan3A_26 : i32
      %scan3A_28 = arith.constant 1 : i32
      scf.for %scan3A_30 = %scan3A_25 to %scan3A_27 step %scan3A_28  : i32 {
        %mul3A_31 = arith.constant 40 : i32
        %mul3A_32 = arith.muli %scan3A_30, %mul3A_31 : i32
        %add3A = arith.addi %mul3A_24, %mul3A_32 : i32
        "tpu.region"() ({
          %run_scoped3A = tpu.sem_alloc : memref<!tpu.dma_semaphore, #tpu.memory_space<semaphore_mem>>
          %dma_start3A_44 = arith.constant 0 : i32
          %dma_start3A_45 = arith.constant 0 : i32
          %dma_start3A_46 = tpu.memref_slice %arg8[%dma_start3A_44, %dma_start3A_45] : memref<40x128xi32, #tpu.memory_space<vmem>> -> memref<40x128xi32, #tpu.memory_space<vmem>>
          %dma_start3A_47 = arith.constant 0 : i32
          %dma_start3A_48 = tpu.memref_slice %arg3[%add3A, %dma_start3A_47] : memref<2560x128xi32, #tpu.memory_space<hbm>> -> memref<40x128xi32, #tpu.memory_space<hbm>>
          %dma_start3A_49 = arith.constant 0 : i32
          %dma_start3A_50 = arith.constant 0 : i32
          %dma_start3A_51 = tpu.memref_slice %arg8[%dma_start3A_49, %dma_start3A_50] : memref<40x128xi32, #tpu.memory_space<vmem>> -> memref<40x128xi32, #tpu.memory_space<vmem>>
          %dma_start3A_52 = arith.constant 0 : i32
          %dma_start3A_53 = tpu.memref_slice %arg3[%add3A, %dma_start3A_52] : memref<2560x128xi32, #tpu.memory_space<hbm>> -> memref<40x128xi32, #tpu.memory_space<hbm>>
          tpu.enqueue_dma source(%dma_start3A_53 : memref<40x128xi32, #tpu.memory_space<hbm>>) target(%dma_start3A_51 : memref<40x128xi32, #tpu.memory_space<vmem>>) target_semaphore(%run_scoped3A : memref<!tpu.dma_semaphore, #tpu.memory_space<semaphore_mem>>)
          %dma_wait3A = arith.constant 0 : i32
          %dma_wait3A_54 = arith.constant 0 : i32
          %dma_wait3A_55 = tpu.memref_slice %arg8[%dma_wait3A, %dma_wait3A_54] : memref<40x128xi32, #tpu.memory_space<vmem>> -> memref<40x128xi32, #tpu.memory_space<vmem>>
          %dma_wait3A_56 = arith.constant 0 : i32
          %dma_wait3A_57 = tpu.memref_slice %arg3[%add3A, %dma_wait3A_56] : memref<2560x128xi32, #tpu.memory_space<hbm>> -> memref<40x128xi32, #tpu.memory_space<hbm>>
          %dma_wait3A_58 = arith.constant 0 : i32
          %dma_wait3A_59 = arith.constant 0 : i32
          %dma_wait3A_60 = tpu.memref_slice %arg8[%dma_wait3A_58, %dma_wait3A_59] : memref<40x128xi32, #tpu.memory_space<vmem>> -> memref<40x128xi32, #tpu.memory_space<vmem>>
          %dma_wait3A_61 = arith.constant 0 : i32
          %dma_wait3A_62 = tpu.memref_slice %arg3[%add3A, %dma_wait3A_61] : memref<2560x128xi32, #tpu.memory_space<hbm>> -> memref<40x128xi32, #tpu.memory_space<hbm>>
          tpu.wait_dma2 semaphore(%run_scoped3A : memref<!tpu.dma_semaphore, #tpu.memory_space<semaphore_mem>>) src(%dma_wait3A_62 : memref<40x128xi32, #tpu.memory_space<hbm>>) dst(%dma_wait3A_60 : memref<40x128xi32, #tpu.memory_space<vmem>>)
          tpu.yield
        }) : () -> ()
        "tpu.region"() ({
          %run_scoped3A = tpu.sem_alloc : memref<!tpu.dma_semaphore, #tpu.memory_space<semaphore_mem>>
          %dma_start3A_44 = arith.constant 0 : i32
          %dma_start3A_45 = arith.constant 0 : i32
          %dma_start3A_46 = tpu.memref_slice %arg9[%dma_start3A_44, %dma_start3A_45] : memref<40x128xi32, #tpu.memory_space<vmem>> -> memref<40x128xi32, #tpu.memory_space<vmem>>
          %dma_start3A_47 = arith.constant 0 : i32
          %dma_start3A_48 = tpu.memref_slice %arg5[%add3A, %dma_start3A_47] : memref<2560x128xi32, #tpu.memory_space<hbm>> -> memref<40x128xi32, #tpu.memory_space<hbm>>
          %dma_start3A_49 = arith.constant 0 : i32
          %dma_start3A_50 = arith.constant 0 : i32
          %dma_start3A_51 = tpu.memref_slice %arg9[%dma_start3A_49, %dma_start3A_50] : memref<40x128xi32, #tpu.memory_space<vmem>> -> memref<40x128xi32, #tpu.memory_space<vmem>>
          %dma_start3A_52 = arith.constant 0 : i32
          %dma_start3A_53 = tpu.memref_slice %arg5[%add3A, %dma_start3A_52] : memref<2560x128xi32, #tpu.memory_space<hbm>> -> memref<40x128xi32, #tpu.memory_space<hbm>>
          tpu.enqueue_dma source(%dma_start3A_53 : memref<40x128xi32, #tpu.memory_space<hbm>>) target(%dma_start3A_51 : memref<40x128xi32, #tpu.memory_space<vmem>>) target_semaphore(%run_scoped3A : memref<!tpu.dma_semaphore, #tpu.memory_space<semaphore_mem>>)
          %dma_wait3A = arith.constant 0 : i32
          %dma_wait3A_54 = arith.constant 0 : i32
          %dma_wait3A_55 = tpu.memref_slice %arg9[%dma_wait3A, %dma_wait3A_54] : memref<40x128xi32, #tpu.memory_space<vmem>> -> memref<40x128xi32, #tpu.memory_space<vmem>>
          %dma_wait3A_56 = arith.constant 0 : i32
          %dma_wait3A_57 = tpu.memref_slice %arg5[%add3A, %dma_wait3A_56] : memref<2560x128xi32, #tpu.memory_space<hbm>> -> memref<40x128xi32, #tpu.memory_space<hbm>>
          %dma_wait3A_58 = arith.constant 0 : i32
          %dma_wait3A_59 = arith.constant 0 : i32
          %dma_wait3A_60 = tpu.memref_slice %arg9[%dma_wait3A_58, %dma_wait3A_59] : memref<40x128xi32, #tpu.memory_space<vmem>> -> memref<40x128xi32, #tpu.memory_space<vmem>>
          %dma_wait3A_61 = arith.constant 0 : i32
          %dma_wait3A_62 = tpu.memref_slice %arg5[%add3A, %dma_wait3A_61] : memref<2560x128xi32, #tpu.memory_space<hbm>> -> memref<40x128xi32, #tpu.memory_space<hbm>>
          tpu.wait_dma2 semaphore(%run_scoped3A : memref<!tpu.dma_semaphore, #tpu.memory_space<semaphore_mem>>) src(%dma_wait3A_62 : memref<40x128xi32, #tpu.memory_space<hbm>>) dst(%dma_wait3A_60 : memref<40x128xi32, #tpu.memory_space<vmem>>)
          tpu.yield
        }) : () -> ()
        %dma_start3A = arith.constant 0 : i32
        %dma_start3A_33 = arith.constant 0 : i32
        %dma_start3A_34 = tpu.memref_slice %arg8[%dma_start3A, %dma_start3A_33] : memref<40x128xi32, #tpu.memory_space<vmem>> -> memref<1x128xi32, #tpu.memory_space<vmem>>
        %dma_start3A_35 = tpu.memref_squeeze %dma_start3A_34 : memref<1x128xi32, #tpu.memory_space<vmem>> -> memref<128xi32, #tpu.memory_space<vmem>>
        %dma_start3A_36 = arith.constant 0 : i32
        %dma_start3A_37 = arith.constant 0 : i32
        %dma_start3A_38 = tpu.memref_slice %arg2[%dma_start3A_36, %dma_start3A_37] : memref<10000x128xf32, #tpu.memory_space<hbm>> -> memref<10000x128xf32, #tpu.memory_space<hbm>>
        tpu.enqueue_indirect_dma source(%dma_start3A_38 : memref<10000x128xf32, #tpu.memory_space<hbm>>) target(%arg10 : memref<128x128xf32, #tpu.memory_space<vmem>>) offsets(%dma_start3A_35 : memref<128xi32, #tpu.memory_space<vmem>>) semaphore(%arg12 : memref<!tpu.dma_semaphore, #tpu.memory_space<semaphore_mem>>)
        %scan3A_39 = arith.constant 0 : i32
        %scan3A_40 = arith.constant 20 : i32
        %scan3A_41 = arith.addi %scan3A_39, %scan3A_40 : i32
        %scan3A_42 = arith.constant 1 : i32
        scf.for %scan3A_44 = %scan3A_39 to %scan3A_41 step %scan3A_42  : i32 {
          %mul3A_45 = arith.constant 2 : i32
          %mul3A_46 = arith.muli %mul3A_45, %scan3A_44 : i32
          %add3A_47 = arith.constant 1 : i32
          %add3A_48 = arith.addi %mul3A_46, %add3A_47 : i32
          %add3A_49 = arith.constant 2 : i32
          %add3A_50 = arith.addi %mul3A_46, %add3A_49 : i32
          %dma_start3A_51 = arith.constant 0 : i32
          %dma_start3A_52 = tpu.memref_slice %arg8[%add3A_48, %dma_start3A_51] : memref<40x128xi32, #tpu.memory_space<vmem>> -> memref<1x128xi32, #tpu.memory_space<vmem>>
          %dma_start3A_53 = tpu.memref_squeeze %dma_start3A_52 : memref<1x128xi32, #tpu.memory_space<vmem>> -> memref<128xi32, #tpu.memory_space<vmem>>
          %dma_start3A_54 = arith.constant 0 : i32
          %dma_start3A_55 = arith.constant 0 : i32
          %dma_start3A_56 = tpu.memref_slice %arg2[%dma_start3A_54, %dma_start3A_55] : memref<10000x128xf32, #tpu.memory_space<hbm>> -> memref<10000x128xf32, #tpu.memory_space<hbm>>
          tpu.enqueue_indirect_dma source(%dma_start3A_56 : memref<10000x128xf32, #tpu.memory_space<hbm>>) target(%arg11 : memref<128x128xf32, #tpu.memory_space<vmem>>) offsets(%dma_start3A_53 : memref<128xi32, #tpu.memory_space<vmem>>) semaphore(%arg13 : memref<!tpu.dma_semaphore, #tpu.memory_space<semaphore_mem>>)
          %dma_wait3A = arith.constant 0 : i32
          %dma_wait3A_57 = tpu.memref_slice %arg8[%mul3A_46, %dma_wait3A] : memref<40x128xi32, #tpu.memory_space<vmem>> -> memref<1x128xi32, #tpu.memory_space<vmem>>
          %dma_wait3A_58 = tpu.memref_squeeze %dma_wait3A_57 : memref<1x128xi32, #tpu.memory_space<vmem>> -> memref<128xi32, #tpu.memory_space<vmem>>
          %dma_wait3A_59 = arith.constant 0 : i32
          %dma_wait3A_60 = arith.constant 0 : i32
          %dma_wait3A_61 = tpu.memref_slice %arg2[%dma_wait3A_59, %dma_wait3A_60] : memref<10000x128xf32, #tpu.memory_space<hbm>> -> memref<10000x128xf32, #tpu.memory_space<hbm>>
          tpu.wait_indirect_dma semaphore(%arg12 : memref<!tpu.dma_semaphore, #tpu.memory_space<semaphore_mem>>) src(%dma_wait3A_61 : memref<10000x128xf32, #tpu.memory_space<hbm>>) dst(%arg10 : memref<128x128xf32, #tpu.memory_space<vmem>>)
          "tpu.region"() ({
            %run_scoped3A = tpu.sem_alloc : memref<!tpu.dma_semaphore, #tpu.memory_space<semaphore_mem>>
            %dma_start3A_72 = arith.constant 0 : i32
            %dma_start3A_73 = tpu.memref_slice %arg9[%mul3A_46, %dma_start3A_72] : memref<40x128xi32, #tpu.memory_space<vmem>> -> memref<1x128xi32, #tpu.memory_space<vmem>>
            %dma_start3A_74 = tpu.memref_squeeze %dma_start3A_73 : memref<1x128xi32, #tpu.memory_space<vmem>> -> memref<128xi32, #tpu.memory_space<vmem>>
            %dma_start3A_75 = arith.constant 0 : i32
            %dma_start3A_76 = arith.constant 0 : i32
            %dma_start3A_77 = tpu.memref_slice %arg7[%dma_start3A_75, %dma_start3A_76] : memref<10240x128xf32, #tpu.memory_space<vmem_shared>> -> memref<10240x128xf32, #tpu.memory_space<vmem_shared>>
            tpu.enqueue_indirect_dma source(%arg10 : memref<128x128xf32, #tpu.memory_space<vmem>>) target(%dma_start3A_77 : memref<10240x128xf32, #tpu.memory_space<vmem_shared>>) offsets(%dma_start3A_74 : memref<128xi32, #tpu.memory_space<vmem>>) semaphore(%run_scoped3A : memref<!tpu.dma_semaphore, #tpu.memory_space<semaphore_mem>>) {add = true}
            %dma_wait3A_78 = arith.constant 0 : i32
            %dma_wait3A_79 = tpu.memref_slice %arg9[%mul3A_46, %dma_wait3A_78] : memref<40x128xi32, #tpu.memory_space<vmem>> -> memref<1x128xi32, #tpu.memory_space<vmem>>
            %dma_wait3A_80 = tpu.memref_squeeze %dma_wait3A_79 : memref<1x128xi32, #tpu.memory_space<vmem>> -> memref<128xi32, #tpu.memory_space<vmem>>
            %dma_wait3A_81 = arith.constant 0 : i32
            %dma_wait3A_82 = arith.constant 0 : i32
            %dma_wait3A_83 = tpu.memref_slice %arg7[%dma_wait3A_81, %dma_wait3A_82] : memref<10240x128xf32, #tpu.memory_space<vmem_shared>> -> memref<10240x128xf32, #tpu.memory_space<vmem_shared>>
            tpu.wait_indirect_dma semaphore(%run_scoped3A : memref<!tpu.dma_semaphore, #tpu.memory_space<semaphore_mem>>) src(%arg10 : memref<128x128xf32, #tpu.memory_space<vmem>>) dst(%dma_wait3A_83 : memref<10240x128xf32, #tpu.memory_space<vmem_shared>>)
            tpu.yield
          }) : () -> ()
          %lt3A = arith.constant 40 : i32
          %lt3A_62 = arith.cmpi slt, %add3A_50, %lt3A : i32
          %convert_element_type3A_63 = arith.extui %lt3A_62 : i1 to i32
          %cond3A_64 = arith.constant 0 : i32
          %cond3A_65 = arith.cmpi ne, %convert_element_type3A_63, %cond3A_64 : i32
          scf.if %cond3A_65 {
            %dma_start3A_72 = arith.constant 0 : i32
            %dma_start3A_73 = tpu.memref_slice %arg8[%add3A_50, %dma_start3A_72] : memref<40x128xi32, #tpu.memory_space<vmem>> -> memref<1x128xi32, #tpu.memory_space<vmem>>
            %dma_start3A_74 = tpu.memref_squeeze %dma_start3A_73 : memref<1x128xi32, #tpu.memory_space<vmem>> -> memref<128xi32, #tpu.memory_space<vmem>>
            %dma_start3A_75 = arith.constant 0 : i32
            %dma_start3A_76 = arith.constant 0 : i32
            %dma_start3A_77 = tpu.memref_slice %arg2[%dma_start3A_75, %dma_start3A_76] : memref<10000x128xf32, #tpu.memory_space<hbm>> -> memref<10000x128xf32, #tpu.memory_space<hbm>>
            tpu.enqueue_indirect_dma source(%dma_start3A_77 : memref<10000x128xf32, #tpu.memory_space<hbm>>) target(%arg10 : memref<128x128xf32, #tpu.memory_space<vmem>>) offsets(%dma_start3A_74 : memref<128xi32, #tpu.memory_space<vmem>>) semaphore(%arg12 : memref<!tpu.dma_semaphore, #tpu.memory_space<semaphore_mem>>)
          } else {
          }
          %dma_wait3A_66 = arith.constant 0 : i32
          %dma_wait3A_67 = tpu.memref_slice %arg8[%add3A_48, %dma_wait3A_66] : memref<40x128xi32, #tpu.memory_space<vmem>> -> memref<1x128xi32, #tpu.memory_space<vmem>>
          %dma_wait3A_68 = tpu.memref_squeeze %dma_wait3A_67 : memref<1x128xi32, #tpu.memory_space<vmem>> -> memref<128xi32, #tpu.memory_space<vmem>>
          %dma_wait3A_69 = arith.constant 0 : i32
          %dma_wait3A_70 = arith.constant 0 : i32
          %dma_wait3A_71 = tpu.memref_slice %arg2[%dma_wait3A_69, %dma_wait3A_70] : memref<10000x128xf32, #tpu.memory_space<hbm>> -> memref<10000x128xf32, #tpu.memory_space<hbm>>
          tpu.wait_indirect_dma semaphore(%arg13 : memref<!tpu.dma_semaphore, #tpu.memory_space<semaphore_mem>>) src(%dma_wait3A_71 : memref<10000x128xf32, #tpu.memory_space<hbm>>) dst(%arg11 : memref<128x128xf32, #tpu.memory_space<vmem>>)
          "tpu.region"() ({
            %run_scoped3A = tpu.sem_alloc : memref<!tpu.dma_semaphore, #tpu.memory_space<semaphore_mem>>
            %dma_start3A_72 = arith.constant 0 : i32
            %dma_start3A_73 = tpu.memref_slice %arg9[%add3A_48, %dma_start3A_72] : memref<40x128xi32, #tpu.memory_space<vmem>> -> memref<1x128xi32, #tpu.memory_space<vmem>>
            %dma_start3A_74 = tpu.memref_squeeze %dma_start3A_73 : memref<1x128xi32, #tpu.memory_space<vmem>> -> memref<128xi32, #tpu.memory_space<vmem>>
            %dma_start3A_75 = arith.constant 0 : i32
            %dma_start3A_76 = arith.constant 0 : i32
            %dma_start3A_77 = tpu.memref_slice %arg7[%dma_start3A_75, %dma_start3A_76] : memref<10240x128xf32, #tpu.memory_space<vmem_shared>> -> memref<10240x128xf32, #tpu.memory_space<vmem_shared>>
            tpu.enqueue_indirect_dma source(%arg11 : memref<128x128xf32, #tpu.memory_space<vmem>>) target(%dma_start3A_77 : memref<10240x128xf32, #tpu.memory_space<vmem_shared>>) offsets(%dma_start3A_74 : memref<128xi32, #tpu.memory_space<vmem>>) semaphore(%run_scoped3A : memref<!tpu.dma_semaphore, #tpu.memory_space<semaphore_mem>>) {add = true}
            %dma_wait3A_78 = arith.constant 0 : i32
            %dma_wait3A_79 = tpu.memref_slice %arg9[%add3A_48, %dma_wait3A_78] : memref<40x128xi32, #tpu.memory_space<vmem>> -> memref<1x128xi32, #tpu.memory_space<vmem>>
            %dma_wait3A_80 = tpu.memref_squeeze %dma_wait3A_79 : memref<1x128xi32, #tpu.memory_space<vmem>> -> memref<128xi32, #tpu.memory_space<vmem>>
            %dma_wait3A_81 = arith.constant 0 : i32
            %dma_wait3A_82 = arith.constant 0 : i32
            %dma_wait3A_83 = tpu.memref_slice %arg7[%dma_wait3A_81, %dma_wait3A_82] : memref<10240x128xf32, #tpu.memory_space<vmem_shared>> -> memref<10240x128xf32, #tpu.memory_space<vmem_shared>>
            tpu.wait_indirect_dma semaphore(%run_scoped3A : memref<!tpu.dma_semaphore, #tpu.memory_space<semaphore_mem>>) src(%arg11 : memref<128x128xf32, #tpu.memory_space<vmem>>) dst(%dma_wait3A_83 : memref<10240x128xf32, #tpu.memory_space<vmem_shared>>)
            tpu.yield
          }) : () -> ()
        }
        %scan3A_43 = arith.constant 20 : i32
      }
      %scan3A_29 = arith.constant 4 : i32
    } else {
    }
    %barrier3A_17 = arith.constant 0 : index
    tpu.barrier barrier_id(%barrier3A_17)
    %scan3A_18 = arith.constant 0 : i32
    %scan3A_19 = arith.constant 5 : i32
    %scan3A_20 = arith.addi %scan3A_18, %scan3A_19 : i32
    %scan3A_21 = arith.constant 1 : i32
    scf.for %scan3A_23 = %scan3A_18 to %scan3A_20 step %scan3A_21  : i32 {
      %mul3A_24 = arith.constant 128 : i32
      %mul3A_25 = arith.muli %scan3A_23, %mul3A_24 : i32
      %add3A = arith.addi %mul3A_0, %mul3A_25 : i32
      "tpu.region"() ({
        %run_scoped3A = tpu.sem_alloc : memref<!tpu.dma_semaphore, #tpu.memory_space<semaphore_mem>>
        %dma_start3A = arith.constant 0 : i32
        %dma_start3A_26 = tpu.memref_slice %arg7[%add3A, %dma_start3A] : memref<10240x128xf32, #tpu.memory_space<vmem_shared>> -> memref<128x128xf32, #tpu.memory_space<vmem_shared>>
        %dma_start3A_27 = arith.constant 0 : i32
        %dma_start3A_28 = tpu.memref_slice %arg7[%add3A, %dma_start3A_27] : memref<10240x128xf32, #tpu.memory_space<vmem_shared>> -> memref<128x128xf32, #tpu.memory_space<vmem_shared>>
        tpu.enqueue_dma source(%dma_start3A_28 : memref<128x128xf32, #tpu.memory_space<vmem_shared>>) target(%arg10 : memref<128x128xf32, #tpu.memory_space<vmem>>) target_semaphore(%run_scoped3A : memref<!tpu.dma_semaphore, #tpu.memory_space<semaphore_mem>>)
        %dma_wait3A = arith.constant 0 : i32
        %dma_wait3A_29 = tpu.memref_slice %arg7[%add3A, %dma_wait3A] : memref<10240x128xf32, #tpu.memory_space<vmem_shared>> -> memref<128x128xf32, #tpu.memory_space<vmem_shared>>
        %dma_wait3A_30 = arith.constant 0 : i32
        %dma_wait3A_31 = tpu.memref_slice %arg7[%add3A, %dma_wait3A_30] : memref<10240x128xf32, #tpu.memory_space<vmem_shared>> -> memref<128x128xf32, #tpu.memory_space<vmem_shared>>
        tpu.wait_dma2 semaphore(%run_scoped3A : memref<!tpu.dma_semaphore, #tpu.memory_space<semaphore_mem>>) src(%dma_wait3A_31 : memref<128x128xf32, #tpu.memory_space<vmem_shared>>) dst(%arg10 : memref<128x128xf32, #tpu.memory_space<vmem>>)
        tpu.yield
      }) : () -> ()
      "tpu.region"() ({
        %run_scoped3A = tpu.sem_alloc : memref<!tpu.dma_semaphore, #tpu.memory_space<semaphore_mem>>
        %dma_start3A = arith.constant 0 : i32
        %dma_start3A_26 = tpu.memref_slice %arg6[%arg0, %add3A, %dma_start3A] : memref<2x10240x128xf32, #tpu.memory_space<hbm>> -> memref<1x128x128xf32, #tpu.memory_space<hbm>>
        %dma_start3A_27 = tpu.memref_squeeze %dma_start3A_26 : memref<1x128x128xf32, #tpu.memory_space<hbm>> -> memref<128x128xf32, #tpu.memory_space<hbm>>
        %dma_start3A_28 = arith.constant 0 : i32
        %dma_start3A_29 = tpu.memref_slice %arg6[%arg0, %add3A, %dma_start3A_28] : memref<2x10240x128xf32, #tpu.memory_space<hbm>> -> memref<1x128x128xf32, #tpu.memory_space<hbm>>
        %dma_start3A_30 = tpu.memref_squeeze %dma_start3A_29 : memref<1x128x128xf32, #tpu.memory_space<hbm>> -> memref<128x128xf32, #tpu.memory_space<hbm>>
        tpu.enqueue_dma source(%arg10 : memref<128x128xf32, #tpu.memory_space<vmem>>) target(%dma_start3A_30 : memref<128x128xf32, #tpu.memory_space<hbm>>) target_semaphore(%run_scoped3A : memref<!tpu.dma_semaphore, #tpu.memory_space<semaphore_mem>>)
        %dma_wait3A = arith.constant 0 : i32
        %dma_wait3A_31 = tpu.memref_slice %arg6[%arg0, %add3A, %dma_wait3A] : memref<2x10240x128xf32, #tpu.memory_space<hbm>> -> memref<1x128x128xf32, #tpu.memory_space<hbm>>
        %dma_wait3A_32 = tpu.memref_squeeze %dma_wait3A_31 : memref<1x128x128xf32, #tpu.memory_space<hbm>> -> memref<128x128xf32, #tpu.memory_space<hbm>>
        %dma_wait3A_33 = arith.constant 0 : i32
        %dma_wait3A_34 = tpu.memref_slice %arg6[%arg0, %add3A, %dma_wait3A_33] : memref<2x10240x128xf32, #tpu.memory_space<hbm>> -> memref<1x128x128xf32, #tpu.memory_space<hbm>>
        %dma_wait3A_35 = tpu.memref_squeeze %dma_wait3A_34 : memref<1x128x128xf32, #tpu.memory_space<hbm>> -> memref<128x128xf32, #tpu.memory_space<hbm>>
        tpu.wait_dma2 semaphore(%run_scoped3A : memref<!tpu.dma_semaphore, #tpu.memory_space<semaphore_mem>>) src(%arg10 : memref<128x128xf32, #tpu.memory_space<vmem>>) dst(%dma_wait3A_35 : memref<128x128xf32, #tpu.memory_space<hbm>>)
        tpu.yield
      }) : () -> ()
    }
    %scan3A_22 = arith.constant 5 : i32
    return
  }
}

#map = affine_map<(d0, d1) -> (0, 0)>
#map1 = affine_map<(d0, d1) -> (0, 0, 0)>
module attributes {stable_mosaic.version = 14 : i64} {
  func.func @_k(%arg0: i32, %arg1: i32, %arg2: memref<10000x128xf32, #tpu.memory_space<hbm>>, %arg3: memref<10000x128xf32, #tpu.memory_space<hbm>>, %arg4: memref<10000x128xf32, #tpu.memory_space<hbm>>, %arg5: memref<2560x128xi32, #tpu.memory_space<hbm>>, %arg6: memref<2560x128xi32, #tpu.memory_space<hbm>>, %arg7: memref<2560x128xi32, #tpu.memory_space<hbm>>, %arg8: memref<4x10240x128xf32, #tpu.memory_space<hbm>>, %arg9: memref<10240x128xf32, #tpu.memory_space<vmem_shared>>, %arg10: memref<40x128xi32, #tpu.memory_space<vmem>>, %arg11: memref<40x128xi32, #tpu.memory_space<vmem>>, %arg12: memref<128x128xf32, #tpu.memory_space<vmem>>, %arg13: memref<128x128xf32, #tpu.memory_space<vmem>>, %arg14: memref<!tpu.dma_semaphore, #tpu.memory_space<semaphore_mem>>, %arg15: memref<!tpu.dma_semaphore, #tpu.memory_space<semaphore_mem>>) attributes {dimension_semantics = [#tpu.dimension_semantics<core_parallel>, #tpu.dimension_semantics<subcore_parallel>], iteration_bounds = array<i64: 2, 16>, scalar_prefetch = 0 : i64, scratch_operands = 7 : i64, tpu.core_type = #tpu.core_type<sc_vector_subcore>, window_params = [{transform_indices = #map}, {transform_indices = #map}, {transform_indices = #map}, {transform_indices = #map}, {transform_indices = #map}, {transform_indices = #map}, {transform_indices = #map1}]} {
    %mul3A = arith.constant 640 : i32
    %mul3A_0 = arith.muli %arg1, %mul3A : i32
    %scan3A = arith.constant 0 : i32
    %scan3A_1 = arith.constant 128 : i32
    %scan3A_2 = arith.addi %scan3A, %scan3A_1 : i32
    %scan3A_3 = arith.constant 1 : i32
    scf.for %scan3A_54 = %scan3A to %scan3A_2 step %scan3A_3  : i32 {
      %broadcast_in_dim3A = arith.constant 0.000000e+00 : f32
      %broadcast_in_dim3A_55 = vector.broadcast %broadcast_in_dim3A : f32 to vector<16xf32>
      %swap3A = arith.index_cast %scan3A_54 : i32 to index
      %swap3A_56 = arith.constant 0 : index
      %swap3A_57 = tpu.vector_load %arg12[%swap3A, %swap3A_56] {strides = array<i32>} : memref<128x128xf32, #tpu.memory_space<vmem>>, vector<1x16xf32>,
      %swap3A_58 = vector.shape_cast %swap3A_57 : vector<1x16xf32> to vector<16xf32>
      %swap3A_59 = vector.shape_cast %broadcast_in_dim3A_55 : vector<16xf32> to vector<1x16xf32>
      tpu.vector_store %arg12[%swap3A, %swap3A_56], %swap3A_59 {strides = array<i32>} : memref<128x128xf32, #tpu.memory_space<vmem>>, vector<1x16xf32>,
      %broadcast_in_dim3A_60 = arith.constant 0.000000e+00 : f32
      %broadcast_in_dim3A_61 = vector.broadcast %broadcast_in_dim3A_60 : f32 to vector<16xf32>
      %swap3A_62 = arith.index_cast %scan3A_54 : i32 to index
      %swap3A_63 = arith.constant 16 : index
      %swap3A_64 = tpu.vector_load %arg12[%swap3A_62, %swap3A_63] {strides = array<i32>} : memref<128x128xf32, #tpu.memory_space<vmem>>, vector<1x16xf32>,
      %swap3A_65 = vector.shape_cast %swap3A_64 : vector<1x16xf32> to vector<16xf32>
      %swap3A_66 = vector.shape_cast %broadcast_in_dim3A_61 : vector<16xf32> to vector<1x16xf32>
      tpu.vector_store %arg12[%swap3A_62, %swap3A_63], %swap3A_66 {strides = array<i32>} : memref<128x128xf32, #tpu.memory_space<vmem>>, vector<1x16xf32>,
      %broadcast_in_dim3A_67 = arith.constant 0.000000e+00 : f32
      %broadcast_in_dim3A_68 = vector.broadcast %broadcast_in_dim3A_67 : f32 to vector<16xf32>
      %swap3A_69 = arith.index_cast %scan3A_54 : i32 to index
      %swap3A_70 = arith.constant 32 : index
      %swap3A_71 = tpu.vector_load %arg12[%swap3A_69, %swap3A_70] {strides = array<i32>} : memref<128x128xf32, #tpu.memory_space<vmem>>, vector<1x16xf32>,
      %swap3A_72 = vector.shape_cast %swap3A_71 : vector<1x16xf32> to vector<16xf32>
      %swap3A_73 = vector.shape_cast %broadcast_in_dim3A_68 : vector<16xf32> to vector<1x16xf32>
      tpu.vector_store %arg12[%swap3A_69, %swap3A_70], %swap3A_73 {strides = array<i32>} : memref<128x128xf32, #tpu.memory_space<vmem>>, vector<1x16xf32>,
      %broadcast_in_dim3A_74 = arith.constant 0.000000e+00 : f32
      %broadcast_in_dim3A_75 = vector.broadcast %broadcast_in_dim3A_74 : f32 to vector<16xf32>
      %swap3A_76 = arith.index_cast %scan3A_54 : i32 to index
      %swap3A_77 = arith.constant 48 : index
      %swap3A_78 = tpu.vector_load %arg12[%swap3A_76, %swap3A_77] {strides = array<i32>} : memref<128x128xf32, #tpu.memory_space<vmem>>, vector<1x16xf32>,
      %swap3A_79 = vector.shape_cast %swap3A_78 : vector<1x16xf32> to vector<16xf32>
      %swap3A_80 = vector.shape_cast %broadcast_in_dim3A_75 : vector<16xf32> to vector<1x16xf32>
      tpu.vector_store %arg12[%swap3A_76, %swap3A_77], %swap3A_80 {strides = array<i32>} : memref<128x128xf32, #tpu.memory_space<vmem>>, vector<1x16xf32>,
      %broadcast_in_dim3A_81 = arith.constant 0.000000e+00 : f32
      %broadcast_in_dim3A_82 = vector.broadcast %broadcast_in_dim3A_81 : f32 to vector<16xf32>
      %swap3A_83 = arith.index_cast %scan3A_54 : i32 to index
      %swap3A_84 = arith.constant 64 : index
      %swap3A_85 = tpu.vector_load %arg12[%swap3A_83, %swap3A_84] {strides = array<i32>} : memref<128x128xf32, #tpu.memory_space<vmem>>, vector<1x16xf32>,
      %swap3A_86 = vector.shape_cast %swap3A_85 : vector<1x16xf32> to vector<16xf32>
      %swap3A_87 = vector.shape_cast %broadcast_in_dim3A_82 : vector<16xf32> to vector<1x16xf32>
      tpu.vector_store %arg12[%swap3A_83, %swap3A_84], %swap3A_87 {strides = array<i32>} : memref<128x128xf32, #tpu.memory_space<vmem>>, vector<1x16xf32>,
      %broadcast_in_dim3A_88 = arith.constant 0.000000e+00 : f32
      %broadcast_in_dim3A_89 = vector.broadcast %broadcast_in_dim3A_88 : f32 to vector<16xf32>
      %swap3A_90 = arith.index_cast %scan3A_54 : i32 to index
      %swap3A_91 = arith.constant 80 : index
      %swap3A_92 = tpu.vector_load %arg12[%swap3A_90, %swap3A_91] {strides = array<i32>} : memref<128x128xf32, #tpu.memory_space<vmem>>, vector<1x16xf32>,
      %swap3A_93 = vector.shape_cast %swap3A_92 : vector<1x16xf32> to vector<16xf32>
      %swap3A_94 = vector.shape_cast %broadcast_in_dim3A_89 : vector<16xf32> to vector<1x16xf32>
      tpu.vector_store %arg12[%swap3A_90, %swap3A_91], %swap3A_94 {strides = array<i32>} : memref<128x128xf32, #tpu.memory_space<vmem>>, vector<1x16xf32>,
      %broadcast_in_dim3A_95 = arith.constant 0.000000e+00 : f32
      %broadcast_in_dim3A_96 = vector.broadcast %broadcast_in_dim3A_95 : f32 to vector<16xf32>
      %swap3A_97 = arith.index_cast %scan3A_54 : i32 to index
      %swap3A_98 = arith.constant 96 : index
      %swap3A_99 = tpu.vector_load %arg12[%swap3A_97, %swap3A_98] {strides = array<i32>} : memref<128x128xf32, #tpu.memory_space<vmem>>, vector<1x16xf32>,
      %swap3A_100 = vector.shape_cast %swap3A_99 : vector<1x16xf32> to vector<16xf32>
      %swap3A_101 = vector.shape_cast %broadcast_in_dim3A_96 : vector<16xf32> to vector<1x16xf32>
      tpu.vector_store %arg12[%swap3A_97, %swap3A_98], %swap3A_101 {strides = array<i32>} : memref<128x128xf32, #tpu.memory_space<vmem>>, vector<1x16xf32>,
      %broadcast_in_dim3A_102 = arith.constant 0.000000e+00 : f32
      %broadcast_in_dim3A_103 = vector.broadcast %broadcast_in_dim3A_102 : f32 to vector<16xf32>
      %swap3A_104 = arith.index_cast %scan3A_54 : i32 to index
      %swap3A_105 = arith.constant 112 : index
      %swap3A_106 = tpu.vector_load %arg12[%swap3A_104, %swap3A_105] {strides = array<i32>} : memref<128x128xf32, #tpu.memory_space<vmem>>, vector<1x16xf32>,
      %swap3A_107 = vector.shape_cast %swap3A_106 : vector<1x16xf32> to vector<16xf32>
      %swap3A_108 = vector.shape_cast %broadcast_in_dim3A_103 : vector<16xf32> to vector<1x16xf32>
      tpu.vector_store %arg12[%swap3A_104, %swap3A_105], %swap3A_108 {strides = array<i32>} : memref<128x128xf32, #tpu.memory_space<vmem>>, vector<1x16xf32>,
    }
    %scan3A_4 = arith.constant 128 : i32
    %scan3A_5 = arith.constant 0 : i32
    %scan3A_6 = arith.constant 5 : i32
    %scan3A_7 = arith.addi %scan3A_5, %scan3A_6 : i32
    %scan3A_8 = arith.constant 1 : i32
    scf.for %scan3A_54 = %scan3A_5 to %scan3A_7 step %scan3A_8  : i32 {
      %mul3A_55 = arith.constant 128 : i32
      %mul3A_56 = arith.muli %scan3A_54, %mul3A_55 : i32
      %add3A_57 = arith.addi %mul3A_0, %mul3A_56 : i32
      "tpu.region"() ({
        %run_scoped3A = tpu.sem_alloc : memref<!tpu.dma_semaphore, #tpu.memory_space<semaphore_mem>>
        %dma_start3A = arith.constant 0 : i32
        %dma_start3A_58 = tpu.memref_slice %arg9[%add3A_57, %dma_start3A] : memref<10240x128xf32, #tpu.memory_space<vmem_shared>> -> memref<128x128xf32, #tpu.memory_space<vmem_shared>>
        %dma_start3A_59 = arith.constant 0 : i32
        %dma_start3A_60 = tpu.memref_slice %arg9[%add3A_57, %dma_start3A_59] : memref<10240x128xf32, #tpu.memory_space<vmem_shared>> -> memref<128x128xf32, #tpu.memory_space<vmem_shared>>
        tpu.enqueue_dma source(%arg12 : memref<128x128xf32, #tpu.memory_space<vmem>>) target(%dma_start3A_60 : memref<128x128xf32, #tpu.memory_space<vmem_shared>>) target_semaphore(%run_scoped3A : memref<!tpu.dma_semaphore, #tpu.memory_space<semaphore_mem>>)
        %dma_wait3A = arith.constant 0 : i32
        %dma_wait3A_61 = tpu.memref_slice %arg9[%add3A_57, %dma_wait3A] : memref<10240x128xf32, #tpu.memory_space<vmem_shared>> -> memref<128x128xf32, #tpu.memory_space<vmem_shared>>
        %dma_wait3A_62 = arith.constant 0 : i32
        %dma_wait3A_63 = tpu.memref_slice %arg9[%add3A_57, %dma_wait3A_62] : memref<10240x128xf32, #tpu.memory_space<vmem_shared>> -> memref<128x128xf32, #tpu.memory_space<vmem_shared>>
        tpu.wait_dma2 semaphore(%run_scoped3A : memref<!tpu.dma_semaphore, #tpu.memory_space<semaphore_mem>>) src(%arg12 : memref<128x128xf32, #tpu.memory_space<vmem>>) dst(%dma_wait3A_63 : memref<128x128xf32, #tpu.memory_space<vmem_shared>>)
        tpu.yield
      }) : () -> ()
    }
    %scan3A_9 = arith.constant 5 : i32
    %barrier3A = arith.constant 0 : index
    tpu.barrier barrier_id(%barrier3A)
    %mul3A_10 = arith.constant 160 : i32
    %mul3A_11 = arith.muli %arg1, %mul3A_10 : i32
    %eq3A = arith.constant 0 : i32
    %eq3A_12 = arith.cmpi eq, %arg0, %eq3A : i32
    %convert_element_type3A = arith.extui %eq3A_12 : i1 to i32
    %cond3A = arith.constant 0 : i32
    %cond3A_13 = arith.cmpi ne, %convert_element_type3A, %cond3A : i32
    scf.if %cond3A_13 {
      %scan3A_54 = arith.constant 0 : i32
      %scan3A_55 = arith.constant 4 : i32
      %scan3A_56 = arith.addi %scan3A_54, %scan3A_55 : i32
      %scan3A_57 = arith.constant 1 : i32
      scf.for %scan3A_59 = %scan3A_54 to %scan3A_56 step %scan3A_57  : i32 {
        %mul3A_60 = arith.constant 40 : i32
        %mul3A_61 = arith.muli %scan3A_59, %mul3A_60 : i32
        %add3A_62 = arith.addi %mul3A_11, %mul3A_61 : i32
        "tpu.region"() ({
          %run_scoped3A = tpu.sem_alloc : memref<!tpu.dma_semaphore, #tpu.memory_space<semaphore_mem>>
          %dma_start3A_74 = arith.constant 0 : i32
          %dma_start3A_75 = arith.constant 0 : i32
          %dma_start3A_76 = tpu.memref_slice %arg10[%dma_start3A_74, %dma_start3A_75] : memref<40x128xi32, #tpu.memory_space<vmem>> -> memref<40x128xi32, #tpu.memory_space<vmem>>
          %dma_start3A_77 = arith.constant 0 : i32
          %dma_start3A_78 = tpu.memref_slice %arg5[%add3A_62, %dma_start3A_77] : memref<2560x128xi32, #tpu.memory_space<hbm>> -> memref<40x128xi32, #tpu.memory_space<hbm>>
          %dma_start3A_79 = arith.constant 0 : i32
          %dma_start3A_80 = arith.constant 0 : i32
          %dma_start3A_81 = tpu.memref_slice %arg10[%dma_start3A_79, %dma_start3A_80] : memref<40x128xi32, #tpu.memory_space<vmem>> -> memref<40x128xi32, #tpu.memory_space<vmem>>
          %dma_start3A_82 = arith.constant 0 : i32
          %dma_start3A_83 = tpu.memref_slice %arg5[%add3A_62, %dma_start3A_82] : memref<2560x128xi32, #tpu.memory_space<hbm>> -> memref<40x128xi32, #tpu.memory_space<hbm>>
          tpu.enqueue_dma source(%dma_start3A_83 : memref<40x128xi32, #tpu.memory_space<hbm>>) target(%dma_start3A_81 : memref<40x128xi32, #tpu.memory_space<vmem>>) target_semaphore(%run_scoped3A : memref<!tpu.dma_semaphore, #tpu.memory_space<semaphore_mem>>)
          %dma_wait3A = arith.constant 0 : i32
          %dma_wait3A_84 = arith.constant 0 : i32
          %dma_wait3A_85 = tpu.memref_slice %arg10[%dma_wait3A, %dma_wait3A_84] : memref<40x128xi32, #tpu.memory_space<vmem>> -> memref<40x128xi32, #tpu.memory_space<vmem>>
          %dma_wait3A_86 = arith.constant 0 : i32
          %dma_wait3A_87 = tpu.memref_slice %arg5[%add3A_62, %dma_wait3A_86] : memref<2560x128xi32, #tpu.memory_space<hbm>> -> memref<40x128xi32, #tpu.memory_space<hbm>>
          %dma_wait3A_88 = arith.constant 0 : i32
          %dma_wait3A_89 = arith.constant 0 : i32
          %dma_wait3A_90 = tpu.memref_slice %arg10[%dma_wait3A_88, %dma_wait3A_89] : memref<40x128xi32, #tpu.memory_space<vmem>> -> memref<40x128xi32, #tpu.memory_space<vmem>>
          %dma_wait3A_91 = arith.constant 0 : i32
          %dma_wait3A_92 = tpu.memref_slice %arg5[%add3A_62, %dma_wait3A_91] : memref<2560x128xi32, #tpu.memory_space<hbm>> -> memref<40x128xi32, #tpu.memory_space<hbm>>
          tpu.wait_dma2 semaphore(%run_scoped3A : memref<!tpu.dma_semaphore, #tpu.memory_space<semaphore_mem>>) src(%dma_wait3A_92 : memref<40x128xi32, #tpu.memory_space<hbm>>) dst(%dma_wait3A_90 : memref<40x128xi32, #tpu.memory_space<vmem>>)
          tpu.yield
        }) : () -> ()
        "tpu.region"() ({
          %run_scoped3A = tpu.sem_alloc : memref<!tpu.dma_semaphore, #tpu.memory_space<semaphore_mem>>
          %dma_start3A_74 = arith.constant 0 : i32
          %dma_start3A_75 = arith.constant 0 : i32
          %dma_start3A_76 = tpu.memref_slice %arg11[%dma_start3A_74, %dma_start3A_75] : memref<40x128xi32, #tpu.memory_space<vmem>> -> memref<40x128xi32, #tpu.memory_space<vmem>>
          %dma_start3A_77 = arith.constant 0 : i32
          %dma_start3A_78 = tpu.memref_slice %arg6[%add3A_62, %dma_start3A_77] : memref<2560x128xi32, #tpu.memory_space<hbm>> -> memref<40x128xi32, #tpu.memory_space<hbm>>
          %dma_start3A_79 = arith.constant 0 : i32
          %dma_start3A_80 = arith.constant 0 : i32
          %dma_start3A_81 = tpu.memref_slice %arg11[%dma_start3A_79, %dma_start3A_80] : memref<40x128xi32, #tpu.memory_space<vmem>> -> memref<40x128xi32, #tpu.memory_space<vmem>>
          %dma_start3A_82 = arith.constant 0 : i32
          %dma_start3A_83 = tpu.memref_slice %arg6[%add3A_62, %dma_start3A_82] : memref<2560x128xi32, #tpu.memory_space<hbm>> -> memref<40x128xi32, #tpu.memory_space<hbm>>
          tpu.enqueue_dma source(%dma_start3A_83 : memref<40x128xi32, #tpu.memory_space<hbm>>) target(%dma_start3A_81 : memref<40x128xi32, #tpu.memory_space<vmem>>) target_semaphore(%run_scoped3A : memref<!tpu.dma_semaphore, #tpu.memory_space<semaphore_mem>>)
          %dma_wait3A = arith.constant 0 : i32
          %dma_wait3A_84 = arith.constant 0 : i32
          %dma_wait3A_85 = tpu.memref_slice %arg11[%dma_wait3A, %dma_wait3A_84] : memref<40x128xi32, #tpu.memory_space<vmem>> -> memref<40x128xi32, #tpu.memory_space<vmem>>
          %dma_wait3A_86 = arith.constant 0 : i32
          %dma_wait3A_87 = tpu.memref_slice %arg6[%add3A_62, %dma_wait3A_86] : memref<2560x128xi32, #tpu.memory_space<hbm>> -> memref<40x128xi32, #tpu.memory_space<hbm>>
          %dma_wait3A_88 = arith.constant 0 : i32
          %dma_wait3A_89 = arith.constant 0 : i32
          %dma_wait3A_90 = tpu.memref_slice %arg11[%dma_wait3A_88, %dma_wait3A_89] : memref<40x128xi32, #tpu.memory_space<vmem>> -> memref<40x128xi32, #tpu.memory_space<vmem>>
          %dma_wait3A_91 = arith.constant 0 : i32
          %dma_wait3A_92 = tpu.memref_slice %arg6[%add3A_62, %dma_wait3A_91] : memref<2560x128xi32, #tpu.memory_space<hbm>> -> memref<40x128xi32, #tpu.memory_space<hbm>>
          tpu.wait_dma2 semaphore(%run_scoped3A : memref<!tpu.dma_semaphore, #tpu.memory_space<semaphore_mem>>) src(%dma_wait3A_92 : memref<40x128xi32, #tpu.memory_space<hbm>>) dst(%dma_wait3A_90 : memref<40x128xi32, #tpu.memory_space<vmem>>)
          tpu.yield
        }) : () -> ()
        %dma_start3A = arith.constant 0 : i32
        %dma_start3A_63 = arith.constant 0 : i32
        %dma_start3A_64 = tpu.memref_slice %arg10[%dma_start3A, %dma_start3A_63] : memref<40x128xi32, #tpu.memory_space<vmem>> -> memref<1x128xi32, #tpu.memory_space<vmem>>
        %dma_start3A_65 = tpu.memref_squeeze %dma_start3A_64 : memref<1x128xi32, #tpu.memory_space<vmem>> -> memref<128xi32, #tpu.memory_space<vmem>>
        %dma_start3A_66 = arith.constant 0 : i32
        %dma_start3A_67 = arith.constant 0 : i32
        %dma_start3A_68 = tpu.memref_slice %arg2[%dma_start3A_66, %dma_start3A_67] : memref<10000x128xf32, #tpu.memory_space<hbm>> -> memref<10000x128xf32, #tpu.memory_space<hbm>>
        tpu.enqueue_indirect_dma source(%dma_start3A_68 : memref<10000x128xf32, #tpu.memory_space<hbm>>) target(%arg12 : memref<128x128xf32, #tpu.memory_space<vmem>>) offsets(%dma_start3A_65 : memref<128xi32, #tpu.memory_space<vmem>>) semaphore(%arg14 : memref<!tpu.dma_semaphore, #tpu.memory_space<semaphore_mem>>)
        %scan3A_69 = arith.constant 0 : i32
        %scan3A_70 = arith.constant 20 : i32
        %scan3A_71 = arith.addi %scan3A_69, %scan3A_70 : i32
        %scan3A_72 = arith.constant 1 : i32
        scf.for %scan3A_74 = %scan3A_69 to %scan3A_71 step %scan3A_72  : i32 {
          %mul3A_75 = arith.constant 2 : i32
          %mul3A_76 = arith.muli %mul3A_75, %scan3A_74 : i32
          %add3A_77 = arith.constant 1 : i32
          %add3A_78 = arith.addi %mul3A_76, %add3A_77 : i32
          %add3A_79 = arith.constant 2 : i32
          %add3A_80 = arith.addi %mul3A_76, %add3A_79 : i32
          %dma_start3A_81 = arith.constant 0 : i32
          %dma_start3A_82 = tpu.memref_slice %arg10[%add3A_78, %dma_start3A_81] : memref<40x128xi32, #tpu.memory_space<vmem>> -> memref<1x128xi32, #tpu.memory_space<vmem>>
          %dma_start3A_83 = tpu.memref_squeeze %dma_start3A_82 : memref<1x128xi32, #tpu.memory_space<vmem>> -> memref<128xi32, #tpu.memory_space<vmem>>
          %dma_start3A_84 = arith.constant 0 : i32
          %dma_start3A_85 = arith.constant 0 : i32
          %dma_start3A_86 = tpu.memref_slice %arg2[%dma_start3A_84, %dma_start3A_85] : memref<10000x128xf32, #tpu.memory_space<hbm>> -> memref<10000x128xf32, #tpu.memory_space<hbm>>
          tpu.enqueue_indirect_dma source(%dma_start3A_86 : memref<10000x128xf32, #tpu.memory_space<hbm>>) target(%arg13 : memref<128x128xf32, #tpu.memory_space<vmem>>) offsets(%dma_start3A_83 : memref<128xi32, #tpu.memory_space<vmem>>) semaphore(%arg15 : memref<!tpu.dma_semaphore, #tpu.memory_space<semaphore_mem>>)
          %dma_wait3A = arith.constant 0 : i32
          %dma_wait3A_87 = tpu.memref_slice %arg10[%mul3A_76, %dma_wait3A] : memref<40x128xi32, #tpu.memory_space<vmem>> -> memref<1x128xi32, #tpu.memory_space<vmem>>
          %dma_wait3A_88 = tpu.memref_squeeze %dma_wait3A_87 : memref<1x128xi32, #tpu.memory_space<vmem>> -> memref<128xi32, #tpu.memory_space<vmem>>
          %dma_wait3A_89 = arith.constant 0 : i32
          %dma_wait3A_90 = arith.constant 0 : i32
          %dma_wait3A_91 = tpu.memref_slice %arg2[%dma_wait3A_89, %dma_wait3A_90] : memref<10000x128xf32, #tpu.memory_space<hbm>> -> memref<10000x128xf32, #tpu.memory_space<hbm>>
          tpu.wait_indirect_dma semaphore(%arg14 : memref<!tpu.dma_semaphore, #tpu.memory_space<semaphore_mem>>) src(%dma_wait3A_91 : memref<10000x128xf32, #tpu.memory_space<hbm>>) dst(%arg12 : memref<128x128xf32, #tpu.memory_space<vmem>>)
          "tpu.region"() ({
            %run_scoped3A = tpu.sem_alloc : memref<!tpu.dma_semaphore, #tpu.memory_space<semaphore_mem>>
            %dma_start3A_102 = arith.constant 0 : i32
            %dma_start3A_103 = tpu.memref_slice %arg11[%mul3A_76, %dma_start3A_102] : memref<40x128xi32, #tpu.memory_space<vmem>> -> memref<1x128xi32, #tpu.memory_space<vmem>>
            %dma_start3A_104 = tpu.memref_squeeze %dma_start3A_103 : memref<1x128xi32, #tpu.memory_space<vmem>> -> memref<128xi32, #tpu.memory_space<vmem>>
            %dma_start3A_105 = arith.constant 0 : i32
            %dma_start3A_106 = arith.constant 0 : i32
            %dma_start3A_107 = tpu.memref_slice %arg9[%dma_start3A_105, %dma_start3A_106] : memref<10240x128xf32, #tpu.memory_space<vmem_shared>> -> memref<10240x128xf32, #tpu.memory_space<vmem_shared>>
            tpu.enqueue_indirect_dma source(%arg12 : memref<128x128xf32, #tpu.memory_space<vmem>>) target(%dma_start3A_107 : memref<10240x128xf32, #tpu.memory_space<vmem_shared>>) offsets(%dma_start3A_104 : memref<128xi32, #tpu.memory_space<vmem>>) semaphore(%run_scoped3A : memref<!tpu.dma_semaphore, #tpu.memory_space<semaphore_mem>>) {add = true}
            %dma_wait3A_108 = arith.constant 0 : i32
            %dma_wait3A_109 = tpu.memref_slice %arg11[%mul3A_76, %dma_wait3A_108] : memref<40x128xi32, #tpu.memory_space<vmem>> -> memref<1x128xi32, #tpu.memory_space<vmem>>
            %dma_wait3A_110 = tpu.memref_squeeze %dma_wait3A_109 : memref<1x128xi32, #tpu.memory_space<vmem>> -> memref<128xi32, #tpu.memory_space<vmem>>
            %dma_wait3A_111 = arith.constant 0 : i32
            %dma_wait3A_112 = arith.constant 0 : i32
            %dma_wait3A_113 = tpu.memref_slice %arg9[%dma_wait3A_111, %dma_wait3A_112] : memref<10240x128xf32, #tpu.memory_space<vmem_shared>> -> memref<10240x128xf32, #tpu.memory_space<vmem_shared>>
            tpu.wait_indirect_dma semaphore(%run_scoped3A : memref<!tpu.dma_semaphore, #tpu.memory_space<semaphore_mem>>) src(%arg12 : memref<128x128xf32, #tpu.memory_space<vmem>>) dst(%dma_wait3A_113 : memref<10240x128xf32, #tpu.memory_space<vmem_shared>>)
            tpu.yield
          }) : () -> ()
          %lt3A = arith.constant 40 : i32
          %lt3A_92 = arith.cmpi slt, %add3A_80, %lt3A : i32
          %convert_element_type3A_93 = arith.extui %lt3A_92 : i1 to i32
          %cond3A_94 = arith.constant 0 : i32
          %cond3A_95 = arith.cmpi ne, %convert_element_type3A_93, %cond3A_94 : i32
          scf.if %cond3A_95 {
            %dma_start3A_102 = arith.constant 0 : i32
            %dma_start3A_103 = tpu.memref_slice %arg10[%add3A_80, %dma_start3A_102] : memref<40x128xi32, #tpu.memory_space<vmem>> -> memref<1x128xi32, #tpu.memory_space<vmem>>
            %dma_start3A_104 = tpu.memref_squeeze %dma_start3A_103 : memref<1x128xi32, #tpu.memory_space<vmem>> -> memref<128xi32, #tpu.memory_space<vmem>>
            %dma_start3A_105 = arith.constant 0 : i32
            %dma_start3A_106 = arith.constant 0 : i32
            %dma_start3A_107 = tpu.memref_slice %arg2[%dma_start3A_105, %dma_start3A_106] : memref<10000x128xf32, #tpu.memory_space<hbm>> -> memref<10000x128xf32, #tpu.memory_space<hbm>>
            tpu.enqueue_indirect_dma source(%dma_start3A_107 : memref<10000x128xf32, #tpu.memory_space<hbm>>) target(%arg12 : memref<128x128xf32, #tpu.memory_space<vmem>>) offsets(%dma_start3A_104 : memref<128xi32, #tpu.memory_space<vmem>>) semaphore(%arg14 : memref<!tpu.dma_semaphore, #tpu.memory_space<semaphore_mem>>)
          } else {
          }
          %dma_wait3A_96 = arith.constant 0 : i32
          %dma_wait3A_97 = tpu.memref_slice %arg10[%add3A_78, %dma_wait3A_96] : memref<40x128xi32, #tpu.memory_space<vmem>> -> memref<1x128xi32, #tpu.memory_space<vmem>>
          %dma_wait3A_98 = tpu.memref_squeeze %dma_wait3A_97 : memref<1x128xi32, #tpu.memory_space<vmem>> -> memref<128xi32, #tpu.memory_space<vmem>>
          %dma_wait3A_99 = arith.constant 0 : i32
          %dma_wait3A_100 = arith.constant 0 : i32
          %dma_wait3A_101 = tpu.memref_slice %arg2[%dma_wait3A_99, %dma_wait3A_100] : memref<10000x128xf32, #tpu.memory_space<hbm>> -> memref<10000x128xf32, #tpu.memory_space<hbm>>
          tpu.wait_indirect_dma semaphore(%arg15 : memref<!tpu.dma_semaphore, #tpu.memory_space<semaphore_mem>>) src(%dma_wait3A_101 : memref<10000x128xf32, #tpu.memory_space<hbm>>) dst(%arg13 : memref<128x128xf32, #tpu.memory_space<vmem>>)
          "tpu.region"() ({
            %run_scoped3A = tpu.sem_alloc : memref<!tpu.dma_semaphore, #tpu.memory_space<semaphore_mem>>
            %dma_start3A_102 = arith.constant 0 : i32
            %dma_start3A_103 = tpu.memref_slice %arg11[%add3A_78, %dma_start3A_102] : memref<40x128xi32, #tpu.memory_space<vmem>> -> memref<1x128xi32, #tpu.memory_space<vmem>>
            %dma_start3A_104 = tpu.memref_squeeze %dma_start3A_103 : memref<1x128xi32, #tpu.memory_space<vmem>> -> memref<128xi32, #tpu.memory_space<vmem>>
            %dma_start3A_105 = arith.constant 0 : i32
            %dma_start3A_106 = arith.constant 0 : i32
            %dma_start3A_107 = tpu.memref_slice %arg9[%dma_start3A_105, %dma_start3A_106] : memref<10240x128xf32, #tpu.memory_space<vmem_shared>> -> memref<10240x128xf32, #tpu.memory_space<vmem_shared>>
            tpu.enqueue_indirect_dma source(%arg13 : memref<128x128xf32, #tpu.memory_space<vmem>>) target(%dma_start3A_107 : memref<10240x128xf32, #tpu.memory_space<vmem_shared>>) offsets(%dma_start3A_104 : memref<128xi32, #tpu.memory_space<vmem>>) semaphore(%run_scoped3A : memref<!tpu.dma_semaphore, #tpu.memory_space<semaphore_mem>>) {add = true}
            %dma_wait3A_108 = arith.constant 0 : i32
            %dma_wait3A_109 = tpu.memref_slice %arg11[%add3A_78, %dma_wait3A_108] : memref<40x128xi32, #tpu.memory_space<vmem>> -> memref<1x128xi32, #tpu.memory_space<vmem>>
            %dma_wait3A_110 = tpu.memref_squeeze %dma_wait3A_109 : memref<1x128xi32, #tpu.memory_space<vmem>> -> memref<128xi32, #tpu.memory_space<vmem>>
            %dma_wait3A_111 = arith.constant 0 : i32
            %dma_wait3A_112 = arith.constant 0 : i32
            %dma_wait3A_113 = tpu.memref_slice %arg9[%dma_wait3A_111, %dma_wait3A_112] : memref<10240x128xf32, #tpu.memory_space<vmem_shared>> -> memref<10240x128xf32, #tpu.memory_space<vmem_shared>>
            tpu.wait_indirect_dma semaphore(%run_scoped3A : memref<!tpu.dma_semaphore, #tpu.memory_space<semaphore_mem>>) src(%arg13 : memref<128x128xf32, #tpu.memory_space<vmem>>) dst(%dma_wait3A_113 : memref<10240x128xf32, #tpu.memory_space<vmem_shared>>)
            tpu.yield
          }) : () -> ()
        }
        %scan3A_73 = arith.constant 20 : i32
      }
      %scan3A_58 = arith.constant 4 : i32
    } else {
    }
    %eq3A_14 = arith.constant 1 : i32
    %eq3A_15 = arith.cmpi eq, %arg0, %eq3A_14 : i32
    %convert_element_type3A_16 = arith.extui %eq3A_15 : i1 to i32
    %cond3A_17 = arith.constant 0 : i32
    %cond3A_18 = arith.cmpi ne, %convert_element_type3A_16, %cond3A_17 : i32
    scf.if %cond3A_18 {
      %scan3A_54 = arith.constant 0 : i32
      %scan3A_55 = arith.constant 4 : i32
      %scan3A_56 = arith.addi %scan3A_54, %scan3A_55 : i32
      %scan3A_57 = arith.constant 1 : i32
      scf.for %scan3A_59 = %scan3A_54 to %scan3A_56 step %scan3A_57  : i32 {
        %mul3A_60 = arith.constant 40 : i32
        %mul3A_61 = arith.muli %scan3A_59, %mul3A_60 : i32
        %add3A_62 = arith.addi %mul3A_11, %mul3A_61 : i32
        "tpu.region"() ({
          %run_scoped3A = tpu.sem_alloc : memref<!tpu.dma_semaphore, #tpu.memory_space<semaphore_mem>>
          %dma_start3A_74 = arith.constant 0 : i32
          %dma_start3A_75 = arith.constant 0 : i32
          %dma_start3A_76 = tpu.memref_slice %arg10[%dma_start3A_74, %dma_start3A_75] : memref<40x128xi32, #tpu.memory_space<vmem>> -> memref<40x128xi32, #tpu.memory_space<vmem>>
          %dma_start3A_77 = arith.constant 0 : i32
          %dma_start3A_78 = tpu.memref_slice %arg5[%add3A_62, %dma_start3A_77] : memref<2560x128xi32, #tpu.memory_space<hbm>> -> memref<40x128xi32, #tpu.memory_space<hbm>>
          %dma_start3A_79 = arith.constant 0 : i32
          %dma_start3A_80 = arith.constant 0 : i32
          %dma_start3A_81 = tpu.memref_slice %arg10[%dma_start3A_79, %dma_start3A_80] : memref<40x128xi32, #tpu.memory_space<vmem>> -> memref<40x128xi32, #tpu.memory_space<vmem>>
          %dma_start3A_82 = arith.constant 0 : i32
          %dma_start3A_83 = tpu.memref_slice %arg5[%add3A_62, %dma_start3A_82] : memref<2560x128xi32, #tpu.memory_space<hbm>> -> memref<40x128xi32, #tpu.memory_space<hbm>>
          tpu.enqueue_dma source(%dma_start3A_83 : memref<40x128xi32, #tpu.memory_space<hbm>>) target(%dma_start3A_81 : memref<40x128xi32, #tpu.memory_space<vmem>>) target_semaphore(%run_scoped3A : memref<!tpu.dma_semaphore, #tpu.memory_space<semaphore_mem>>)
          %dma_wait3A = arith.constant 0 : i32
          %dma_wait3A_84 = arith.constant 0 : i32
          %dma_wait3A_85 = tpu.memref_slice %arg10[%dma_wait3A, %dma_wait3A_84] : memref<40x128xi32, #tpu.memory_space<vmem>> -> memref<40x128xi32, #tpu.memory_space<vmem>>
          %dma_wait3A_86 = arith.constant 0 : i32
          %dma_wait3A_87 = tpu.memref_slice %arg5[%add3A_62, %dma_wait3A_86] : memref<2560x128xi32, #tpu.memory_space<hbm>> -> memref<40x128xi32, #tpu.memory_space<hbm>>
          %dma_wait3A_88 = arith.constant 0 : i32
          %dma_wait3A_89 = arith.constant 0 : i32
          %dma_wait3A_90 = tpu.memref_slice %arg10[%dma_wait3A_88, %dma_wait3A_89] : memref<40x128xi32, #tpu.memory_space<vmem>> -> memref<40x128xi32, #tpu.memory_space<vmem>>
          %dma_wait3A_91 = arith.constant 0 : i32
          %dma_wait3A_92 = tpu.memref_slice %arg5[%add3A_62, %dma_wait3A_91] : memref<2560x128xi32, #tpu.memory_space<hbm>> -> memref<40x128xi32, #tpu.memory_space<hbm>>
          tpu.wait_dma2 semaphore(%run_scoped3A : memref<!tpu.dma_semaphore, #tpu.memory_space<semaphore_mem>>) src(%dma_wait3A_92 : memref<40x128xi32, #tpu.memory_space<hbm>>) dst(%dma_wait3A_90 : memref<40x128xi32, #tpu.memory_space<vmem>>)
          tpu.yield
        }) : () -> ()
        "tpu.region"() ({
          %run_scoped3A = tpu.sem_alloc : memref<!tpu.dma_semaphore, #tpu.memory_space<semaphore_mem>>
          %dma_start3A_74 = arith.constant 0 : i32
          %dma_start3A_75 = arith.constant 0 : i32
          %dma_start3A_76 = tpu.memref_slice %arg11[%dma_start3A_74, %dma_start3A_75] : memref<40x128xi32, #tpu.memory_space<vmem>> -> memref<40x128xi32, #tpu.memory_space<vmem>>
          %dma_start3A_77 = arith.constant 0 : i32
          %dma_start3A_78 = tpu.memref_slice %arg6[%add3A_62, %dma_start3A_77] : memref<2560x128xi32, #tpu.memory_space<hbm>> -> memref<40x128xi32, #tpu.memory_space<hbm>>
          %dma_start3A_79 = arith.constant 0 : i32
          %dma_start3A_80 = arith.constant 0 : i32
          %dma_start3A_81 = tpu.memref_slice %arg11[%dma_start3A_79, %dma_start3A_80] : memref<40x128xi32, #tpu.memory_space<vmem>> -> memref<40x128xi32, #tpu.memory_space<vmem>>
          %dma_start3A_82 = arith.constant 0 : i32
          %dma_start3A_83 = tpu.memref_slice %arg6[%add3A_62, %dma_start3A_82] : memref<2560x128xi32, #tpu.memory_space<hbm>> -> memref<40x128xi32, #tpu.memory_space<hbm>>
          tpu.enqueue_dma source(%dma_start3A_83 : memref<40x128xi32, #tpu.memory_space<hbm>>) target(%dma_start3A_81 : memref<40x128xi32, #tpu.memory_space<vmem>>) target_semaphore(%run_scoped3A : memref<!tpu.dma_semaphore, #tpu.memory_space<semaphore_mem>>)
          %dma_wait3A = arith.constant 0 : i32
          %dma_wait3A_84 = arith.constant 0 : i32
          %dma_wait3A_85 = tpu.memref_slice %arg11[%dma_wait3A, %dma_wait3A_84] : memref<40x128xi32, #tpu.memory_space<vmem>> -> memref<40x128xi32, #tpu.memory_space<vmem>>
          %dma_wait3A_86 = arith.constant 0 : i32
          %dma_wait3A_87 = tpu.memref_slice %arg6[%add3A_62, %dma_wait3A_86] : memref<2560x128xi32, #tpu.memory_space<hbm>> -> memref<40x128xi32, #tpu.memory_space<hbm>>
          %dma_wait3A_88 = arith.constant 0 : i32
          %dma_wait3A_89 = arith.constant 0 : i32
          %dma_wait3A_90 = tpu.memref_slice %arg11[%dma_wait3A_88, %dma_wait3A_89] : memref<40x128xi32, #tpu.memory_space<vmem>> -> memref<40x128xi32, #tpu.memory_space<vmem>>
          %dma_wait3A_91 = arith.constant 0 : i32
          %dma_wait3A_92 = tpu.memref_slice %arg6[%add3A_62, %dma_wait3A_91] : memref<2560x128xi32, #tpu.memory_space<hbm>> -> memref<40x128xi32, #tpu.memory_space<hbm>>
          tpu.wait_dma2 semaphore(%run_scoped3A : memref<!tpu.dma_semaphore, #tpu.memory_space<semaphore_mem>>) src(%dma_wait3A_92 : memref<40x128xi32, #tpu.memory_space<hbm>>) dst(%dma_wait3A_90 : memref<40x128xi32, #tpu.memory_space<vmem>>)
          tpu.yield
        }) : () -> ()
        %dma_start3A = arith.constant 0 : i32
        %dma_start3A_63 = arith.constant 0 : i32
        %dma_start3A_64 = tpu.memref_slice %arg10[%dma_start3A, %dma_start3A_63] : memref<40x128xi32, #tpu.memory_space<vmem>> -> memref<1x128xi32, #tpu.memory_space<vmem>>
        %dma_start3A_65 = tpu.memref_squeeze %dma_start3A_64 : memref<1x128xi32, #tpu.memory_space<vmem>> -> memref<128xi32, #tpu.memory_space<vmem>>
        %dma_start3A_66 = arith.constant 0 : i32
        %dma_start3A_67 = arith.constant 0 : i32
        %dma_start3A_68 = tpu.memref_slice %arg3[%dma_start3A_66, %dma_start3A_67] : memref<10000x128xf32, #tpu.memory_space<hbm>> -> memref<10000x128xf32, #tpu.memory_space<hbm>>
        tpu.enqueue_indirect_dma source(%dma_start3A_68 : memref<10000x128xf32, #tpu.memory_space<hbm>>) target(%arg12 : memref<128x128xf32, #tpu.memory_space<vmem>>) offsets(%dma_start3A_65 : memref<128xi32, #tpu.memory_space<vmem>>) semaphore(%arg14 : memref<!tpu.dma_semaphore, #tpu.memory_space<semaphore_mem>>)
        %scan3A_69 = arith.constant 0 : i32
        %scan3A_70 = arith.constant 20 : i32
        %scan3A_71 = arith.addi %scan3A_69, %scan3A_70 : i32
        %scan3A_72 = arith.constant 1 : i32
        scf.for %scan3A_74 = %scan3A_69 to %scan3A_71 step %scan3A_72  : i32 {
          %mul3A_75 = arith.constant 2 : i32
          %mul3A_76 = arith.muli %mul3A_75, %scan3A_74 : i32
          %add3A_77 = arith.constant 1 : i32
          %add3A_78 = arith.addi %mul3A_76, %add3A_77 : i32
          %add3A_79 = arith.constant 2 : i32
          %add3A_80 = arith.addi %mul3A_76, %add3A_79 : i32
          %dma_start3A_81 = arith.constant 0 : i32
          %dma_start3A_82 = tpu.memref_slice %arg10[%add3A_78, %dma_start3A_81] : memref<40x128xi32, #tpu.memory_space<vmem>> -> memref<1x128xi32, #tpu.memory_space<vmem>>
          %dma_start3A_83 = tpu.memref_squeeze %dma_start3A_82 : memref<1x128xi32, #tpu.memory_space<vmem>> -> memref<128xi32, #tpu.memory_space<vmem>>
          %dma_start3A_84 = arith.constant 0 : i32
          %dma_start3A_85 = arith.constant 0 : i32
          %dma_start3A_86 = tpu.memref_slice %arg3[%dma_start3A_84, %dma_start3A_85] : memref<10000x128xf32, #tpu.memory_space<hbm>> -> memref<10000x128xf32, #tpu.memory_space<hbm>>
          tpu.enqueue_indirect_dma source(%dma_start3A_86 : memref<10000x128xf32, #tpu.memory_space<hbm>>) target(%arg13 : memref<128x128xf32, #tpu.memory_space<vmem>>) offsets(%dma_start3A_83 : memref<128xi32, #tpu.memory_space<vmem>>) semaphore(%arg15 : memref<!tpu.dma_semaphore, #tpu.memory_space<semaphore_mem>>)
          %dma_wait3A = arith.constant 0 : i32
          %dma_wait3A_87 = tpu.memref_slice %arg10[%mul3A_76, %dma_wait3A] : memref<40x128xi32, #tpu.memory_space<vmem>> -> memref<1x128xi32, #tpu.memory_space<vmem>>
          %dma_wait3A_88 = tpu.memref_squeeze %dma_wait3A_87 : memref<1x128xi32, #tpu.memory_space<vmem>> -> memref<128xi32, #tpu.memory_space<vmem>>
          %dma_wait3A_89 = arith.constant 0 : i32
          %dma_wait3A_90 = arith.constant 0 : i32
          %dma_wait3A_91 = tpu.memref_slice %arg3[%dma_wait3A_89, %dma_wait3A_90] : memref<10000x128xf32, #tpu.memory_space<hbm>> -> memref<10000x128xf32, #tpu.memory_space<hbm>>
          tpu.wait_indirect_dma semaphore(%arg14 : memref<!tpu.dma_semaphore, #tpu.memory_space<semaphore_mem>>) src(%dma_wait3A_91 : memref<10000x128xf32, #tpu.memory_space<hbm>>) dst(%arg12 : memref<128x128xf32, #tpu.memory_space<vmem>>)
          "tpu.region"() ({
            %run_scoped3A = tpu.sem_alloc : memref<!tpu.dma_semaphore, #tpu.memory_space<semaphore_mem>>
            %dma_start3A_102 = arith.constant 0 : i32
            %dma_start3A_103 = tpu.memref_slice %arg11[%mul3A_76, %dma_start3A_102] : memref<40x128xi32, #tpu.memory_space<vmem>> -> memref<1x128xi32, #tpu.memory_space<vmem>>
            %dma_start3A_104 = tpu.memref_squeeze %dma_start3A_103 : memref<1x128xi32, #tpu.memory_space<vmem>> -> memref<128xi32, #tpu.memory_space<vmem>>
            %dma_start3A_105 = arith.constant 0 : i32
            %dma_start3A_106 = arith.constant 0 : i32
            %dma_start3A_107 = tpu.memref_slice %arg9[%dma_start3A_105, %dma_start3A_106] : memref<10240x128xf32, #tpu.memory_space<vmem_shared>> -> memref<10240x128xf32, #tpu.memory_space<vmem_shared>>
            tpu.enqueue_indirect_dma source(%arg12 : memref<128x128xf32, #tpu.memory_space<vmem>>) target(%dma_start3A_107 : memref<10240x128xf32, #tpu.memory_space<vmem_shared>>) offsets(%dma_start3A_104 : memref<128xi32, #tpu.memory_space<vmem>>) semaphore(%run_scoped3A : memref<!tpu.dma_semaphore, #tpu.memory_space<semaphore_mem>>) {add = true}
            %dma_wait3A_108 = arith.constant 0 : i32
            %dma_wait3A_109 = tpu.memref_slice %arg11[%mul3A_76, %dma_wait3A_108] : memref<40x128xi32, #tpu.memory_space<vmem>> -> memref<1x128xi32, #tpu.memory_space<vmem>>
            %dma_wait3A_110 = tpu.memref_squeeze %dma_wait3A_109 : memref<1x128xi32, #tpu.memory_space<vmem>> -> memref<128xi32, #tpu.memory_space<vmem>>
            %dma_wait3A_111 = arith.constant 0 : i32
            %dma_wait3A_112 = arith.constant 0 : i32
            %dma_wait3A_113 = tpu.memref_slice %arg9[%dma_wait3A_111, %dma_wait3A_112] : memref<10240x128xf32, #tpu.memory_space<vmem_shared>> -> memref<10240x128xf32, #tpu.memory_space<vmem_shared>>
            tpu.wait_indirect_dma semaphore(%run_scoped3A : memref<!tpu.dma_semaphore, #tpu.memory_space<semaphore_mem>>) src(%arg12 : memref<128x128xf32, #tpu.memory_space<vmem>>) dst(%dma_wait3A_113 : memref<10240x128xf32, #tpu.memory_space<vmem_shared>>)
            tpu.yield
          }) : () -> ()
          %lt3A = arith.constant 40 : i32
          %lt3A_92 = arith.cmpi slt, %add3A_80, %lt3A : i32
          %convert_element_type3A_93 = arith.extui %lt3A_92 : i1 to i32
          %cond3A_94 = arith.constant 0 : i32
          %cond3A_95 = arith.cmpi ne, %convert_element_type3A_93, %cond3A_94 : i32
          scf.if %cond3A_95 {
            %dma_start3A_102 = arith.constant 0 : i32
            %dma_start3A_103 = tpu.memref_slice %arg10[%add3A_80, %dma_start3A_102] : memref<40x128xi32, #tpu.memory_space<vmem>> -> memref<1x128xi32, #tpu.memory_space<vmem>>
            %dma_start3A_104 = tpu.memref_squeeze %dma_start3A_103 : memref<1x128xi32, #tpu.memory_space<vmem>> -> memref<128xi32, #tpu.memory_space<vmem>>
            %dma_start3A_105 = arith.constant 0 : i32
            %dma_start3A_106 = arith.constant 0 : i32
            %dma_start3A_107 = tpu.memref_slice %arg3[%dma_start3A_105, %dma_start3A_106] : memref<10000x128xf32, #tpu.memory_space<hbm>> -> memref<10000x128xf32, #tpu.memory_space<hbm>>
            tpu.enqueue_indirect_dma source(%dma_start3A_107 : memref<10000x128xf32, #tpu.memory_space<hbm>>) target(%arg12 : memref<128x128xf32, #tpu.memory_space<vmem>>) offsets(%dma_start3A_104 : memref<128xi32, #tpu.memory_space<vmem>>) semaphore(%arg14 : memref<!tpu.dma_semaphore, #tpu.memory_space<semaphore_mem>>)
          } else {
          }
          %dma_wait3A_96 = arith.constant 0 : i32
          %dma_wait3A_97 = tpu.memref_slice %arg10[%add3A_78, %dma_wait3A_96] : memref<40x128xi32, #tpu.memory_space<vmem>> -> memref<1x128xi32, #tpu.memory_space<vmem>>
          %dma_wait3A_98 = tpu.memref_squeeze %dma_wait3A_97 : memref<1x128xi32, #tpu.memory_space<vmem>> -> memref<128xi32, #tpu.memory_space<vmem>>
          %dma_wait3A_99 = arith.constant 0 : i32
          %dma_wait3A_100 = arith.constant 0 : i32
          %dma_wait3A_101 = tpu.memref_slice %arg3[%dma_wait3A_99, %dma_wait3A_100] : memref<10000x128xf32, #tpu.memory_space<hbm>> -> memref<10000x128xf32, #tpu.memory_space<hbm>>
          tpu.wait_indirect_dma semaphore(%arg15 : memref<!tpu.dma_semaphore, #tpu.memory_space<semaphore_mem>>) src(%dma_wait3A_101 : memref<10000x128xf32, #tpu.memory_space<hbm>>) dst(%arg13 : memref<128x128xf32, #tpu.memory_space<vmem>>)
          "tpu.region"() ({
            %run_scoped3A = tpu.sem_alloc : memref<!tpu.dma_semaphore, #tpu.memory_space<semaphore_mem>>
            %dma_start3A_102 = arith.constant 0 : i32
            %dma_start3A_103 = tpu.memref_slice %arg11[%add3A_78, %dma_start3A_102] : memref<40x128xi32, #tpu.memory_space<vmem>> -> memref<1x128xi32, #tpu.memory_space<vmem>>
            %dma_start3A_104 = tpu.memref_squeeze %dma_start3A_103 : memref<1x128xi32, #tpu.memory_space<vmem>> -> memref<128xi32, #tpu.memory_space<vmem>>
            %dma_start3A_105 = arith.constant 0 : i32
            %dma_start3A_106 = arith.constant 0 : i32
            %dma_start3A_107 = tpu.memref_slice %arg9[%dma_start3A_105, %dma_start3A_106] : memref<10240x128xf32, #tpu.memory_space<vmem_shared>> -> memref<10240x128xf32, #tpu.memory_space<vmem_shared>>
            tpu.enqueue_indirect_dma source(%arg13 : memref<128x128xf32, #tpu.memory_space<vmem>>) target(%dma_start3A_107 : memref<10240x128xf32, #tpu.memory_space<vmem_shared>>) offsets(%dma_start3A_104 : memref<128xi32, #tpu.memory_space<vmem>>) semaphore(%run_scoped3A : memref<!tpu.dma_semaphore, #tpu.memory_space<semaphore_mem>>) {add = true}
            %dma_wait3A_108 = arith.constant 0 : i32
            %dma_wait3A_109 = tpu.memref_slice %arg11[%add3A_78, %dma_wait3A_108] : memref<40x128xi32, #tpu.memory_space<vmem>> -> memref<1x128xi32, #tpu.memory_space<vmem>>
            %dma_wait3A_110 = tpu.memref_squeeze %dma_wait3A_109 : memref<1x128xi32, #tpu.memory_space<vmem>> -> memref<128xi32, #tpu.memory_space<vmem>>
            %dma_wait3A_111 = arith.constant 0 : i32
            %dma_wait3A_112 = arith.constant 0 : i32
            %dma_wait3A_113 = tpu.memref_slice %arg9[%dma_wait3A_111, %dma_wait3A_112] : memref<10240x128xf32, #tpu.memory_space<vmem_shared>> -> memref<10240x128xf32, #tpu.memory_space<vmem_shared>>
            tpu.wait_indirect_dma semaphore(%run_scoped3A : memref<!tpu.dma_semaphore, #tpu.memory_space<semaphore_mem>>) src(%arg13 : memref<128x128xf32, #tpu.memory_space<vmem>>) dst(%dma_wait3A_113 : memref<10240x128xf32, #tpu.memory_space<vmem_shared>>)
            tpu.yield
          }) : () -> ()
        }
        %scan3A_73 = arith.constant 20 : i32
      }
      %scan3A_58 = arith.constant 4 : i32
    } else {
    }
    %barrier3A_19 = arith.constant 0 : index
    tpu.barrier barrier_id(%barrier3A_19)
    %scan3A_20 = arith.constant 0 : i32
    %scan3A_21 = arith.constant 5 : i32
    %scan3A_22 = arith.addi %scan3A_20, %scan3A_21 : i32
    %scan3A_23 = arith.constant 1 : i32
    scf.for %scan3A_54 = %scan3A_20 to %scan3A_22 step %scan3A_23  : i32 {
      %mul3A_55 = arith.constant 128 : i32
      %mul3A_56 = arith.muli %scan3A_54, %mul3A_55 : i32
      %add3A_57 = arith.addi %mul3A_0, %mul3A_56 : i32
      "tpu.region"() ({
        %run_scoped3A = tpu.sem_alloc : memref<!tpu.dma_semaphore, #tpu.memory_space<semaphore_mem>>
        %dma_start3A = arith.constant 0 : i32
        %dma_start3A_58 = tpu.memref_slice %arg9[%add3A_57, %dma_start3A] : memref<10240x128xf32, #tpu.memory_space<vmem_shared>> -> memref<128x128xf32, #tpu.memory_space<vmem_shared>>
        %dma_start3A_59 = arith.constant 0 : i32
        %dma_start3A_60 = tpu.memref_slice %arg9[%add3A_57, %dma_start3A_59] : memref<10240x128xf32, #tpu.memory_space<vmem_shared>> -> memref<128x128xf32, #tpu.memory_space<vmem_shared>>
        tpu.enqueue_dma source(%dma_start3A_60 : memref<128x128xf32, #tpu.memory_space<vmem_shared>>) target(%arg12 : memref<128x128xf32, #tpu.memory_space<vmem>>) target_semaphore(%run_scoped3A : memref<!tpu.dma_semaphore, #tpu.memory_space<semaphore_mem>>)
        %dma_wait3A = arith.constant 0 : i32
        %dma_wait3A_61 = tpu.memref_slice %arg9[%add3A_57, %dma_wait3A] : memref<10240x128xf32, #tpu.memory_space<vmem_shared>> -> memref<128x128xf32, #tpu.memory_space<vmem_shared>>
        %dma_wait3A_62 = arith.constant 0 : i32
        %dma_wait3A_63 = tpu.memref_slice %arg9[%add3A_57, %dma_wait3A_62] : memref<10240x128xf32, #tpu.memory_space<vmem_shared>> -> memref<128x128xf32, #tpu.memory_space<vmem_shared>>
        tpu.wait_dma2 semaphore(%run_scoped3A : memref<!tpu.dma_semaphore, #tpu.memory_space<semaphore_mem>>) src(%dma_wait3A_63 : memref<128x128xf32, #tpu.memory_space<vmem_shared>>) dst(%arg12 : memref<128x128xf32, #tpu.memory_space<vmem>>)
        tpu.yield
      }) : () -> ()
      "tpu.region"() ({
        %run_scoped3A = tpu.sem_alloc : memref<!tpu.dma_semaphore, #tpu.memory_space<semaphore_mem>>
        %dma_start3A = arith.constant 0 : i32
        %dma_start3A_58 = tpu.memref_slice %arg8[%arg0, %add3A_57, %dma_start3A] : memref<4x10240x128xf32, #tpu.memory_space<hbm>> -> memref<1x128x128xf32, #tpu.memory_space<hbm>>
        %dma_start3A_59 = tpu.memref_squeeze %dma_start3A_58 : memref<1x128x128xf32, #tpu.memory_space<hbm>> -> memref<128x128xf32, #tpu.memory_space<hbm>>
        %dma_start3A_60 = arith.constant 0 : i32
        %dma_start3A_61 = tpu.memref_slice %arg8[%arg0, %add3A_57, %dma_start3A_60] : memref<4x10240x128xf32, #tpu.memory_space<hbm>> -> memref<1x128x128xf32, #tpu.memory_space<hbm>>
        %dma_start3A_62 = tpu.memref_squeeze %dma_start3A_61 : memref<1x128x128xf32, #tpu.memory_space<hbm>> -> memref<128x128xf32, #tpu.memory_space<hbm>>
        tpu.enqueue_dma source(%arg12 : memref<128x128xf32, #tpu.memory_space<vmem>>) target(%dma_start3A_62 : memref<128x128xf32, #tpu.memory_space<hbm>>) target_semaphore(%run_scoped3A : memref<!tpu.dma_semaphore, #tpu.memory_space<semaphore_mem>>)
        %dma_wait3A = arith.constant 0 : i32
        %dma_wait3A_63 = tpu.memref_slice %arg8[%arg0, %add3A_57, %dma_wait3A] : memref<4x10240x128xf32, #tpu.memory_space<hbm>> -> memref<1x128x128xf32, #tpu.memory_space<hbm>>
        %dma_wait3A_64 = tpu.memref_squeeze %dma_wait3A_63 : memref<1x128x128xf32, #tpu.memory_space<hbm>> -> memref<128x128xf32, #tpu.memory_space<hbm>>
        %dma_wait3A_65 = arith.constant 0 : i32
        %dma_wait3A_66 = tpu.memref_slice %arg8[%arg0, %add3A_57, %dma_wait3A_65] : memref<4x10240x128xf32, #tpu.memory_space<hbm>> -> memref<1x128x128xf32, #tpu.memory_space<hbm>>
        %dma_wait3A_67 = tpu.memref_squeeze %dma_wait3A_66 : memref<1x128x128xf32, #tpu.memory_space<hbm>> -> memref<128x128xf32, #tpu.memory_space<hbm>>
        tpu.wait_dma2 semaphore(%run_scoped3A : memref<!tpu.dma_semaphore, #tpu.memory_space<semaphore_mem>>) src(%arg12 : memref<128x128xf32, #tpu.memory_space<vmem>>) dst(%dma_wait3A_67 : memref<128x128xf32, #tpu.memory_space<hbm>>)
        tpu.yield
      }) : () -> ()
    }
    %scan3A_24 = arith.constant 5 : i32
    %barrier3A_25 = arith.constant 0 : index
    tpu.barrier barrier_id(%barrier3A_25)
    %scan3A_26 = arith.constant 0 : i32
    %scan3A_27 = arith.constant 128 : i32
    %scan3A_28 = arith.addi %scan3A_26, %scan3A_27 : i32
    %scan3A_29 = arith.constant 1 : i32
    scf.for %scan3A_54 = %scan3A_26 to %scan3A_28 step %scan3A_29  : i32 {
      %broadcast_in_dim3A = arith.constant 0.000000e+00 : f32
      %broadcast_in_dim3A_55 = vector.broadcast %broadcast_in_dim3A : f32 to vector<16xf32>
      %swap3A = arith.index_cast %scan3A_54 : i32 to index
      %swap3A_56 = arith.constant 0 : index
      %swap3A_57 = tpu.vector_load %arg12[%swap3A, %swap3A_56] {strides = array<i32>} : memref<128x128xf32, #tpu.memory_space<vmem>>, vector<1x16xf32>,
      %swap3A_58 = vector.shape_cast %swap3A_57 : vector<1x16xf32> to vector<16xf32>
      %swap3A_59 = vector.shape_cast %broadcast_in_dim3A_55 : vector<16xf32> to vector<1x16xf32>
      tpu.vector_store %arg12[%swap3A, %swap3A_56], %swap3A_59 {strides = array<i32>} : memref<128x128xf32, #tpu.memory_space<vmem>>, vector<1x16xf32>,
      %broadcast_in_dim3A_60 = arith.constant 0.000000e+00 : f32
      %broadcast_in_dim3A_61 = vector.broadcast %broadcast_in_dim3A_60 : f32 to vector<16xf32>
      %swap3A_62 = arith.index_cast %scan3A_54 : i32 to index
      %swap3A_63 = arith.constant 16 : index
      %swap3A_64 = tpu.vector_load %arg12[%swap3A_62, %swap3A_63] {strides = array<i32>} : memref<128x128xf32, #tpu.memory_space<vmem>>, vector<1x16xf32>,
      %swap3A_65 = vector.shape_cast %swap3A_64 : vector<1x16xf32> to vector<16xf32>
      %swap3A_66 = vector.shape_cast %broadcast_in_dim3A_61 : vector<16xf32> to vector<1x16xf32>
      tpu.vector_store %arg12[%swap3A_62, %swap3A_63], %swap3A_66 {strides = array<i32>} : memref<128x128xf32, #tpu.memory_space<vmem>>, vector<1x16xf32>,
      %broadcast_in_dim3A_67 = arith.constant 0.000000e+00 : f32
      %broadcast_in_dim3A_68 = vector.broadcast %broadcast_in_dim3A_67 : f32 to vector<16xf32>
      %swap3A_69 = arith.index_cast %scan3A_54 : i32 to index
      %swap3A_70 = arith.constant 32 : index
      %swap3A_71 = tpu.vector_load %arg12[%swap3A_69, %swap3A_70] {strides = array<i32>} : memref<128x128xf32, #tpu.memory_space<vmem>>, vector<1x16xf32>,
      %swap3A_72 = vector.shape_cast %swap3A_71 : vector<1x16xf32> to vector<16xf32>
      %swap3A_73 = vector.shape_cast %broadcast_in_dim3A_68 : vector<16xf32> to vector<1x16xf32>
      tpu.vector_store %arg12[%swap3A_69, %swap3A_70], %swap3A_73 {strides = array<i32>} : memref<128x128xf32, #tpu.memory_space<vmem>>, vector<1x16xf32>,
      %broadcast_in_dim3A_74 = arith.constant 0.000000e+00 : f32
      %broadcast_in_dim3A_75 = vector.broadcast %broadcast_in_dim3A_74 : f32 to vector<16xf32>
      %swap3A_76 = arith.index_cast %scan3A_54 : i32 to index
      %swap3A_77 = arith.constant 48 : index
      %swap3A_78 = tpu.vector_load %arg12[%swap3A_76, %swap3A_77] {strides = array<i32>} : memref<128x128xf32, #tpu.memory_space<vmem>>, vector<1x16xf32>,
      %swap3A_79 = vector.shape_cast %swap3A_78 : vector<1x16xf32> to vector<16xf32>
      %swap3A_80 = vector.shape_cast %broadcast_in_dim3A_75 : vector<16xf32> to vector<1x16xf32>
      tpu.vector_store %arg12[%swap3A_76, %swap3A_77], %swap3A_80 {strides = array<i32>} : memref<128x128xf32, #tpu.memory_space<vmem>>, vector<1x16xf32>,
      %broadcast_in_dim3A_81 = arith.constant 0.000000e+00 : f32
      %broadcast_in_dim3A_82 = vector.broadcast %broadcast_in_dim3A_81 : f32 to vector<16xf32>
      %swap3A_83 = arith.index_cast %scan3A_54 : i32 to index
      %swap3A_84 = arith.constant 64 : index
      %swap3A_85 = tpu.vector_load %arg12[%swap3A_83, %swap3A_84] {strides = array<i32>} : memref<128x128xf32, #tpu.memory_space<vmem>>, vector<1x16xf32>,
      %swap3A_86 = vector.shape_cast %swap3A_85 : vector<1x16xf32> to vector<16xf32>
      %swap3A_87 = vector.shape_cast %broadcast_in_dim3A_82 : vector<16xf32> to vector<1x16xf32>
      tpu.vector_store %arg12[%swap3A_83, %swap3A_84], %swap3A_87 {strides = array<i32>} : memref<128x128xf32, #tpu.memory_space<vmem>>, vector<1x16xf32>,
      %broadcast_in_dim3A_88 = arith.constant 0.000000e+00 : f32
      %broadcast_in_dim3A_89 = vector.broadcast %broadcast_in_dim3A_88 : f32 to vector<16xf32>
      %swap3A_90 = arith.index_cast %scan3A_54 : i32 to index
      %swap3A_91 = arith.constant 80 : index
      %swap3A_92 = tpu.vector_load %arg12[%swap3A_90, %swap3A_91] {strides = array<i32>} : memref<128x128xf32, #tpu.memory_space<vmem>>, vector<1x16xf32>,
      %swap3A_93 = vector.shape_cast %swap3A_92 : vector<1x16xf32> to vector<16xf32>
      %swap3A_94 = vector.shape_cast %broadcast_in_dim3A_89 : vector<16xf32> to vector<1x16xf32>
      tpu.vector_store %arg12[%swap3A_90, %swap3A_91], %swap3A_94 {strides = array<i32>} : memref<128x128xf32, #tpu.memory_space<vmem>>, vector<1x16xf32>,
      %broadcast_in_dim3A_95 = arith.constant 0.000000e+00 : f32
      %broadcast_in_dim3A_96 = vector.broadcast %broadcast_in_dim3A_95 : f32 to vector<16xf32>
      %swap3A_97 = arith.index_cast %scan3A_54 : i32 to index
      %swap3A_98 = arith.constant 96 : index
      %swap3A_99 = tpu.vector_load %arg12[%swap3A_97, %swap3A_98] {strides = array<i32>} : memref<128x128xf32, #tpu.memory_space<vmem>>, vector<1x16xf32>,
      %swap3A_100 = vector.shape_cast %swap3A_99 : vector<1x16xf32> to vector<16xf32>
      %swap3A_101 = vector.shape_cast %broadcast_in_dim3A_96 : vector<16xf32> to vector<1x16xf32>
      tpu.vector_store %arg12[%swap3A_97, %swap3A_98], %swap3A_101 {strides = array<i32>} : memref<128x128xf32, #tpu.memory_space<vmem>>, vector<1x16xf32>,
      %broadcast_in_dim3A_102 = arith.constant 0.000000e+00 : f32
      %broadcast_in_dim3A_103 = vector.broadcast %broadcast_in_dim3A_102 : f32 to vector<16xf32>
      %swap3A_104 = arith.index_cast %scan3A_54 : i32 to index
      %swap3A_105 = arith.constant 112 : index
      %swap3A_106 = tpu.vector_load %arg12[%swap3A_104, %swap3A_105] {strides = array<i32>} : memref<128x128xf32, #tpu.memory_space<vmem>>, vector<1x16xf32>,
      %swap3A_107 = vector.shape_cast %swap3A_106 : vector<1x16xf32> to vector<16xf32>
      %swap3A_108 = vector.shape_cast %broadcast_in_dim3A_103 : vector<16xf32> to vector<1x16xf32>
      tpu.vector_store %arg12[%swap3A_104, %swap3A_105], %swap3A_108 {strides = array<i32>} : memref<128x128xf32, #tpu.memory_space<vmem>>, vector<1x16xf32>,
    }
    %scan3A_30 = arith.constant 128 : i32
    %scan3A_31 = arith.constant 0 : i32
    %scan3A_32 = arith.constant 5 : i32
    %scan3A_33 = arith.addi %scan3A_31, %scan3A_32 : i32
    %scan3A_34 = arith.constant 1 : i32
    scf.for %scan3A_54 = %scan3A_31 to %scan3A_33 step %scan3A_34  : i32 {
      %mul3A_55 = arith.constant 128 : i32
      %mul3A_56 = arith.muli %scan3A_54, %mul3A_55 : i32
      %add3A_57 = arith.addi %mul3A_0, %mul3A_56 : i32
      "tpu.region"() ({
        %run_scoped3A = tpu.sem_alloc : memref<!tpu.dma_semaphore, #tpu.memory_space<semaphore_mem>>
        %dma_start3A = arith.constant 0 : i32
        %dma_start3A_58 = tpu.memref_slice %arg9[%add3A_57, %dma_start3A] : memref<10240x128xf32, #tpu.memory_space<vmem_shared>> -> memref<128x128xf32, #tpu.memory_space<vmem_shared>>
        %dma_start3A_59 = arith.constant 0 : i32
        %dma_start3A_60 = tpu.memref_slice %arg9[%add3A_57, %dma_start3A_59] : memref<10240x128xf32, #tpu.memory_space<vmem_shared>> -> memref<128x128xf32, #tpu.memory_space<vmem_shared>>
        tpu.enqueue_dma source(%arg12 : memref<128x128xf32, #tpu.memory_space<vmem>>) target(%dma_start3A_60 : memref<128x128xf32, #tpu.memory_space<vmem_shared>>) target_semaphore(%run_scoped3A : memref<!tpu.dma_semaphore, #tpu.memory_space<semaphore_mem>>)
        %dma_wait3A = arith.constant 0 : i32
        %dma_wait3A_61 = tpu.memref_slice %arg9[%add3A_57, %dma_wait3A] : memref<10240x128xf32, #tpu.memory_space<vmem_shared>> -> memref<128x128xf32, #tpu.memory_space<vmem_shared>>
        %dma_wait3A_62 = arith.constant 0 : i32
        %dma_wait3A_63 = tpu.memref_slice %arg9[%add3A_57, %dma_wait3A_62] : memref<10240x128xf32, #tpu.memory_space<vmem_shared>> -> memref<128x128xf32, #tpu.memory_space<vmem_shared>>
        tpu.wait_dma2 semaphore(%run_scoped3A : memref<!tpu.dma_semaphore, #tpu.memory_space<semaphore_mem>>) src(%arg12 : memref<128x128xf32, #tpu.memory_space<vmem>>) dst(%dma_wait3A_63 : memref<128x128xf32, #tpu.memory_space<vmem_shared>>)
        tpu.yield
      }) : () -> ()
    }
    %scan3A_35 = arith.constant 5 : i32
    %barrier3A_36 = arith.constant 0 : index
    tpu.barrier barrier_id(%barrier3A_36)
    %mul3A_37 = arith.constant 1280 : i32
    %mul3A_38 = arith.muli %arg0, %mul3A_37 : i32
    %mul3A_39 = arith.constant 80 : i32
    %mul3A_40 = arith.muli %arg1, %mul3A_39 : i32
    %add3A = arith.addi %mul3A_38, %mul3A_40 : i32
    %scan3A_41 = arith.constant 0 : i32
    %scan3A_42 = arith.constant 2 : i32
    %scan3A_43 = arith.addi %scan3A_41, %scan3A_42 : i32
    %scan3A_44 = arith.constant 1 : i32
    scf.for %scan3A_54 = %scan3A_41 to %scan3A_43 step %scan3A_44  : i32 {
      %mul3A_55 = arith.constant 40 : i32
      %mul3A_56 = arith.muli %scan3A_54, %mul3A_55 : i32
      %add3A_57 = arith.addi %add3A, %mul3A_56 : i32
      "tpu.region"() ({
        %run_scoped3A = tpu.sem_alloc : memref<!tpu.dma_semaphore, #tpu.memory_space<semaphore_mem>>
        %dma_start3A_69 = arith.constant 0 : i32
        %dma_start3A_70 = arith.constant 0 : i32
        %dma_start3A_71 = tpu.memref_slice %arg10[%dma_start3A_69, %dma_start3A_70] : memref<40x128xi32, #tpu.memory_space<vmem>> -> memref<40x128xi32, #tpu.memory_space<vmem>>
        %dma_start3A_72 = arith.constant 0 : i32
        %dma_start3A_73 = tpu.memref_slice %arg5[%add3A_57, %dma_start3A_72] : memref<2560x128xi32, #tpu.memory_space<hbm>> -> memref<40x128xi32, #tpu.memory_space<hbm>>
        %dma_start3A_74 = arith.constant 0 : i32
        %dma_start3A_75 = arith.constant 0 : i32
        %dma_start3A_76 = tpu.memref_slice %arg10[%dma_start3A_74, %dma_start3A_75] : memref<40x128xi32, #tpu.memory_space<vmem>> -> memref<40x128xi32, #tpu.memory_space<vmem>>
        %dma_start3A_77 = arith.constant 0 : i32
        %dma_start3A_78 = tpu.memref_slice %arg5[%add3A_57, %dma_start3A_77] : memref<2560x128xi32, #tpu.memory_space<hbm>> -> memref<40x128xi32, #tpu.memory_space<hbm>>
        tpu.enqueue_dma source(%dma_start3A_78 : memref<40x128xi32, #tpu.memory_space<hbm>>) target(%dma_start3A_76 : memref<40x128xi32, #tpu.memory_space<vmem>>) target_semaphore(%run_scoped3A : memref<!tpu.dma_semaphore, #tpu.memory_space<semaphore_mem>>)
        %dma_wait3A = arith.constant 0 : i32
        %dma_wait3A_79 = arith.constant 0 : i32
        %dma_wait3A_80 = tpu.memref_slice %arg10[%dma_wait3A, %dma_wait3A_79] : memref<40x128xi32, #tpu.memory_space<vmem>> -> memref<40x128xi32, #tpu.memory_space<vmem>>
        %dma_wait3A_81 = arith.constant 0 : i32
        %dma_wait3A_82 = tpu.memref_slice %arg5[%add3A_57, %dma_wait3A_81] : memref<2560x128xi32, #tpu.memory_space<hbm>> -> memref<40x128xi32, #tpu.memory_space<hbm>>
        %dma_wait3A_83 = arith.constant 0 : i32
        %dma_wait3A_84 = arith.constant 0 : i32
        %dma_wait3A_85 = tpu.memref_slice %arg10[%dma_wait3A_83, %dma_wait3A_84] : memref<40x128xi32, #tpu.memory_space<vmem>> -> memref<40x128xi32, #tpu.memory_space<vmem>>
        %dma_wait3A_86 = arith.constant 0 : i32
        %dma_wait3A_87 = tpu.memref_slice %arg5[%add3A_57, %dma_wait3A_86] : memref<2560x128xi32, #tpu.memory_space<hbm>> -> memref<40x128xi32, #tpu.memory_space<hbm>>
        tpu.wait_dma2 semaphore(%run_scoped3A : memref<!tpu.dma_semaphore, #tpu.memory_space<semaphore_mem>>) src(%dma_wait3A_87 : memref<40x128xi32, #tpu.memory_space<hbm>>) dst(%dma_wait3A_85 : memref<40x128xi32, #tpu.memory_space<vmem>>)
        tpu.yield
      }) : () -> ()
      "tpu.region"() ({
        %run_scoped3A = tpu.sem_alloc : memref<!tpu.dma_semaphore, #tpu.memory_space<semaphore_mem>>
        %dma_start3A_69 = arith.constant 0 : i32
        %dma_start3A_70 = arith.constant 0 : i32
        %dma_start3A_71 = tpu.memref_slice %arg11[%dma_start3A_69, %dma_start3A_70] : memref<40x128xi32, #tpu.memory_space<vmem>> -> memref<40x128xi32, #tpu.memory_space<vmem>>
        %dma_start3A_72 = arith.constant 0 : i32
        %dma_start3A_73 = tpu.memref_slice %arg7[%add3A_57, %dma_start3A_72] : memref<2560x128xi32, #tpu.memory_space<hbm>> -> memref<40x128xi32, #tpu.memory_space<hbm>>
        %dma_start3A_74 = arith.constant 0 : i32
        %dma_start3A_75 = arith.constant 0 : i32
        %dma_start3A_76 = tpu.memref_slice %arg11[%dma_start3A_74, %dma_start3A_75] : memref<40x128xi32, #tpu.memory_space<vmem>> -> memref<40x128xi32, #tpu.memory_space<vmem>>
        %dma_start3A_77 = arith.constant 0 : i32
        %dma_start3A_78 = tpu.memref_slice %arg7[%add3A_57, %dma_start3A_77] : memref<2560x128xi32, #tpu.memory_space<hbm>> -> memref<40x128xi32, #tpu.memory_space<hbm>>
        tpu.enqueue_dma source(%dma_start3A_78 : memref<40x128xi32, #tpu.memory_space<hbm>>) target(%dma_start3A_76 : memref<40x128xi32, #tpu.memory_space<vmem>>) target_semaphore(%run_scoped3A : memref<!tpu.dma_semaphore, #tpu.memory_space<semaphore_mem>>)
        %dma_wait3A = arith.constant 0 : i32
        %dma_wait3A_79 = arith.constant 0 : i32
        %dma_wait3A_80 = tpu.memref_slice %arg11[%dma_wait3A, %dma_wait3A_79] : memref<40x128xi32, #tpu.memory_space<vmem>> -> memref<40x128xi32, #tpu.memory_space<vmem>>
        %dma_wait3A_81 = arith.constant 0 : i32
        %dma_wait3A_82 = tpu.memref_slice %arg7[%add3A_57, %dma_wait3A_81] : memref<2560x128xi32, #tpu.memory_space<hbm>> -> memref<40x128xi32, #tpu.memory_space<hbm>>
        %dma_wait3A_83 = arith.constant 0 : i32
        %dma_wait3A_84 = arith.constant 0 : i32
        %dma_wait3A_85 = tpu.memref_slice %arg11[%dma_wait3A_83, %dma_wait3A_84] : memref<40x128xi32, #tpu.memory_space<vmem>> -> memref<40x128xi32, #tpu.memory_space<vmem>>
        %dma_wait3A_86 = arith.constant 0 : i32
        %dma_wait3A_87 = tpu.memref_slice %arg7[%add3A_57, %dma_wait3A_86] : memref<2560x128xi32, #tpu.memory_space<hbm>> -> memref<40x128xi32, #tpu.memory_space<hbm>>
        tpu.wait_dma2 semaphore(%run_scoped3A : memref<!tpu.dma_semaphore, #tpu.memory_space<semaphore_mem>>) src(%dma_wait3A_87 : memref<40x128xi32, #tpu.memory_space<hbm>>) dst(%dma_wait3A_85 : memref<40x128xi32, #tpu.memory_space<vmem>>)
        tpu.yield
      }) : () -> ()
      %dma_start3A = arith.constant 0 : i32
      %dma_start3A_58 = arith.constant 0 : i32
      %dma_start3A_59 = tpu.memref_slice %arg10[%dma_start3A, %dma_start3A_58] : memref<40x128xi32, #tpu.memory_space<vmem>> -> memref<1x128xi32, #tpu.memory_space<vmem>>
      %dma_start3A_60 = tpu.memref_squeeze %dma_start3A_59 : memref<1x128xi32, #tpu.memory_space<vmem>> -> memref<128xi32, #tpu.memory_space<vmem>>
      %dma_start3A_61 = arith.constant 0 : i32
      %dma_start3A_62 = arith.constant 0 : i32
      %dma_start3A_63 = tpu.memref_slice %arg4[%dma_start3A_61, %dma_start3A_62] : memref<10000x128xf32, #tpu.memory_space<hbm>> -> memref<10000x128xf32, #tpu.memory_space<hbm>>
      tpu.enqueue_indirect_dma source(%dma_start3A_63 : memref<10000x128xf32, #tpu.memory_space<hbm>>) target(%arg12 : memref<128x128xf32, #tpu.memory_space<vmem>>) offsets(%dma_start3A_60 : memref<128xi32, #tpu.memory_space<vmem>>) semaphore(%arg14 : memref<!tpu.dma_semaphore, #tpu.memory_space<semaphore_mem>>)
      %scan3A_64 = arith.constant 0 : i32
      %scan3A_65 = arith.constant 20 : i32
      %scan3A_66 = arith.addi %scan3A_64, %scan3A_65 : i32
      %scan3A_67 = arith.constant 1 : i32
      scf.for %scan3A_69 = %scan3A_64 to %scan3A_66 step %scan3A_67  : i32 {
        %mul3A_70 = arith.constant 2 : i32
        %mul3A_71 = arith.muli %mul3A_70, %scan3A_69 : i32
        %add3A_72 = arith.constant 1 : i32
        %add3A_73 = arith.addi %mul3A_71, %add3A_72 : i32
        %add3A_74 = arith.constant 2 : i32
        %add3A_75 = arith.addi %mul3A_71, %add3A_74 : i32
        %dma_start3A_76 = arith.constant 0 : i32
        %dma_start3A_77 = tpu.memref_slice %arg10[%add3A_73, %dma_start3A_76] : memref<40x128xi32, #tpu.memory_space<vmem>> -> memref<1x128xi32, #tpu.memory_space<vmem>>
        %dma_start3A_78 = tpu.memref_squeeze %dma_start3A_77 : memref<1x128xi32, #tpu.memory_space<vmem>> -> memref<128xi32, #tpu.memory_space<vmem>>
        %dma_start3A_79 = arith.constant 0 : i32
        %dma_start3A_80 = arith.constant 0 : i32
        %dma_start3A_81 = tpu.memref_slice %arg4[%dma_start3A_79, %dma_start3A_80] : memref<10000x128xf32, #tpu.memory_space<hbm>> -> memref<10000x128xf32, #tpu.memory_space<hbm>>
        tpu.enqueue_indirect_dma source(%dma_start3A_81 : memref<10000x128xf32, #tpu.memory_space<hbm>>) target(%arg13 : memref<128x128xf32, #tpu.memory_space<vmem>>) offsets(%dma_start3A_78 : memref<128xi32, #tpu.memory_space<vmem>>) semaphore(%arg15 : memref<!tpu.dma_semaphore, #tpu.memory_space<semaphore_mem>>)
        %dma_wait3A = arith.constant 0 : i32
        %dma_wait3A_82 = tpu.memref_slice %arg10[%mul3A_71, %dma_wait3A] : memref<40x128xi32, #tpu.memory_space<vmem>> -> memref<1x128xi32, #tpu.memory_space<vmem>>
        %dma_wait3A_83 = tpu.memref_squeeze %dma_wait3A_82 : memref<1x128xi32, #tpu.memory_space<vmem>> -> memref<128xi32, #tpu.memory_space<vmem>>
        %dma_wait3A_84 = arith.constant 0 : i32
        %dma_wait3A_85 = arith.constant 0 : i32
        %dma_wait3A_86 = tpu.memref_slice %arg4[%dma_wait3A_84, %dma_wait3A_85] : memref<10000x128xf32, #tpu.memory_space<hbm>> -> memref<10000x128xf32, #tpu.memory_space<hbm>>
        tpu.wait_indirect_dma semaphore(%arg14 : memref<!tpu.dma_semaphore, #tpu.memory_space<semaphore_mem>>) src(%dma_wait3A_86 : memref<10000x128xf32, #tpu.memory_space<hbm>>) dst(%arg12 : memref<128x128xf32, #tpu.memory_space<vmem>>)
        "tpu.region"() ({
          %run_scoped3A = tpu.sem_alloc : memref<!tpu.dma_semaphore, #tpu.memory_space<semaphore_mem>>
          %dma_start3A_97 = arith.constant 0 : i32
          %dma_start3A_98 = tpu.memref_slice %arg11[%mul3A_71, %dma_start3A_97] : memref<40x128xi32, #tpu.memory_space<vmem>> -> memref<1x128xi32, #tpu.memory_space<vmem>>
          %dma_start3A_99 = tpu.memref_squeeze %dma_start3A_98 : memref<1x128xi32, #tpu.memory_space<vmem>> -> memref<128xi32, #tpu.memory_space<vmem>>
          %dma_start3A_100 = arith.constant 0 : i32
          %dma_start3A_101 = arith.constant 0 : i32
          %dma_start3A_102 = tpu.memref_slice %arg9[%dma_start3A_100, %dma_start3A_101] : memref<10240x128xf32, #tpu.memory_space<vmem_shared>> -> memref<10240x128xf32, #tpu.memory_space<vmem_shared>>
          tpu.enqueue_indirect_dma source(%arg12 : memref<128x128xf32, #tpu.memory_space<vmem>>) target(%dma_start3A_102 : memref<10240x128xf32, #tpu.memory_space<vmem_shared>>) offsets(%dma_start3A_99 : memref<128xi32, #tpu.memory_space<vmem>>) semaphore(%run_scoped3A : memref<!tpu.dma_semaphore, #tpu.memory_space<semaphore_mem>>) {add = true}
          %dma_wait3A_103 = arith.constant 0 : i32
          %dma_wait3A_104 = tpu.memref_slice %arg11[%mul3A_71, %dma_wait3A_103] : memref<40x128xi32, #tpu.memory_space<vmem>> -> memref<1x128xi32, #tpu.memory_space<vmem>>
          %dma_wait3A_105 = tpu.memref_squeeze %dma_wait3A_104 : memref<1x128xi32, #tpu.memory_space<vmem>> -> memref<128xi32, #tpu.memory_space<vmem>>
          %dma_wait3A_106 = arith.constant 0 : i32
          %dma_wait3A_107 = arith.constant 0 : i32
          %dma_wait3A_108 = tpu.memref_slice %arg9[%dma_wait3A_106, %dma_wait3A_107] : memref<10240x128xf32, #tpu.memory_space<vmem_shared>> -> memref<10240x128xf32, #tpu.memory_space<vmem_shared>>
          tpu.wait_indirect_dma semaphore(%run_scoped3A : memref<!tpu.dma_semaphore, #tpu.memory_space<semaphore_mem>>) src(%arg12 : memref<128x128xf32, #tpu.memory_space<vmem>>) dst(%dma_wait3A_108 : memref<10240x128xf32, #tpu.memory_space<vmem_shared>>)
          tpu.yield
        }) : () -> ()
        %lt3A = arith.constant 40 : i32
        %lt3A_87 = arith.cmpi slt, %add3A_75, %lt3A : i32
        %convert_element_type3A_88 = arith.extui %lt3A_87 : i1 to i32
        %cond3A_89 = arith.constant 0 : i32
        %cond3A_90 = arith.cmpi ne, %convert_element_type3A_88, %cond3A_89 : i32
        scf.if %cond3A_90 {
          %dma_start3A_97 = arith.constant 0 : i32
          %dma_start3A_98 = tpu.memref_slice %arg10[%add3A_75, %dma_start3A_97] : memref<40x128xi32, #tpu.memory_space<vmem>> -> memref<1x128xi32, #tpu.memory_space<vmem>>
          %dma_start3A_99 = tpu.memref_squeeze %dma_start3A_98 : memref<1x128xi32, #tpu.memory_space<vmem>> -> memref<128xi32, #tpu.memory_space<vmem>>
          %dma_start3A_100 = arith.constant 0 : i32
          %dma_start3A_101 = arith.constant 0 : i32
          %dma_start3A_102 = tpu.memref_slice %arg4[%dma_start3A_100, %dma_start3A_101] : memref<10000x128xf32, #tpu.memory_space<hbm>> -> memref<10000x128xf32, #tpu.memory_space<hbm>>
          tpu.enqueue_indirect_dma source(%dma_start3A_102 : memref<10000x128xf32, #tpu.memory_space<hbm>>) target(%arg12 : memref<128x128xf32, #tpu.memory_space<vmem>>) offsets(%dma_start3A_99 : memref<128xi32, #tpu.memory_space<vmem>>) semaphore(%arg14 : memref<!tpu.dma_semaphore, #tpu.memory_space<semaphore_mem>>)
        } else {
        }
        %dma_wait3A_91 = arith.constant 0 : i32
        %dma_wait3A_92 = tpu.memref_slice %arg10[%add3A_73, %dma_wait3A_91] : memref<40x128xi32, #tpu.memory_space<vmem>> -> memref<1x128xi32, #tpu.memory_space<vmem>>
        %dma_wait3A_93 = tpu.memref_squeeze %dma_wait3A_92 : memref<1x128xi32, #tpu.memory_space<vmem>> -> memref<128xi32, #tpu.memory_space<vmem>>
        %dma_wait3A_94 = arith.constant 0 : i32
        %dma_wait3A_95 = arith.constant 0 : i32
        %dma_wait3A_96 = tpu.memref_slice %arg4[%dma_wait3A_94, %dma_wait3A_95] : memref<10000x128xf32, #tpu.memory_space<hbm>> -> memref<10000x128xf32, #tpu.memory_space<hbm>>
        tpu.wait_indirect_dma semaphore(%arg15 : memref<!tpu.dma_semaphore, #tpu.memory_space<semaphore_mem>>) src(%dma_wait3A_96 : memref<10000x128xf32, #tpu.memory_space<hbm>>) dst(%arg13 : memref<128x128xf32, #tpu.memory_space<vmem>>)
        "tpu.region"() ({
          %run_scoped3A = tpu.sem_alloc : memref<!tpu.dma_semaphore, #tpu.memory_space<semaphore_mem>>
          %dma_start3A_97 = arith.constant 0 : i32
          %dma_start3A_98 = tpu.memref_slice %arg11[%add3A_73, %dma_start3A_97] : memref<40x128xi32, #tpu.memory_space<vmem>> -> memref<1x128xi32, #tpu.memory_space<vmem>>
          %dma_start3A_99 = tpu.memref_squeeze %dma_start3A_98 : memref<1x128xi32, #tpu.memory_space<vmem>> -> memref<128xi32, #tpu.memory_space<vmem>>
          %dma_start3A_100 = arith.constant 0 : i32
          %dma_start3A_101 = arith.constant 0 : i32
          %dma_start3A_102 = tpu.memref_slice %arg9[%dma_start3A_100, %dma_start3A_101] : memref<10240x128xf32, #tpu.memory_space<vmem_shared>> -> memref<10240x128xf32, #tpu.memory_space<vmem_shared>>
          tpu.enqueue_indirect_dma source(%arg13 : memref<128x128xf32, #tpu.memory_space<vmem>>) target(%dma_start3A_102 : memref<10240x128xf32, #tpu.memory_space<vmem_shared>>) offsets(%dma_start3A_99 : memref<128xi32, #tpu.memory_space<vmem>>) semaphore(%run_scoped3A : memref<!tpu.dma_semaphore, #tpu.memory_space<semaphore_mem>>) {add = true}
          %dma_wait3A_103 = arith.constant 0 : i32
          %dma_wait3A_104 = tpu.memref_slice %arg11[%add3A_73, %dma_wait3A_103] : memref<40x128xi32, #tpu.memory_space<vmem>> -> memref<1x128xi32, #tpu.memory_space<vmem>>
          %dma_wait3A_105 = tpu.memref_squeeze %dma_wait3A_104 : memref<1x128xi32, #tpu.memory_space<vmem>> -> memref<128xi32, #tpu.memory_space<vmem>>
          %dma_wait3A_106 = arith.constant 0 : i32
          %dma_wait3A_107 = arith.constant 0 : i32
          %dma_wait3A_108 = tpu.memref_slice %arg9[%dma_wait3A_106, %dma_wait3A_107] : memref<10240x128xf32, #tpu.memory_space<vmem_shared>> -> memref<10240x128xf32, #tpu.memory_space<vmem_shared>>
          tpu.wait_indirect_dma semaphore(%run_scoped3A : memref<!tpu.dma_semaphore, #tpu.memory_space<semaphore_mem>>) src(%arg13 : memref<128x128xf32, #tpu.memory_space<vmem>>) dst(%dma_wait3A_108 : memref<10240x128xf32, #tpu.memory_space<vmem_shared>>)
          tpu.yield
        }) : () -> ()
      }
      %scan3A_68 = arith.constant 20 : i32
    }
    %scan3A_45 = arith.constant 2 : i32
    %barrier3A_46 = arith.constant 0 : index
    tpu.barrier barrier_id(%barrier3A_46)
    %add3A_47 = arith.constant 2 : i32
    %add3A_48 = arith.addi %add3A_47, %arg0 : i32
    %scan3A_49 = arith.constant 0 : i32
    %scan3A_50 = arith.constant 5 : i32
    %scan3A_51 = arith.addi %scan3A_49, %scan3A_50 : i32
    %scan3A_52 = arith.constant 1 : i32
    scf.for %scan3A_54 = %scan3A_49 to %scan3A_51 step %scan3A_52  : i32 {
      %mul3A_55 = arith.constant 128 : i32
      %mul3A_56 = arith.muli %scan3A_54, %mul3A_55 : i32
      %add3A_57 = arith.addi %mul3A_0, %mul3A_56 : i32
      "tpu.region"() ({
        %run_scoped3A = tpu.sem_alloc : memref<!tpu.dma_semaphore, #tpu.memory_space<semaphore_mem>>
        %dma_start3A = arith.constant 0 : i32
        %dma_start3A_58 = tpu.memref_slice %arg9[%add3A_57, %dma_start3A] : memref<10240x128xf32, #tpu.memory_space<vmem_shared>> -> memref<128x128xf32, #tpu.memory_space<vmem_shared>>
        %dma_start3A_59 = arith.constant 0 : i32
        %dma_start3A_60 = tpu.memref_slice %arg9[%add3A_57, %dma_start3A_59] : memref<10240x128xf32, #tpu.memory_space<vmem_shared>> -> memref<128x128xf32, #tpu.memory_space<vmem_shared>>
        tpu.enqueue_dma source(%dma_start3A_60 : memref<128x128xf32, #tpu.memory_space<vmem_shared>>) target(%arg12 : memref<128x128xf32, #tpu.memory_space<vmem>>) target_semaphore(%run_scoped3A : memref<!tpu.dma_semaphore, #tpu.memory_space<semaphore_mem>>)
        %dma_wait3A = arith.constant 0 : i32
        %dma_wait3A_61 = tpu.memref_slice %arg9[%add3A_57, %dma_wait3A] : memref<10240x128xf32, #tpu.memory_space<vmem_shared>> -> memref<128x128xf32, #tpu.memory_space<vmem_shared>>
        %dma_wait3A_62 = arith.constant 0 : i32
        %dma_wait3A_63 = tpu.memref_slice %arg9[%add3A_57, %dma_wait3A_62] : memref<10240x128xf32, #tpu.memory_space<vmem_shared>> -> memref<128x128xf32, #tpu.memory_space<vmem_shared>>
        tpu.wait_dma2 semaphore(%run_scoped3A : memref<!tpu.dma_semaphore, #tpu.memory_space<semaphore_mem>>) src(%dma_wait3A_63 : memref<128x128xf32, #tpu.memory_space<vmem_shared>>) dst(%arg12 : memref<128x128xf32, #tpu.memory_space<vmem>>)
        tpu.yield
      }) : () -> ()
      "tpu.region"() ({
        %run_scoped3A = tpu.sem_alloc : memref<!tpu.dma_semaphore, #tpu.memory_space<semaphore_mem>>
        %dma_start3A = arith.constant 0 : i32
        %dma_start3A_58 = tpu.memref_slice %arg8[%add3A_48, %add3A_57, %dma_start3A] : memref<4x10240x128xf32, #tpu.memory_space<hbm>> -> memref<1x128x128xf32, #tpu.memory_space<hbm>>
        %dma_start3A_59 = tpu.memref_squeeze %dma_start3A_58 : memref<1x128x128xf32, #tpu.memory_space<hbm>> -> memref<128x128xf32, #tpu.memory_space<hbm>>
        %dma_start3A_60 = arith.constant 0 : i32
        %dma_start3A_61 = tpu.memref_slice %arg8[%add3A_48, %add3A_57, %dma_start3A_60] : memref<4x10240x128xf32, #tpu.memory_space<hbm>> -> memref<1x128x128xf32, #tpu.memory_space<hbm>>
        %dma_start3A_62 = tpu.memref_squeeze %dma_start3A_61 : memref<1x128x128xf32, #tpu.memory_space<hbm>> -> memref<128x128xf32, #tpu.memory_space<hbm>>
        tpu.enqueue_dma source(%arg12 : memref<128x128xf32, #tpu.memory_space<vmem>>) target(%dma_start3A_62 : memref<128x128xf32, #tpu.memory_space<hbm>>) target_semaphore(%run_scoped3A : memref<!tpu.dma_semaphore, #tpu.memory_space<semaphore_mem>>)
        %dma_wait3A = arith.constant 0 : i32
        %dma_wait3A_63 = tpu.memref_slice %arg8[%add3A_48, %add3A_57, %dma_wait3A] : memref<4x10240x128xf32, #tpu.memory_space<hbm>> -> memref<1x128x128xf32, #tpu.memory_space<hbm>>
        %dma_wait3A_64 = tpu.memref_squeeze %dma_wait3A_63 : memref<1x128x128xf32, #tpu.memory_space<hbm>> -> memref<128x128xf32, #tpu.memory_space<hbm>>
        %dma_wait3A_65 = arith.constant 0 : i32
        %dma_wait3A_66 = tpu.memref_slice %arg8[%add3A_48, %add3A_57, %dma_wait3A_65] : memref<4x10240x128xf32, #tpu.memory_space<hbm>> -> memref<1x128x128xf32, #tpu.memory_space<hbm>>
        %dma_wait3A_67 = tpu.memref_squeeze %dma_wait3A_66 : memref<1x128x128xf32, #tpu.memory_space<hbm>> -> memref<128x128xf32, #tpu.memory_space<hbm>>
        tpu.wait_dma2 semaphore(%run_scoped3A : memref<!tpu.dma_semaphore, #tpu.memory_space<semaphore_mem>>) src(%arg12 : memref<128x128xf32, #tpu.memory_space<vmem>>) dst(%dma_wait3A_67 : memref<128x128xf32, #tpu.memory_space<hbm>>)
        tpu.yield
      }) : () -> ()
    }
    %scan3A_53 = arith.constant 5 : i32
    return
  }
}

module attributes {stable_mosaic.version = 14 : i64} {
  func.func @_body(%arg0: i32, %arg1: memref<1x1000x128xf32, #tpu.memory_space<vmem>>, %arg2: memref<1x1000x128xf32, #tpu.memory_space<vmem>>, %arg3: memref<128x128xf32, #tpu.memory_space<vmem>>, %arg4: memref<128x128xf32, #tpu.memory_space<vmem>>, %arg5: memref<1x128xf32, #tpu.memory_space<vmem>>, %arg6: memref<1000x128xf32, #tpu.memory_space<vmem>>, %arg7: memref<1000x128xf32, #tpu.memory_space<vmem>>, %arg8: memref<1000x128xf32, #tpu.memory_space<vmem>>) attributes {dimension_semantics = [#tpu.dimension_semantics<arbitrary>], iteration_bounds = array<i64: 10>, scalar_prefetch = 0 : i64, scratch_operands = 0 : i64, tpu.core_type = #tpu.core_type<tc>, window_params = [{transform_indices = @transform_0, window_bounds = array<i64: 1, 1000, 128>}, {transform_indices = @transform_1, window_bounds = array<i64: 1, 1000, 128>}, {pipeline_mode = #tpu.pipeline_mode<synchronous>, transform_indices = @transform_2, window_bounds = array<i64: 128, 128>}, {pipeline_mode = #tpu.pipeline_mode<synchronous>, transform_indices = @transform_3, window_bounds = array<i64: 128, 128>}, {pipeline_mode = #tpu.pipeline_mode<synchronous>, transform_indices = @transform_4, window_bounds = array<i64: 1, 128>}, {transform_indices = @transform_5, window_bounds = array<i64: 1000, 128>}, {transform_indices = @transform_6, window_bounds = array<i64: 1000, 128>}, {transform_indices = @transform_7, window_bounds = array<i64: 1000, 128>}]} {
    %get3A = arith.constant 0 : index
    %get3A_0 = arith.constant 0 : index
    %get3A_1 = arith.constant 0 : index
    %get3A_2 = vector.load %arg1[%get3A, %get3A_0, %get3A_1] : memref<1x1000x128xf32, #tpu.memory_space<vmem>>, vector<1x1000x128xf32>
    %get3A_3 = vector.shape_cast %get3A_2 : vector<1x1000x128xf32> to vector<1000x128xf32>
    %get3A_4 = arith.constant 0 : index
    %get3A_5 = arith.constant 0 : index
    %get3A_6 = arith.constant 0 : index
    %get3A_7 = vector.load %arg2[%get3A_4, %get3A_5, %get3A_6] : memref<1x1000x128xf32, #tpu.memory_space<vmem>>, vector<1x1000x128xf32>
    %get3A_8 = vector.shape_cast %get3A_7 : vector<1x1000x128xf32> to vector<1000x128xf32>
    %get3A_9 = arith.constant 0 : index
    %get3A_10 = arith.constant 0 : index
    %get3A_11 = vector.load %arg3[%get3A_9, %get3A_10] : memref<128x128xf32, #tpu.memory_space<vmem>>, vector<128x128xf32>
    %get3A_12 = arith.constant 0 : index
    %get3A_13 = arith.constant 0 : index
    %get3A_14 = vector.load %arg4[%get3A_12, %get3A_13] : memref<128x128xf32, #tpu.memory_space<vmem>>, vector<128x128xf32>
    %get3A_15 = arith.constant 0 : index
    %get3A_16 = arith.constant 0 : index
    %get3A_17 = vector.load %arg5[%get3A_15, %get3A_16] : memref<1x128xf32, #tpu.memory_space<vmem>>, vector<1x128xf32>
    %dot_general3A = arith.constant dense<0.000000e+00> : vector<1000x128xf32>
    %dot_general3A_18 = tpu.matmul %get3A_3, %get3A_11, %dot_general3A {dimension_numbers = #tpu.dot_dimension_numbers<[1], [0], [0], [1], [0, 0, 1, 1], [], []>, transpose_lhs_hint = false} : vector<1000x128xf32>, vector<128x128xf32>, vector<1000x128xf32> -> vector<1000x128xf32>
    %add3A = vector.broadcast %get3A_17 : vector<1x128xf32> to vector<1000x128xf32>
    %add3A_19 = arith.addf %dot_general3A_18, %add3A : vector<1000x128xf32>
    %max3A = arith.constant 0.000000e+00 : f32
    %max3A_20 = vector.broadcast %max3A : f32 to vector<1000x128xf32>
    %max3A_21 = arith.maximumf %add3A_19, %max3A_20 : vector<1000x128xf32>
    %swap3A = arith.constant 0 : index
    %swap3A_22 = arith.constant 0 : index
    %swap3A_23 = vector.load %arg6[%swap3A, %swap3A_22] : memref<1000x128xf32, #tpu.memory_space<vmem>>, vector<1000x128xf32>
    tpu.vector_store %arg6[%swap3A, %swap3A_22], %max3A_21 {strides = array<i32>} : memref<1000x128xf32, #tpu.memory_space<vmem>>, vector<1000x128xf32>,
    %dot_general3A_24 = arith.constant dense<0.000000e+00> : vector<1000x128xf32>
    %dot_general3A_25 = tpu.matmul %get3A_3, %get3A_14, %dot_general3A_24 {dimension_numbers = #tpu.dot_dimension_numbers<[1], [0], [0], [1], [0, 0, 1, 1], [], []>, transpose_lhs_hint = false} : vector<1000x128xf32>, vector<128x128xf32>, vector<1000x128xf32> -> vector<1000x128xf32>
    %add3A_26 = vector.broadcast %get3A_17 : vector<1x128xf32> to vector<1000x128xf32>
    %add3A_27 = arith.addf %dot_general3A_25, %add3A_26 : vector<1000x128xf32>
    %max3A_28 = arith.constant 0.000000e+00 : f32
    %max3A_29 = vector.broadcast %max3A_28 : f32 to vector<1000x128xf32>
    %max3A_30 = arith.maximumf %add3A_27, %max3A_29 : vector<1000x128xf32>
    %swap3A_31 = arith.constant 0 : index
    %swap3A_32 = arith.constant 0 : index
    %swap3A_33 = vector.load %arg7[%swap3A_31, %swap3A_32] : memref<1000x128xf32, #tpu.memory_space<vmem>>, vector<1000x128xf32>
    tpu.vector_store %arg7[%swap3A_31, %swap3A_32], %max3A_30 {strides = array<i32>} : memref<1000x128xf32, #tpu.memory_space<vmem>>, vector<1000x128xf32>,
    %dot_general3A_34 = arith.constant dense<0.000000e+00> : vector<1000x128xf32>
    %dot_general3A_35 = tpu.matmul %get3A_8, %get3A_11, %dot_general3A_34 {dimension_numbers = #tpu.dot_dimension_numbers<[1], [0], [0], [1], [0, 0, 1, 1], [], []>, transpose_lhs_hint = false} : vector<1000x128xf32>, vector<128x128xf32>, vector<1000x128xf32> -> vector<1000x128xf32>
    %add3A_36 = vector.broadcast %get3A_17 : vector<1x128xf32> to vector<1000x128xf32>
    %add3A_37 = arith.addf %dot_general3A_35, %add3A_36 : vector<1000x128xf32>
    %max3A_38 = arith.constant 0.000000e+00 : f32
    %max3A_39 = vector.broadcast %max3A_38 : f32 to vector<1000x128xf32>
    %max3A_40 = arith.maximumf %add3A_37, %max3A_39 : vector<1000x128xf32>
    %swap3A_41 = arith.constant 0 : index
    %swap3A_42 = arith.constant 0 : index
    %swap3A_43 = vector.load %arg8[%swap3A_41, %swap3A_42] : memref<1000x128xf32, #tpu.memory_space<vmem>>, vector<1000x128xf32>
    tpu.vector_store %arg8[%swap3A_41, %swap3A_42], %max3A_40 {strides = array<i32>} : memref<1000x128xf32, #tpu.memory_space<vmem>>, vector<1000x128xf32>,
    return
  }
  func.func @transform_0(%arg0: i32) -> (i32, i32, i32) {
    %c0_i32 = arith.constant 0 : i32
    %c0_i32_0 = arith.constant 0 : i32
    %c0_i32_1 = arith.constant 0 : i32
    return %c0_i32, %arg0, %c0_i32_0 : i32, i32, i32
  }
  func.func @transform_1(%arg0: i32) -> (i32, i32, i32) {
    %c1_i32 = arith.constant 1 : i32
    %c0_i32 = arith.constant 0 : i32
    %c0_i32_0 = arith.constant 0 : i32
    return %c1_i32, %arg0, %c0_i32 : i32, i32, i32
  }
  func.func @transform_2(%arg0: i32) -> (i32, i32) {
    %c0_i32 = arith.constant 0 : i32
    %c0_i32_0 = arith.constant 0 : i32
    %c0_i32_1 = arith.constant 0 : i32
    return %c0_i32, %c0_i32_0 : i32, i32
  }
  func.func @transform_3(%arg0: i32) -> (i32, i32) {
    %c0_i32 = arith.constant 0 : i32
    %c0_i32_0 = arith.constant 0 : i32
    %c0_i32_1 = arith.constant 0 : i32
    return %c0_i32, %c0_i32_0 : i32, i32
  }
  func.func @transform_4(%arg0: i32) -> (i32, i32) {
    %c0_i32 = arith.constant 0 : i32
    %c0_i32_0 = arith.constant 0 : i32
    %c0_i32_1 = arith.constant 0 : i32
    return %c0_i32, %c0_i32_0 : i32, i32
  }
  func.func @transform_5(%arg0: i32) -> (i32, i32) {
    %c0_i32 = arith.constant 0 : i32
    %c0_i32_0 = arith.constant 0 : i32
    return %arg0, %c0_i32 : i32, i32
  }
  func.func @transform_6(%arg0: i32) -> (i32, i32) {
    %c0_i32 = arith.constant 0 : i32
    %c0_i32_0 = arith.constant 0 : i32
    return %arg0, %c0_i32 : i32, i32
  }
  func.func @transform_7(%arg0: i32) -> (i32, i32) {
    %c0_i32 = arith.constant 0 : i32
    %c0_i32_0 = arith.constant 0 : i32
    return %arg0, %c0_i32 : i32, i32
  }
}

module attributes {stable_mosaic.version = 14 : i64} {
  func.func @_body(%arg0: i32, %arg1: memref<1x1000x128xf32, #tpu.memory_space<vmem>>, %arg2: memref<1x1000x128xf32, #tpu.memory_space<vmem>>, %arg3: memref<1x1000x128xf32, #tpu.memory_space<vmem>>, %arg4: memref<1x1000x128xf32, #tpu.memory_space<vmem>>, %arg5: memref<128x128xf32, #tpu.memory_space<vmem>>, %arg6: memref<1x128xf32, #tpu.memory_space<vmem>>, %arg7: memref<1x1x1000xi32, #tpu.memory_space<vmem>>, %arg8: memref<128x128xf32, #tpu.memory_space<vmem>>, %arg9: memref<128x128xf32, #tpu.memory_space<vmem>>, %arg10: memref<128x128xf32, #tpu.memory_space<vmem>>, %arg11: memref<128x128xf32, #tpu.memory_space<vmem>>) attributes {dimension_semantics = [#tpu.dimension_semantics<arbitrary>], iteration_bounds = array<i64: 10>, scalar_prefetch = 0 : i64, scratch_operands = 1 : i64, tpu.core_type = #tpu.core_type<tc>, window_params = [{transform_indices = @transform_0, window_bounds = array<i64: 1, 1000, 128>}, {transform_indices = @transform_1, window_bounds = array<i64: 1, 1000, 128>}, {transform_indices = @transform_2, window_bounds = array<i64: 1, 1000, 128>}, {transform_indices = @transform_3, window_bounds = array<i64: 1, 1000, 128>}, {pipeline_mode = #tpu.pipeline_mode<synchronous>, transform_indices = @transform_4, window_bounds = array<i64: 128, 128>}, {pipeline_mode = #tpu.pipeline_mode<synchronous>, transform_indices = @transform_5, window_bounds = array<i64: 1, 128>}, {transform_indices = @transform_6, window_bounds = array<i64: 1, 1, 1000>}, {pipeline_mode = #tpu.pipeline_mode<synchronous>, transform_indices = @transform_7, window_bounds = array<i64: 128, 128>}, {pipeline_mode = #tpu.pipeline_mode<synchronous>, transform_indices = @transform_8, window_bounds = array<i64: 128, 128>}, {pipeline_mode = #tpu.pipeline_mode<synchronous>, transform_indices = @transform_9, window_bounds = array<i64: 128, 128>}]} {
    %eq3A = arith.constant 0 : i32
    %eq3A_0 = arith.cmpi eq, %arg0, %eq3A : i32
    %convert_element_type3A = arith.extui %eq3A_0 : i1 to i32
    %cond3A = arith.constant 0 : i32
    %cond3A_1 = arith.cmpi ne, %convert_element_type3A, %cond3A : i32
    scf.if %cond3A_1 {
      %broadcast_in_dim3A_96 = arith.constant 0.000000e+00 : f32
      %broadcast_in_dim3A_97 = vector.broadcast %broadcast_in_dim3A_96 : f32 to vector<128x128xf32>
      %swap3A_98 = arith.constant 0 : index
      %swap3A_99 = arith.constant 0 : index
      %swap3A_100 = vector.load %arg8[%swap3A_98, %swap3A_99] : memref<128x128xf32, #tpu.memory_space<vmem>>, vector<128x128xf32>
      tpu.vector_store %arg8[%swap3A_98, %swap3A_99], %broadcast_in_dim3A_97 {strides = array<i32>} : memref<128x128xf32, #tpu.memory_space<vmem>>, vector<128x128xf32>,
      %broadcast_in_dim3A_101 = arith.constant 0.000000e+00 : f32
      %broadcast_in_dim3A_102 = vector.broadcast %broadcast_in_dim3A_101 : f32 to vector<128x128xf32>
      %swap3A_103 = arith.constant 0 : index
      %swap3A_104 = arith.constant 0 : index
      %swap3A_105 = vector.load %arg9[%swap3A_103, %swap3A_104] : memref<128x128xf32, #tpu.memory_space<vmem>>, vector<128x128xf32>
      tpu.vector_store %arg9[%swap3A_103, %swap3A_104], %broadcast_in_dim3A_102 {strides = array<i32>} : memref<128x128xf32, #tpu.memory_space<vmem>>, vector<128x128xf32>,
      %broadcast_in_dim3A_106 = arith.constant 0.000000e+00 : f32
      %broadcast_in_dim3A_107 = vector.broadcast %broadcast_in_dim3A_106 : f32 to vector<128x128xf32>
      %swap3A_108 = arith.constant 0 : index
      %swap3A_109 = arith.constant 0 : index
      %swap3A_110 = vector.load %arg10[%swap3A_108, %swap3A_109] : memref<128x128xf32, #tpu.memory_space<vmem>>, vector<128x128xf32>
      tpu.vector_store %arg10[%swap3A_108, %swap3A_109], %broadcast_in_dim3A_107 {strides = array<i32>} : memref<128x128xf32, #tpu.memory_space<vmem>>, vector<128x128xf32>,
      %broadcast_in_dim3A_111 = arith.constant 0.000000e+00 : f32
      %broadcast_in_dim3A_112 = vector.broadcast %broadcast_in_dim3A_111 : f32 to vector<128x128xf32>
      %swap3A_113 = arith.constant 0 : index
      %swap3A_114 = arith.constant 0 : index
      %swap3A_115 = vector.load %arg11[%swap3A_113, %swap3A_114] : memref<128x128xf32, #tpu.memory_space<vmem>>, vector<128x128xf32>
      tpu.vector_store %arg11[%swap3A_113, %swap3A_114], %broadcast_in_dim3A_112 {strides = array<i32>} : memref<128x128xf32, #tpu.memory_space<vmem>>, vector<128x128xf32>,
    } else {
    }
    %get3A = arith.constant 0 : index
    %get3A_2 = arith.constant 0 : index
    %get3A_3 = vector.load %arg5[%get3A, %get3A_2] : memref<128x128xf32, #tpu.memory_space<vmem>>, vector<128x128xf32>
    %get3A_4 = arith.constant 0 : index
    %get3A_5 = arith.constant 0 : index
    %get3A_6 = vector.load %arg6[%get3A_4, %get3A_5] : memref<1x128xf32, #tpu.memory_space<vmem>>, vector<1x128xf32>
    %get3A_7 = arith.constant 0 : index
    %get3A_8 = arith.constant 0 : index
    %get3A_9 = arith.constant 0 : index
    %get3A_10 = vector.load %arg1[%get3A_7, %get3A_8, %get3A_9] : memref<1x1000x128xf32, #tpu.memory_space<vmem>>, vector<1x1000x128xf32>
    %get3A_11 = vector.shape_cast %get3A_10 : vector<1x1000x128xf32> to vector<1000x128xf32>
    %dot_general3A = arith.constant dense<0.000000e+00> : vector<1000x128xf32>
    %dot_general3A_12 = tpu.matmul %get3A_11, %get3A_3, %dot_general3A {dimension_numbers = #tpu.dot_dimension_numbers<[1], [0], [0], [1], [0, 0, 1, 1], [], []>, transpose_lhs_hint = false} : vector<1000x128xf32>, vector<128x128xf32>, vector<1000x128xf32> -> vector<1000x128xf32>
    %add3A = vector.broadcast %get3A_6 : vector<1x128xf32> to vector<1000x128xf32>
    %add3A_13 = arith.addf %dot_general3A_12, %add3A : vector<1000x128xf32>
    %max3A = arith.constant 0.000000e+00 : f32
    %max3A_14 = vector.broadcast %max3A : f32 to vector<1000x128xf32>
    %max3A_15 = arith.maximumf %add3A_13, %max3A_14 : vector<1000x128xf32>
    %get3A_16 = arith.constant 0 : index
    %get3A_17 = arith.constant 0 : index
    %get3A_18 = arith.constant 0 : index
    %get3A_19 = vector.load %arg2[%get3A_16, %get3A_17, %get3A_18] : memref<1x1000x128xf32, #tpu.memory_space<vmem>>, vector<1x1000x128xf32>
    %get3A_20 = vector.shape_cast %get3A_19 : vector<1x1000x128xf32> to vector<1000x128xf32>
    %dot_general3A_21 = arith.constant dense<0.000000e+00> : vector<1000x128xf32>
    %dot_general3A_22 = tpu.matmul %get3A_20, %get3A_3, %dot_general3A_21 {dimension_numbers = #tpu.dot_dimension_numbers<[1], [0], [0], [1], [0, 0, 1, 1], [], []>, transpose_lhs_hint = false} : vector<1000x128xf32>, vector<128x128xf32>, vector<1000x128xf32> -> vector<1000x128xf32>
    %add3A_23 = vector.broadcast %get3A_6 : vector<1x128xf32> to vector<1000x128xf32>
    %add3A_24 = arith.addf %dot_general3A_22, %add3A_23 : vector<1000x128xf32>
    %max3A_25 = arith.constant 0.000000e+00 : f32
    %max3A_26 = vector.broadcast %max3A_25 : f32 to vector<1000x128xf32>
    %max3A_27 = arith.maximumf %add3A_24, %max3A_26 : vector<1000x128xf32>
    %get3A_28 = arith.constant 0 : index
    %get3A_29 = arith.constant 0 : index
    %get3A_30 = arith.constant 0 : index
    %get3A_31 = vector.load %arg3[%get3A_28, %get3A_29, %get3A_30] : memref<1x1000x128xf32, #tpu.memory_space<vmem>>, vector<1x1000x128xf32>
    %get3A_32 = vector.shape_cast %get3A_31 : vector<1x1000x128xf32> to vector<1000x128xf32>
    %get3A_33 = arith.constant 0 : index
    %get3A_34 = arith.constant 0 : index
    %get3A_35 = arith.constant 0 : index
    %get3A_36 = vector.load %arg4[%get3A_33, %get3A_34, %get3A_35] : memref<1x1000x128xf32, #tpu.memory_space<vmem>>, vector<1x1000x128xf32>
    %get3A_37 = vector.shape_cast %get3A_36 : vector<1x1000x128xf32> to vector<1000x128xf32>
    %add3A_38 = arith.addf %get3A_32, %get3A_37 : vector<1000x128xf32>
    %dot_general3A_39 = arith.constant dense<0.000000e+00> : vector<1000x128xf32>
    %dot_general3A_40 = tpu.matmul %add3A_38, %get3A_3, %dot_general3A_39 {dimension_numbers = #tpu.dot_dimension_numbers<[1], [0], [0], [1], [0, 0, 1, 1], [], []>, transpose_lhs_hint = false} : vector<1000x128xf32>, vector<128x128xf32>, vector<1000x128xf32> -> vector<1000x128xf32>
    %add3A_41 = vector.broadcast %get3A_6 : vector<1x128xf32> to vector<1000x128xf32>
    %add3A_42 = arith.addf %dot_general3A_40, %add3A_41 : vector<1000x128xf32>
    %max3A_43 = arith.constant 0.000000e+00 : f32
    %max3A_44 = vector.broadcast %max3A_43 : f32 to vector<1000x128xf32>
    %max3A_45 = arith.maximumf %add3A_42, %max3A_44 : vector<1000x128xf32>
    %get3A_46 = arith.constant 0 : index
    %get3A_47 = arith.constant 0 : index
    %get3A_48 = arith.constant 0 : index
    %get3A_49 = vector.load %arg7[%get3A_46, %get3A_47, %get3A_48] : memref<1x1x1000xi32, #tpu.memory_space<vmem>>, vector<1x1x1000xi32>
    %get3A_50 = vector.shape_cast %get3A_49 : vector<1x1x1000xi32> to vector<1x1000xi32>
    %iota3A = tpu.iota {dimensions = array<i32: 0>} : vector<128x1000xi32>
    %eq3A_51 = vector.broadcast %get3A_50 : vector<1x1000xi32> to vector<128x1000xi32>
    %eq3A_52 = arith.cmpi eq, %iota3A, %eq3A_51 : vector<128x1000xi32>
    %convert_element_type3A_53 = arith.extui %eq3A_52 : vector<128x1000xi1> to vector<128x1000xi32>
    %convert_element_type3A_54 = arith.sitofp %convert_element_type3A_53 : vector<128x1000xi32> to vector<128x1000xf32>
    %get3A_55 = arith.constant 0 : index
    %get3A_56 = arith.constant 0 : index
    %get3A_57 = vector.load %arg8[%get3A_55, %get3A_56] : memref<128x128xf32, #tpu.memory_space<vmem>>, vector<128x128xf32>
    %dot_general3A_58 = arith.constant dense<0.000000e+00> : vector<128x128xf32>
    %dot_general3A_59 = tpu.matmul %convert_element_type3A_54, %max3A_15, %dot_general3A_58 {dimension_numbers = #tpu.dot_dimension_numbers<[1], [0], [0], [1], [0, 0, 1, 1], [], []>, transpose_lhs_hint = false} : vector<128x1000xf32>, vector<1000x128xf32>, vector<128x128xf32> -> vector<128x128xf32>
    %add3A_60 = arith.addf %get3A_57, %dot_general3A_59 : vector<128x128xf32>
    %swap3A = arith.constant 0 : index
    %swap3A_61 = arith.constant 0 : index
    %swap3A_62 = vector.load %arg8[%swap3A, %swap3A_61] : memref<128x128xf32, #tpu.memory_space<vmem>>, vector<128x128xf32>
    tpu.vector_store %arg8[%swap3A, %swap3A_61], %add3A_60 {strides = array<i32>} : memref<128x128xf32, #tpu.memory_space<vmem>>, vector<128x128xf32>,
    %get3A_63 = arith.constant 0 : index
    %get3A_64 = arith.constant 0 : index
    %get3A_65 = vector.load %arg9[%get3A_63, %get3A_64] : memref<128x128xf32, #tpu.memory_space<vmem>>, vector<128x128xf32>
    %dot_general3A_66 = arith.constant dense<0.000000e+00> : vector<128x128xf32>
    %dot_general3A_67 = tpu.matmul %convert_element_type3A_54, %max3A_27, %dot_general3A_66 {dimension_numbers = #tpu.dot_dimension_numbers<[1], [0], [0], [1], [0, 0, 1, 1], [], []>, transpose_lhs_hint = false} : vector<128x1000xf32>, vector<1000x128xf32>, vector<128x128xf32> -> vector<128x128xf32>
    %add3A_68 = arith.addf %get3A_65, %dot_general3A_67 : vector<128x128xf32>
    %swap3A_69 = arith.constant 0 : index
    %swap3A_70 = arith.constant 0 : index
    %swap3A_71 = vector.load %arg9[%swap3A_69, %swap3A_70] : memref<128x128xf32, #tpu.memory_space<vmem>>, vector<128x128xf32>
    tpu.vector_store %arg9[%swap3A_69, %swap3A_70], %add3A_68 {strides = array<i32>} : memref<128x128xf32, #tpu.memory_space<vmem>>, vector<128x128xf32>,
    %get3A_72 = arith.constant 0 : index
    %get3A_73 = arith.constant 0 : index
    %get3A_74 = vector.load %arg10[%get3A_72, %get3A_73] : memref<128x128xf32, #tpu.memory_space<vmem>>, vector<128x128xf32>
    %dot_general3A_75 = arith.constant dense<0.000000e+00> : vector<128x128xf32>
    %dot_general3A_76 = tpu.matmul %convert_element_type3A_54, %max3A_45, %dot_general3A_75 {dimension_numbers = #tpu.dot_dimension_numbers<[1], [0], [0], [1], [0, 0, 1, 1], [], []>, transpose_lhs_hint = false} : vector<128x1000xf32>, vector<1000x128xf32>, vector<128x128xf32> -> vector<128x128xf32>
    %add3A_77 = arith.addf %get3A_74, %dot_general3A_76 : vector<128x128xf32>
    %swap3A_78 = arith.constant 0 : index
    %swap3A_79 = arith.constant 0 : index
    %swap3A_80 = vector.load %arg10[%swap3A_78, %swap3A_79] : memref<128x128xf32, #tpu.memory_space<vmem>>, vector<128x128xf32>
    tpu.vector_store %arg10[%swap3A_78, %swap3A_79], %add3A_77 {strides = array<i32>} : memref<128x128xf32, #tpu.memory_space<vmem>>, vector<128x128xf32>,
    %get3A_81 = arith.constant 0 : index
    %get3A_82 = arith.constant 0 : index
    %get3A_83 = vector.load %arg11[%get3A_81, %get3A_82] : memref<128x128xf32, #tpu.memory_space<vmem>>, vector<128x128xf32>
    %broadcast_in_dim3A = arith.constant 1.000000e+00 : f32
    %broadcast_in_dim3A_84 = vector.broadcast %broadcast_in_dim3A : f32 to vector<1000x128xf32>
    %dot_general3A_85 = arith.constant dense<0.000000e+00> : vector<128x128xf32>
    %dot_general3A_86 = tpu.matmul %convert_element_type3A_54, %broadcast_in_dim3A_84, %dot_general3A_85 {dimension_numbers = #tpu.dot_dimension_numbers<[1], [0], [0], [1], [0, 0, 1, 1], [], []>, transpose_lhs_hint = false} : vector<128x1000xf32>, vector<1000x128xf32>, vector<128x128xf32> -> vector<128x128xf32>
    %add3A_87 = arith.addf %get3A_83, %dot_general3A_86 : vector<128x128xf32>
    %swap3A_88 = arith.constant 0 : index
    %swap3A_89 = arith.constant 0 : index
    %swap3A_90 = vector.load %arg11[%swap3A_88, %swap3A_89] : memref<128x128xf32, #tpu.memory_space<vmem>>, vector<128x128xf32>
    tpu.vector_store %arg11[%swap3A_88, %swap3A_89], %add3A_87 {strides = array<i32>} : memref<128x128xf32, #tpu.memory_space<vmem>>, vector<128x128xf32>,
    %eq3A_91 = arith.constant 9 : i32
    %eq3A_92 = arith.cmpi eq, %arg0, %eq3A_91 : i32
    %convert_element_type3A_93 = arith.extui %eq3A_92 : i1 to i32
    %cond3A_94 = arith.constant 0 : i32
    %cond3A_95 = arith.cmpi ne, %convert_element_type3A_93, %cond3A_94 : i32
    scf.if %cond3A_95 {
      %get3A_96 = arith.constant 0 : index
      %get3A_97 = arith.constant 0 : index
      %get3A_98 = vector.load %arg11[%get3A_96, %get3A_97] : memref<128x128xf32, #tpu.memory_space<vmem>>, vector<128x128xf32>
      %max3A_99 = arith.constant 1.000000e+00 : f32
      %max3A_100 = vector.broadcast %max3A_99 : f32 to vector<128x128xf32>
      %max3A_101 = arith.maximumf %get3A_98, %max3A_100 : vector<128x128xf32>
      %get3A_102 = arith.constant 0 : index
      %get3A_103 = arith.constant 0 : index
      %get3A_104 = vector.load %arg8[%get3A_102, %get3A_103] : memref<128x128xf32, #tpu.memory_space<vmem>>, vector<128x128xf32>
      %div3A = arith.divf %get3A_104, %max3A_101 : vector<128x128xf32>
      %swap3A_105 = arith.constant 0 : index
      %swap3A_106 = arith.constant 0 : index
      %swap3A_107 = vector.load %arg8[%swap3A_105, %swap3A_106] : memref<128x128xf32, #tpu.memory_space<vmem>>, vector<128x128xf32>
      tpu.vector_store %arg8[%swap3A_105, %swap3A_106], %div3A {strides = array<i32>} : memref<128x128xf32, #tpu.memory_space<vmem>>, vector<128x128xf32>,
      %get3A_108 = arith.constant 0 : index
      %get3A_109 = arith.constant 0 : index
      %get3A_110 = vector.load %arg9[%get3A_108, %get3A_109] : memref<128x128xf32, #tpu.memory_space<vmem>>, vector<128x128xf32>
      %div3A_111 = arith.divf %get3A_110, %max3A_101 : vector<128x128xf32>
      %swap3A_112 = arith.constant 0 : index
      %swap3A_113 = arith.constant 0 : index
      %swap3A_114 = vector.load %arg9[%swap3A_112, %swap3A_113] : memref<128x128xf32, #tpu.memory_space<vmem>>, vector<128x128xf32>
      tpu.vector_store %arg9[%swap3A_112, %swap3A_113], %div3A_111 {strides = array<i32>} : memref<128x128xf32, #tpu.memory_space<vmem>>, vector<128x128xf32>,
      %get3A_115 = arith.constant 0 : index
      %get3A_116 = arith.constant 0 : index
      %get3A_117 = vector.load %arg10[%get3A_115, %get3A_116] : memref<128x128xf32, #tpu.memory_space<vmem>>, vector<128x128xf32>
      %div3A_118 = arith.divf %get3A_117, %max3A_101 : vector<128x128xf32>
      %swap3A_119 = arith.constant 0 : index
      %swap3A_120 = arith.constant 0 : index
      %swap3A_121 = vector.load %arg10[%swap3A_119, %swap3A_120] : memref<128x128xf32, #tpu.memory_space<vmem>>, vector<128x128xf32>
      tpu.vector_store %arg10[%swap3A_119, %swap3A_120], %div3A_118 {strides = array<i32>} : memref<128x128xf32, #tpu.memory_space<vmem>>, vector<128x128xf32>,
    } else {
    }
    return
  }
  func.func @transform_0(%arg0: i32) -> (i32, i32, i32) {
    %c0_i32 = arith.constant 0 : i32
    %c0_i32_0 = arith.constant 0 : i32
    %c0_i32_1 = arith.constant 0 : i32
    return %c0_i32, %arg0, %c0_i32_0 : i32, i32, i32
  }
  func.func @transform_1(%arg0: i32) -> (i32, i32, i32) {
    %c1_i32 = arith.constant 1 : i32
    %c0_i32 = arith.constant 0 : i32
    %c0_i32_0 = arith.constant 0 : i32
    return %c1_i32, %arg0, %c0_i32 : i32, i32, i32
  }
  func.func @transform_2(%arg0: i32) -> (i32, i32, i32) {
    %c2_i32 = arith.constant 2 : i32
    %c0_i32 = arith.constant 0 : i32
    %c0_i32_0 = arith.constant 0 : i32
    return %c2_i32, %arg0, %c0_i32 : i32, i32, i32
  }
  func.func @transform_3(%arg0: i32) -> (i32, i32, i32) {
    %c3_i32 = arith.constant 3 : i32
    %c0_i32 = arith.constant 0 : i32
    %c0_i32_0 = arith.constant 0 : i32
    return %c3_i32, %arg0, %c0_i32 : i32, i32, i32
  }
  func.func @transform_4(%arg0: i32) -> (i32, i32) {
    %c0_i32 = arith.constant 0 : i32
    %c0_i32_0 = arith.constant 0 : i32
    %c0_i32_1 = arith.constant 0 : i32
    return %c0_i32, %c0_i32_0 : i32, i32
  }
  func.func @transform_5(%arg0: i32) -> (i32, i32) {
    %c0_i32 = arith.constant 0 : i32
    %c0_i32_0 = arith.constant 0 : i32
    %c0_i32_1 = arith.constant 0 : i32
    return %c0_i32, %c0_i32_0 : i32, i32
  }
  func.func @transform_6(%arg0: i32) -> (i32, i32, i32) {
    %c0_i32 = arith.constant 0 : i32
    %c0_i32_0 = arith.constant 0 : i32
    %c0_i32_1 = arith.constant 0 : i32
    return %arg0, %c0_i32, %c0_i32_0 : i32, i32, i32
  }
  func.func @transform_7(%arg0: i32) -> (i32, i32) {
    %c0_i32 = arith.constant 0 : i32
    %c0_i32_0 = arith.constant 0 : i32
    %c0_i32_1 = arith.constant 0 : i32
    return %c0_i32, %c0_i32_0 : i32, i32
  }
  func.func @transform_8(%arg0: i32) -> (i32, i32) {
    %c0_i32 = arith.constant 0 : i32
    %c0_i32_0 = arith.constant 0 : i32
    %c0_i32_1 = arith.constant 0 : i32
    return %c0_i32, %c0_i32_0 : i32, i32
  }
  func.func @transform_9(%arg0: i32) -> (i32, i32) {
    %c0_i32 = arith.constant 0 : i32
    %c0_i32_0 = arith.constant 0 : i32
    %c0_i32_1 = arith.constant 0 : i32
    return %c0_i32, %c0_i32_0 : i32, i32
  }
}

</mosaic_0001>

<sc_bundles>
// kernel: kernel.6.cloned.1.call-start
scs
__scs_entry_jumppad:
0x0: {  	(pc) =	sbr.rel $0x88, $3  }
0x1: {  	(tag) =	ssettag $0x0;
	lr =	simm.s32 $0x1  }
0x2: {  	[smem:$0x3F9A] =	sst lr;
	_ =	strace $0xD0000000  }
0x3: {  	_ = 	snop  }
0x4: {  	_ = 	snop  }
0x5: {  	_ = 	snop  }
0x6: {  	_ = 	snop  }
0x7: {  	_ = 	snop  }
__scs_overlays_trampoline_lowered:
0x8: {  	[smem:$0x3FA9] =	sst s0  }
0x9: {  	[smem:$0x3FAA] =	sst s1  }
0xa: {  	[smem:$0x3FAB] =	sst s2  }
0xb: {  	[smem:$0x3FAC] =	sst s3  }
0xc: {  	[smem:$0x3FAD] =	sst s4  }
0xd: {  	[smem:$0x3FAE] =	sst s5  }
0xe: {  	[smem:$0x3FAF] =	sst s6  }
0xf: {  	[smem:$0x3FB0] =	sst s7  }
0x10: {  	[smem:$0x3FB1] =	sst s8  }
0x11: {  	[smem:$0x3FB2] =	sst s9;
	s0 =	simm.s32 @!p0 $0x0  }
0x12: {  	s1 =	sld [smem:$0x3F98];
	s0 =	simm.s32 @p0 $0x1  }
0x13: {  	[smem:$0x3FB3] =	sst s0;
	s0 =	simm.s32 @!p1 $0x0  }
0x14: {  	s2 =	sld [smem:$0x3F97];
	s0 =	simm.s32 @p1 $0x1  }
0x15: {  	[smem:$0x3FB4] =	sst s0;
	s0 =	simm.s32 @!p2 $0x0  }
0x16: {  	s3 =	sld [smem:$0x3FDB];
	s0 =	simm.s32 @p2 $0x1  }
0x17: {  	s4 =	simm.s32 $0x1BF5;
	[smem:$0x3FB6] =	sst s0  }
0x18: {  	s0 =	sld [smem:$0x3F99];
	_ =	swait.ge [sflag:s4], $0x0  }
0x19: {  	s7 =	sld [smem:$0x3F9A]  }
0x1a: {  	s8 =	sadd.s32 $0xFFFFE003, lr  }
0x1b: {  	s9 =	sadd.s32 $0xFFFFFEF7, lr;
	s5 =	simm.s32 $0xFFFFFFFF;
	p2 =	slt.u32 s8, $0xFFFFF086  }
0x1c: {  	p1 =	slt.u32 s9, $0xF7A;
	s5 =	simm.s32 @!p2 $0x0  }
0x1d: {  	s5 =	simm.s32 @p1 $0x1;
	p0 =	seq.s32 s7, s2  }
0x1e: {  	s7 =	smul.u32 @!p0 $0xF7A, s2;
	p2 =	seq.s32 @!p0 s5, $0x0  }
0x1f: {  	s9 =	smul.u32 $0xF7A, s1;
	s8 =	simm.s32 @!p0 $0x1BF5;
	p2 =	por !p2, p0  }
0x20: {  	[sflag:s8] =	ssyncset.s32 @!p0 $0xFFFFF086;
	s6 =	sadd.s32 @!p0 s3, s7;
	s7 =	simm.s32 @!p0 $0x108  }
0x21: {  	s3 =	sadd.s32 s3, s9;
	s6 =	sadd.s32 @!p0 $0x88, s6;
	s7 =	simm.s32 @p2 $0x1082  }
0x22: {  	[simem:s7], [sflag:s8] =	dma.local @!p0 [hbm:s6], $0xF7A  }
0x23: {  	s9 =	sor.u32 $0xD0000000, s2;
	s6 =	simm.s32 $0x108;
	_ =	swait.ge @!p0 [sflag:s8], $0x0  }
0x24: {  	s3 =	sadd.s32 $0x88, s3;
	s6 =	simm.s32 @!p1 $0x1082;
	[sflag:s4] =	ssyncset.s32 $0xFFFFF086  }
0x25: {  	[simem:s6], [sflag:s4] =	dma.local [hbm:s3], $0xF7A  }
0x26: {  	[smem:$0x3F9A] =	sst s1;
	(tag) =	ssettag s2;
	_ =	strace s9  }
0x27: {  	s1 =	sld [smem:$0x3FAA]  }
0x28: {  	s2 =	sld [smem:$0x3FAB]  }
0x29: {  	s4 =	sld [smem:$0x3FAD]  }
0x2a: {  	p0 =	seq.s32 s5, $0x0;
	s5 =	sld [smem:$0x3FAE]  }
0x2b: {  	s6 =	sld [smem:$0x3FAF]  }
0x2c: {  	s7 =	sld [smem:$0x3FB0]  }
0x2d: {  	s3 =	simm.s32 $0x108;
	s8 =	sld [smem:$0x3FB1]  }
0x2e: {  	s3 =	simm.s32 @!p0 $0x1082;
	s9 =	sld [smem:$0x3FB2]  }
0x2f: {  	lr =	sadd.s32 s0, s3;
	s0 =	sld [smem:$0x3FA9]  }
0x30: {  	s3 =	sld [smem:$0x3FAC]  }
0x31: {  	[smem:$0x3FB5] =	sst s10  }
0x32: {  	s10 =	sld [smem:$0x3FB3];
	_ =	sdelay $0x3  }
0x33: {  	p0 =	seq.s32 s10, $0x1;
	s10 =	sld [smem:$0x3FB5];
	_ =	sdelay $0x3  }
0x34: {  	[smem:$0x3FB5] =	sst s10  }
0x35: {  	s10 =	sld [smem:$0x3FB4];
	_ =	sdelay $0x3  }
0x36: {  	p1 =	seq.s32 s10, $0x1;
	s10 =	sld [smem:$0x3FB5];
	_ =	sdelay $0x3  }
0x37: {  	[smem:$0x3FB5] =	sst s10  }
0x38: {  	s10 =	sld [smem:$0x3FB6]  }
0x39: {  	_ = 	snop;
	(pc) =	sbr.ind lr, $3  }
0x3a: {  	_ = 	snop  }
0x3b: {  	_ = 	snop  }
0x3c: {  	p2 =	seq.s32 s10, $0x1;
	s10 =	sld [smem:$0x3FB5]  }
0x3d: {  	_ =	shalt  }
0x3e: {  	_ =	shalt  }
0x3f: {  	_ =	shalt  }
0x40: {  	_ =	shalt  }
0x41: {  	_ =	shalt  }
0x42: {  	_ =	shalt  }
0x43: {  	_ =	shalt  }
0x44: {  	_ =	shalt  }
0x45: {  	_ =	shalt  }
0x46: {  	_ =	shalt  }
0x47: {  	_ =	shalt  }
0x48: {  	_ =	shalt  }
0x49: {  	_ =	shalt  }
0x4a: {  	_ =	shalt  }
0x4b: {  	_ =	shalt  }
0x4c: {  	_ =	shalt  }
0x4d: {  	_ =	shalt  }
0x4e: {  	_ =	shalt  }
0x4f: {  	_ =	shalt  }
0x50: {  	_ =	shalt  }
0x51: {  	_ =	shalt  }
0x52: {  	_ =	shalt  }
0x53: {  	_ =	shalt  }
0x54: {  	_ =	shalt  }
0x55: {  	_ =	shalt  }
0x56: {  	_ =	shalt  }
0x57: {  	_ =	shalt  }
0x58: {  	_ =	shalt  }
0x59: {  	_ =	shalt  }
0x5a: {  	_ =	shalt  }
0x5b: {  	_ =	shalt  }
0x5c: {  	_ =	shalt  }
0x5d: {  	_ =	shalt  }
0x5e: {  	_ =	shalt  }
0x5f: {  	_ =	shalt  }
0x60: {  	_ =	shalt  }
0x61: {  	_ =	shalt  }
0x62: {  	_ =	shalt  }
0x63: {  	_ =	shalt  }
0x64: {  	_ =	shalt  }
0x65: {  	_ =	shalt  }
0x66: {  	_ =	shalt  }
0x67: {  	_ =	shalt  }
0x68: {  	_ =	shalt  }
0x69: {  	_ =	shalt  }
0x6a: {  	_ =	shalt  }
0x6b: {  	_ =	shalt  }
0x6c: {  	_ =	shalt  }
0x6d: {  	_ =	shalt  }
0x6e: {  	_ =	shalt  }
0x6f: {  	_ =	shalt  }
0x70: {  	_ =	shalt  }
0x71: {  	_ =	shalt  }
0x72: {  	_ =	shalt  }
0x73: {  	_ =	shalt  }
0x74: {  	_ =	shalt  }
0x75: {  	_ =	shalt  }
0x76: {  	_ =	shalt  }
0x77: {  	_ =	shalt  }
0x78: {  	_ =	shalt  }
0x79: {  	_ =	shalt  }
0x7a: {  	_ =	shalt  }
0x7b: {  	_ =	shalt  }
0x7c: {  	_ =	shalt  }
0x7d: {  	_ =	shalt  }
0x7e: {  	_ =	shalt  }
0x7f: {  	_ =	shalt  }
0x80: {  	_ =	shalt  }
0x81: {  	_ =	shalt  }
0x82: {  	_ =	shalt  }
0x83: {  	_ =	shalt  }
0x84: {  	_ =	shalt  }
0x85: {  	_ =	shalt  }
0x86: {  	_ =	shalt  }
0x87: {  	_ =	shalt  }
.Lfunc_end0:
.L_simem_size_0:
called_computation_lowered:
.L_overlay_start_0:
0x88: {  	s2 =	sld [smem:$0x3FD9]  }
0x89: {  	s3 =	sld [smem:$0x3FFE];
	_ =	sdelay $0x1  }
0x8a: {  	s1 =	srdreg.scid  }
0x8b: {  	s0 =	sand.u32 $0x1, s1  }
0x8c: {  	s17 =	sshll.u32 s0, $0xA;
	s2 =	sadd.s32 s3, s2  }
0x8d: {  	s2 =	sadd.s32 s2, s17  }
0x8e: {  	[smem:$0x3FC1] =	sst s2  }
0x8f: {  	_ = 	snop  }
0x90: {  	s2 =	sld [smem:$0x3FC9];
	(tm) =	ssettm $0x1  }
0x91: {  	s18 =	sld [smem:$0x3FFB];
	_ =	sdelay $0x3  }
0x92: {  	_ =	strace s18  }
0x93: {  	s3 =	sld [smem:$0x3FFC];
	_ =	sdelay $0x3  }
0x94: {  	_ =	strace s3  }
0x95: {  	s3 =	sld [smem:$0x3FFD];
	_ =	sdelay $0x3  }
0x96: {  	_ =	strace s3  }
0x97: {  	_ =	strace $0x8FFFFFFF  }
0x98: {  	s19 =	sld [smem:$0x3FDB];
	_ =	sdelay $0x1  }
0x99: {  	s4 =	simm.s32 $_scs_section_size  }
0x9a: {  	s5 =	simm.s32 $_size__tile_overlayer_lowered;
	s6 =	simm.s32 $_tile_overlayer_lowered  }
0x9b: {  	s22 =	simm.s32 $0x1BFF;
	s21 =	sshll.u32 s6, $0x1;
	s3 =	sadd.s32 s4, s19  }
0x9c: {  	s7 =	simm.s32 $0x0;
	s20 =	sshll.u32 s5, $0x1;
	s5 =	sadd.s32 s21, s3  }
0x9d: {  	[timem:s7], [sflag:s22] =	dma.local [hbm:s5], s20  }
0x9e: {  	_ =	swait.ge [sflag:s22], s20  }
0x9f: {  	s4 =	ssub.s32 $0x0, s20;
	[sflag:s22] =	ssyncset.done $0x0  }
0xa0: {  	[sflag:s22] =	ssyncadd.s32 s4;
	_ =	sdelay $0x1  }
0xa1: {  	s23 =	simm.s32 $0x1B8B  }
0xa2: {  	_ =	swait.ge [sflag:s23], $0x1  }
0xa3: {  	[sflag:s23] =	ssyncset.done $0x0  }
0xa4: {  	s25 =	simm.s32 $0x1B8E;
	s24 =	sld [smem:$0x3FFE];
	[sflag:s23] =	ssyncadd.s32 $0xFFFFFFFF  }
0xa5: {  	s26 =	simm.s32 $execute0_lowered;
	[smem:$0x3FD2] =	sst s25  }
0xa6: {  	s5 =	sshll.u32 s26, $0x1;
	_ =	strace $0x80000046;
	[dreg:$0x1] =	wrdreg $0xFFFFFFFF  }
0xa7: {  	s28 =	simm.s32 $_size_execute0_lowered;
	s3 =	sadd.s32 s3, s5;
	[dreg:$0x0] =	wrdreg $0x0  }
0xa8: {  	s5 =	sshll.u32 s28, $0x1;
	[dreg:$0x2] =	wrdreg s3  }
0xa9: {  	[dreg:$0x3] =	wrdreg s5  }
0xaa: {  	[dreg:$0x4] =	wrdreg $0xC0  }
0xab: {  	_ =	task [dreg:s7], $0x5FFFF  }
0xac: {  	[dreg:$0x1] =	wrdreg $0xFFFFFFFF  }
0xad: {  	[dreg:$0x0] =	wrdreg $0x60  }
0xae: {  	[dreg:$0x2] =	wrdreg s2  }
0xaf: {  	[dreg:$0x3] =	wrdreg s24  }
0xb0: {  	[dreg:$0x4] =	wrdreg $0x0  }
0xb1: {  	[dreg:$0x5] =	wrdreg $0x9  }
0xb2: {  	_ =	task.clear_ibuf [dreg:s7], $0x6FFFF;
	_ =	strace $0x90000046  }
0xb3: {  	s29 =	simm.s32 $0x9;
	_ =	strace $0x80000048  }
0xb4: {  	_ =	swait.ge [sflag:s29], $0x1  }
0xb5: {  	[sflag:s29] =	ssyncadd.s32 $0xFFFFFFFF  }
0xb6: {  	_ =	strace $0x90000048  }
0xb7: {  	_ =	sfence  }
0xb8: {  	s30 =	sld [smem:$0x0];
	_ =	sdelay $0x2  }
0xb9: {  	s31 =	sshll.u32 s1, $0xD;
	s1 =	sshrl.u32 s1, $0x2  }
0xba: {  	s3 =	sand.u32 $0x4000, s31;
	s1 =	sadd.s32 s1, s30  }
0xbb: {  	s0 =	sor.u32 s3, s0;
	s1 =	sshll.u32 s1, $0x11  }
0xbc: {  	s0 =	sor.u32 s1, s0  }
0xbd: {  	s0 =	sadd.s32 $0x8F2B, s0  }
0xbe: {  	[sflag:s0] =	ssyncadd.remote.s32 $0x1  }
0xbf: {  	_ =	sfence.sel $0xFFFF  }
0xc0: {  	[dreg:$0x0] =	wrdreg $0xFFFFFFFF;
	(pc) =	sbr.abs _section_cstart, $3  }
0xc1: {  	[dreg:$0x1] =	wrdreg $0xFFFFFFFF  }
0xc2: {  	_ =	task.clear_ibuf [dreg:s7], $0x2FFFF;
	_ =	strace $0x9FFFFFFF  }
0xc3: {  	(tm) =	ssettm $0x7FFFFFFF  }
tec
execute0_lowered:
.L_overlay_start_1:
0x0: {  	(tag) =	ssettag $0x1  }
0x1: {  	s1 =	rddreg [dreg:$0x0]  }
0x2: {  	s0 =	rddreg [dreg:$0x1]  }
0x3: {  	s2 =	rddreg [dreg:$0x2];
	s3 =	simm.s32 $0x0;
	s4 =	srdreg.scid  }
0x4: {  	s13 =	stileid.u32;
	s28 =	simm.s32 $0x15400;
	s29 =	simm.s32 $0x80  }
0x5: {  	s30 =	simm.s32 $0x1A800;
	s31 =	simm.s32 $0x1;
	[smem:$0x7FF] =	sst s3  }
0x6: {  	s5 =	sadd.s32 $0x15C00, s0;
	s6 =	sadd.s32 $0xBC00, s0;
	s4 =	sand.u32 $0x1, s4  }
0x7: {  	s8 =	smul.u32 $0x50000, s13;
	s7 =	sadd.s32 $0x1C00, s0;
	s0 =	sadd.s32 $0x1FC00, s0  }
0x8: {  	s12 =	smul.u32 $0x14000, s13;
	_ =	strace $0x80000047;
	s9 =	ssub.s32 $0x2, s4  }
0x9: {  	s11 =	smul.u32 $0x140000, s4;
	p0 =	seq.s32 s4, $0x1;
	s10 =	sshrl.u32 s9, $0x1  }
0xa: {  	s8 =	sshrl.u32 s8, $0x2;
	s18 =	sadd.s32 $0x4000, s12;
	s21 =	sadd.s32 $0x8000, s12  }
0xb: {  	s24 =	sadd.s32 $0xC000, s12;
	s10 =	ssub.s32 s9, s10;
	s8 =	sadd.s32 s8, s2  }
0xc: {  	s9 =	smul.u32 $0xA0, s13;
	s16 =	sadd.s32 s11, s12;
	s20 =	sadd.s32 s11, s18  }
0xd: {  	s22 =	sadd.s32 s21, s2;
	s23 =	sadd.s32 s11, s21;
	s12 =	sadd.s32 $0x10000, s12  }
0xe: {  	s25 =	sadd.s32 s11, s24;
	s13 =	smax.u32 s10, $0x1;
	[dreg:$0xc] =	wrdreg s22  }
0xf: {  	s14 =	sadd.s32 $0x4000, s8;
	s15 =	sadd.s32 $0x8000, s8;
	[dreg:$0x4] =	wrdreg s13  }
0x10: {  	s17 =	sadd.s32 $0xC000, s8;
	s4 =	sshrl.u32 s16, $0x3;
	[dreg:$0x5] =	wrdreg s14  }
0x11: {  	s19 =	sadd.s32 $0x10000, s8;
	s10 =	sadd.s32 s18, s2;
	[dreg:$0x6] =	wrdreg s15  }
0x12: {  	s11 =	sadd.s32 s11, s12;
	s22 =	sadd.s32 s12, s2;
	[dreg:$0x7] =	wrdreg s17  }
0x13: {  	s12 =	simm.s32 $0x0;
	[dreg:$0x8] =	wrdreg s19;
	s4 =	sadd.s32 s0, s4  }
0x14: {  	[dreg:$0xa] =	wrdreg s10;
	s26 =	sshrl.u32 s11, $0x3;
	s10 =	simm.s32 $0x16700  }
0x15: {  	s11 =	simm.s32 $0x16780;
	[dreg:$0x9] =	wrdreg s4;
	s4 =	sshrl.u32 s20, $0x3  }
.Ltmp0:
0x16: {  	s20 =	sadd.s32 s24, s2;
	s4 =	sadd.s32 s0, s4;
	(pc) =	sbr.rel .LBB2_1-.Ltmp0, $4  }
0x17: {  	s24 =	simm.s32 $0x16800;
	[dreg:$0xb] =	wrdreg s4;
	s4 =	sshrl.u32 s23, $0x3  }
0x18: {  	s23 =	sadd.s32 s0, s26;
	s26 =	simm.s32 $0x14000;
	s4 =	sadd.s32 s0, s4  }
0x19: {  	[dreg:$0xd] =	wrdreg s4;
	s4 =	sshrl.u32 s25, $0x3;
	s25 =	simm.s32 $0x3  }
0x1a: {  	v0 =	vimm.f32 $0.0e+00;
	s21 =	sadd.s32 s0, s4;
	s0 =	simm.s32 $0x2;
	s4 =	simm.s32 $0x15380  }
.LBB2_10:
0x1b: {  	[bflag:$0x0] =	sbarrier.arrive $0xFFFF  }
0x1c: {  	[tilespmem:s24], [sflag:$0x3] =	stream.linear.gather [spmem:s8], $0x4000, $0x38;
	[tilespmem:$0x1E800] =	vst v63  }
0x1d: {  	_ =	swait.ge [sflag:s25], $0x4000  }
0x1e: {  	[sflag:s25] =	ssyncset.done $0x0  }
0x1f: {  	s13 =	rddreg [dreg:$0x9];
	[sflag:s25] =	ssyncadd.s32 $0xFFFFC000  }
0x20: {  	[hbm4b:s13+s3] =	stream.linear.scatter [tilespmem:s24], [sflag:$0x3], $0x4000, $0x38;
	[tilespmem:$0x1E800] =	vst v63  }
0x21: {  	_ =	swait.ge [sflag:s25], $0x4000  }
0x22: {  	[sflag:s25] =	ssyncset.done $0x0  }
0x23: {  	s15 =	rddreg [dreg:$0xa];
	[sflag:s25] =	ssyncadd.s32 $0xFFFFC000  }
0x24: {  	[tilespmem:s24], [sflag:$0x3] =	stream.linear.gather [spmem:s15], $0x4000, $0x38;
	[tilespmem:$0x1E800] =	vst v63  }
0x25: {  	_ =	swait.ge [sflag:s25], $0x4000  }
0x26: {  	[sflag:s25] =	ssyncset.done $0x0  }
0x27: {  	s16 =	rddreg [dreg:$0xb];
	[sflag:s25] =	ssyncadd.s32 $0xFFFFC000  }
0x28: {  	[hbm4b:s16+s3] =	stream.linear.scatter [tilespmem:s24], [sflag:$0x3], $0x4000, $0x38;
	[tilespmem:$0x1E800] =	vst v63  }
0x29: {  	_ =	swait.ge [sflag:s25], $0x4000  }
0x2a: {  	[sflag:s25] =	ssyncset.done $0x0  }
0x2b: {  	s17 =	rddreg [dreg:$0xc];
	[sflag:s25] =	ssyncadd.s32 $0xFFFFC000  }
0x2c: {  	[tilespmem:s24], [sflag:$0x3] =	stream.linear.gather [spmem:s17], $0x4000, $0x38;
	[tilespmem:$0x1E800] =	vst v63  }
0x2d: {  	_ =	swait.ge [sflag:s25], $0x4000  }
0x2e: {  	[sflag:s25] =	ssyncset.done $0x0  }
0x2f: {  	s18 =	rddreg [dreg:$0xd];
	[sflag:s25] =	ssyncadd.s32 $0xFFFFC000  }
0x30: {  	[hbm4b:s18+s3] =	stream.linear.scatter [tilespmem:s24], [sflag:$0x3], $0x4000, $0x38;
	[tilespmem:$0x1E800] =	vst v63  }
0x31: {  	_ =	swait.ge [sflag:s25], $0x4000  }
0x32: {  	[sflag:s25] =	ssyncset.done $0x0  }
0x33: {  	[sflag:s25] =	ssyncadd.s32 $0xFFFFC000  }
0x34: {  	[tilespmem:s24], [sflag:$0x3] =	stream.linear.gather [spmem:s20], $0x4000, $0x38;
	[tilespmem:$0x1E800] =	vst v63  }
0x35: {  	_ =	swait.ge [sflag:s25], $0x4000  }
0x36: {  	[sflag:s25] =	ssyncset.done $0x0  }
0x37: {  	[sflag:s25] =	ssyncadd.s32 $0xFFFFC000  }
0x38: {  	[hbm4b:s21+s3] =	stream.linear.scatter [tilespmem:s24], [sflag:$0x3], $0x4000, $0x38;
	[tilespmem:$0x1E800] =	vst v63  }
0x39: {  	_ =	swait.ge [sflag:s25], $0x4000  }
0x3a: {  	[sflag:s25] =	ssyncset.done $0x0  }
0x3b: {  	[sflag:s25] =	ssyncadd.s32 $0xFFFFC000  }
0x3c: {  	[tilespmem:s24], [sflag:$0x3] =	stream.linear.gather [spmem:s22], $0x4000, $0x38;
	[tilespmem:$0x1E800] =	vst v63  }
0x3d: {  	_ =	swait.ge [sflag:s25], $0x4000  }
0x3e: {  	[sflag:s25] =	ssyncset.done $0x0  }
0x3f: {  	[sflag:s25] =	ssyncadd.s32 $0xFFFFC000  }
0x40: {  	[hbm4b:s23+s3] =	stream.linear.scatter [tilespmem:s24], [sflag:$0x3], $0x4000, $0x38;
	[tilespmem:$0x1E800] =	vst v63  }
0x41: {  	_ =	swait.ge [sflag:s25], $0x4000  }
0x42: {  	s12 =	sadd.s32 $0x1, s12;
	s19 =	rddreg [dreg:$0x4]  }
0x43: {  	p1 =	sne.s32 s12, s19  }
.Ltmp1:
0x44: {  	_ = 	snop;
	(pc) =	sbr.rel @!p1 .LBB2_11-.Ltmp1, $3  }
0x45: {  	_ =	sdelay $0x1  }
0x46: {  	[sflag:s25] =	ssyncset.done $0x0  }
0x47: {  	[sflag:s25] =	ssyncadd.s32 $0xFFFFC000  }
.LBB2_1:
0x48: {  	s13 =	simm.s32 $0x0;
	s14 =	simm.s32 $0x200  }
.LBB2_2:
0x49: {  	p1 =	sne.s32 s14, $0xFE00;
	[tilespmem:s13+$0x16870] =	vst v0  }
0x4a: {  	[tilespmem:s13+$0x16800] =	vst v0  }
0x4b: {  	[tilespmem:s13+$0x16810] =	vst v0  }
.Ltmp2:
0x4c: {  	[tilespmem:s13+$0x16820] =	vst v0;
	(pc) =	sbr.rel @p1 .LBB2_2-.Ltmp2, $4  }
0x4d: {  	[tilespmem:s13+$0x16830] =	vst v0  }
0x4e: {  	[tilespmem:s13+$0x16840] =	vst v0  }
0x4f: {  	[tilespmem:s13+$0x16850] =	vst v0  }
0x50: {  	[tilespmem:s13+$0x16860] =	vst v0;
	s13 =	sshra.s32 s14, $0x2;
	s14 =	sadd.s32 $0x200, s14  }
0x51: {  	[tilespmem:s13+$0x16870] =	vst v0  }
0x52: {  	[tilespmem:s13+$0x16800] =	vst v0  }
0x53: {  	[tilespmem:s13+$0x16810] =	vst v0  }
0x54: {  	[tilespmem:s13+$0x16820] =	vst v0  }
0x55: {  	[tilespmem:s13+$0x16830] =	vst v0  }
0x56: {  	[tilespmem:s13+$0x16840] =	vst v0  }
0x57: {  	[tilespmem:s13+$0x16850] =	vst v0  }
0x58: {  	[tilespmem:s13+$0x16860] =	vst v0  }
0x59: {  	[spmem:s8] =	stream.linear.scatter [tilespmem:s24], [sflag:$0x3], $0x4000, $0x38;
	[tilespmem:$0x1E800] =	vst v63  }
0x5a: {  	_ =	swait.ge [sflag:s25], $0x4000  }
0x5b: {  	[sflag:s25] =	ssyncset.done $0x0  }
0x5c: {  	s16 =	rddreg [dreg:$0x5];
	[sflag:s25] =	ssyncadd.s32 $0xFFFFC000  }
0x5d: {  	[spmem:s16] =	stream.linear.scatter [tilespmem:s24], [sflag:$0x3], $0x4000, $0x38;
	[tilespmem:$0x1E800] =	vst v63  }
0x5e: {  	_ =	swait.ge [sflag:s25], $0x4000  }
0x5f: {  	[sflag:s25] =	ssyncset.done $0x0  }
0x60: {  	s17 =	rddreg [dreg:$0x6];
	[sflag:s25] =	ssyncadd.s32 $0xFFFFC000  }
0x61: {  	[spmem:s17] =	stream.linear.scatter [tilespmem:s24], [sflag:$0x3], $0x4000, $0x38;
	[tilespmem:$0x1E800] =	vst v63  }
0x62: {  	_ =	swait.ge [sflag:s25], $0x4000  }
0x63: {  	[sflag:s25] =	ssyncset.done $0x0  }
0x64: {  	s18 =	rddreg [dreg:$0x7];
	[sflag:s25] =	ssyncadd.s32 $0xFFFFC000  }
0x65: {  	[spmem:s18] =	stream.linear.scatter [tilespmem:s24], [sflag:$0x3], $0x4000, $0x38;
	[tilespmem:$0x1E800] =	vst v63  }
0x66: {  	_ =	swait.ge [sflag:s25], $0x4000  }
0x67: {  	[sflag:s25] =	ssyncset.done $0x0  }
0x68: {  	s19 =	rddreg [dreg:$0x8];
	[sflag:s25] =	ssyncadd.s32 $0xFFFFC000  }
0x69: {  	[spmem:s19] =	stream.linear.scatter [tilespmem:s24], [sflag:$0x3], $0x4000, $0x38;
	[tilespmem:$0x1E800] =	vst v63  }
.Ltmp3:
0x6a: {  	_ =	swait.ge [sflag:s25], $0x4000;
	(pc) =	sbr.rel @!p0 .LBB2_4-.Ltmp3, $4  }
0x6b: {  	[sflag:s25] =	ssyncset.done $0x0  }
0x6c: {  	[sflag:s25] =	ssyncadd.s32 $0xFFFFC000  }
0x6d: {  	[bflag:$0x0] =	sbarrier.arrive $0xFFFF  }
0x6e: {  	s13 =	simm.s32 $0x0;
	s14 =	simm.s32 $0x0;
	s15 =	simm.s32 $0x0  }
.LBB2_7:
0x6f: {  	s14 =	smul.u32 $0x28, s15;
	_ =	sdelay $0x1  }
0x70: {  	s14 =	sadd.s32 s9, s14  }
0x71: {  	s14 =	sshll.u32 s14, $0x4  }
0x72: {  	s16 =	sadd.s32 s5, s14  }
0x73: {  	[tilespmem:s26], [sflag:$0x3] =	stream.linear.gather [hbm4b:s16+s13], $0x1400, $0x38;
	[tilespmem:$0x1E800] =	vst v63  }
0x74: {  	_ =	swait.ge [sflag:s25], $0x1400  }
0x75: {  	[sflag:s25] =	ssyncset.done $0x0  }
0x76: {  	s14 =	sadd.s32 s7, s14;
	[sflag:s25] =	ssyncadd.s32 $0xFFFFEC00  }
0x77: {  	[tilespmem:s28], [sflag:$0x3] =	stream.linear.gather [hbm4b:s14+s13], $0x1400, $0x38;
	[tilespmem:$0x1E800] =	vst v63  }
0x78: {  	_ =	swait.ge [sflag:s25], $0x1400  }
0x79: {  	[sflag:s25] =	ssyncset.done $0x0  }
0x7a: {  	[sflag:s25] =	ssyncadd.s32 $0xFFFFEC00  }
0x7b: {  	[tilespmem:s24], [sflag:$0x1] =	stream.indirect.gather [hbm4b:s1+s29], $0x80, s26, s29, $0xb8;
	[tilespmem:$0x1E800] =	vst v63  }
0x7c: {  	s16 =	simm.s32 $0x14080  }
0x7d: {  	[tilespmem:s30], [sflag:$0x2] =	stream.indirect.gather [hbm4b:s1+s29], $0x80, s16, s29, $0xb8;
	[tilespmem:$0x1E800] =	vst v63  }
0x7e: {  	_ =	swait.ge [sflag:s31], $0x4000  }
0x7f: {  	[sflag:s31] =	ssyncset.done $0x0  }
0x80: {  	s17 =	simm.s32 $0x15400;
	[sflag:s31] =	ssyncadd.s32 $0xFFFFC000  }
0x81: {  	[spmem:s2] =	stream.indirect.scatter.add.f32 [tilespmem:s24], [sflag:$0x3], $0x80, s17, s29, $0xb8;
	[tilespmem:$0x1E800] =	vst v63  }
0x82: {  	_ =	swait.ge [sflag:s25], $0x4000  }
0x83: {  	[sflag:s25] =	ssyncset.done $0x0  }
0x84: {  	s18 =	simm.s32 $0x14100;
	[sflag:s25] =	ssyncadd.s32 $0xFFFFC000  }
0x85: {  	[tilespmem:s24], [sflag:$0x1] =	stream.indirect.gather [hbm4b:s1+s29], $0x80, s18, s29, $0xb8;
	[tilespmem:$0x1E800] =	vst v63  }
0x86: {  	_ =	swait.ge [sflag:s0], $0x4000  }
0x87: {  	[sflag:s0] =	ssyncset.done $0x0  }
0x88: {  	s19 =	simm.s32 $0x15480;
	[sflag:s0] =	ssyncadd.s32 $0xFFFFC000  }
0x89: {  	[spmem:s2] =	stream.indirect.scatter.add.f32 [tilespmem:s30], [sflag:$0x3], $0x80, s19, s29, $0xb8;
	[tilespmem:$0x1E800] =	vst v63  }
0x8a: {  	_ =	swait.ge [sflag:s25], $0x4000  }
0x8b: {  	s14 =	simm.s32 $0x100;
	s16 =	simm.s32 $0x800;
	[sflag:s25] =	ssyncset.done $0x0  }
.LBB2_8:
0x8c: {  	s17 =	sadd.s32 $0x14080, s14  }
0x8d: {  	[sflag:s25] =	ssyncadd.s32 $0xFFFFC000;
	s18 =	smov.u32 s16;
	s19 =	sadd.s32 $0x400, s16  }
0x8e: {  	[tilespmem:s30], [sflag:$0x2] =	stream.indirect.gather [hbm4b:s1+s29], $0x80, s17, s29, $0xb8;
	[tilespmem:$0x1E800] =	vst v63  }
0x8f: {  	p1 =	sne.s32 s16, $0x4800;
	_ =	swait.ge [sflag:s31], $0x4000  }
0x90: {  	[sflag:s31] =	ssyncset.done $0x0  }
0x91: {  	s16 =	sadd.s32 $0x15400, s14;
	[sflag:s31] =	ssyncadd.s32 $0xFFFFC000  }
0x92: {  	[spmem:s2] =	stream.indirect.scatter.add.f32 [tilespmem:s24], [sflag:$0x3], $0x80, s16, s29, $0xb8;
	[tilespmem:$0x1E800] =	vst v63  }
0x93: {  	_ =	swait.ge [sflag:s25], $0x4000  }
0x94: {  	[sflag:s25] =	ssyncset.done $0x0  }
0x95: {  	s16 =	sadd.s32 $0x14100, s14;
	[sflag:s25] =	ssyncadd.s32 $0xFFFFC000  }
0x96: {  	[tilespmem:s24], [sflag:$0x1] =	stream.indirect.gather [hbm4b:s1+s29], $0x80, s16, s29, $0xb8;
	[tilespmem:$0x1E800] =	vst v63  }
0x97: {  	_ =	swait.ge [sflag:s0], $0x4000  }
.Ltmp4:
0x98: {  	[sflag:s0] =	ssyncset.done $0x0;
	(pc) =	sbr.rel @p1 .LBB2_8-.Ltmp4, $4  }
0x99: {  	s14 =	sadd.s32 $0x15480, s14;
	[sflag:s0] =	ssyncadd.s32 $0xFFFFC000  }
0x9a: {  	[spmem:s2] =	stream.indirect.scatter.add.f32 [tilespmem:s30], [sflag:$0x3], $0x80, s14, s29, $0xb8;
	[tilespmem:$0x1E800] =	vst v63  }
0x9b: {  	_ =	swait.ge [sflag:s25], $0x4000  }
0x9c: {  	s16 =	smov.u32 s19;
	s14 =	sshra.s32 s18, $0x2;
	[sflag:s25] =	ssyncset.done $0x0  }
0x9d: {  	s16 =	sadd.s32 $0x14080, s14;
	[sflag:s25] =	ssyncadd.s32 $0xFFFFC000  }
0x9e: {  	[tilespmem:s30], [sflag:$0x2] =	stream.indirect.gather [hbm4b:s1+s29], $0x80, s16, s29, $0xb8;
	[tilespmem:$0x1E800] =	vst v63  }
0x9f: {  	_ =	swait.ge [sflag:s31], $0x4000  }
0xa0: {  	[sflag:s31] =	ssyncset.done $0x0  }
0xa1: {  	s17 =	sadd.s32 $0x15400, s14;
	[sflag:s31] =	ssyncadd.s32 $0xFFFFC000  }
0xa2: {  	[spmem:s2] =	stream.indirect.scatter.add.f32 [tilespmem:s24], [sflag:$0x3], $0x80, s17, s29, $0xb8;
	[tilespmem:$0x1E800] =	vst v63  }
0xa3: {  	_ =	swait.ge [sflag:s25], $0x4000  }
0xa4: {  	[sflag:s25] =	ssyncset.done $0x0  }
0xa5: {  	s18 =	sadd.s32 $0x14100, s14;
	[sflag:s25] =	ssyncadd.s32 $0xFFFFC000  }
0xa6: {  	[tilespmem:s24], [sflag:$0x1] =	stream.indirect.gather [hbm4b:s1+s29], $0x80, s18, s29, $0xb8;
	[tilespmem:$0x1E800] =	vst v63  }
0xa7: {  	_ =	swait.ge [sflag:s0], $0x4000  }
0xa8: {  	[sflag:s0] =	ssyncset.done $0x0  }
0xa9: {  	s19 =	sadd.s32 $0x15480, s14;
	[sflag:s0] =	ssyncadd.s32 $0xFFFFC000  }
0xaa: {  	[spmem:s2] =	stream.indirect.scatter.add.f32 [tilespmem:s30], [sflag:$0x3], $0x80, s19, s29, $0xb8;
	[tilespmem:$0x1E800] =	vst v63  }
0xab: {  	_ =	swait.ge [sflag:s25], $0x4000  }
0xac: {  	[sflag:s25] =	ssyncset.done $0x0  }
0xad: {  	[sflag:s25] =	ssyncadd.s32 $0xFFFFC000  }
0xae: {  	[tilespmem:s30], [sflag:$0x2] =	stream.indirect.gather [hbm4b:s1+s29], $0x80, s4, s29, $0xb8;
	[tilespmem:$0x1E800] =	vst v63  }
0xaf: {  	_ =	swait.ge [sflag:s31], $0x4000  }
0xb0: {  	[sflag:s31] =	ssyncset.done $0x0  }
0xb1: {  	[sflag:s31] =	ssyncadd.s32 $0xFFFFC000  }
0xb2: {  	[spmem:s2] =	stream.indirect.scatter.add.f32 [tilespmem:s24], [sflag:$0x3], $0x80, s10, s29, $0xb8;
	[tilespmem:$0x1E800] =	vst v63  }
0xb3: {  	_ =	swait.ge [sflag:s25], $0x4000  }
0xb4: {  	[sflag:s25] =	ssyncset.done $0x0  }
0xb5: {  	[sflag:s25] =	ssyncadd.s32 $0xFFFFC000  }
0xb6: {  	_ =	swait.ge [sflag:s0], $0x4000  }
0xb7: {  	s15 =	sadd.s32 $0x1, s15;
	[sflag:s0] =	ssyncset.done $0x0  }
0xb8: {  	p1 =	sne.s32 s15, $0x4;
	[sflag:s0] =	ssyncadd.s32 $0xFFFFC000  }
0xb9: {  	[spmem:s2] =	stream.indirect.scatter.add.f32 [tilespmem:s30], [sflag:$0x3], $0x80, s11, s29, $0xb8;
	[tilespmem:$0x1E800] =	vst v63  }
.Ltmp5:
0xba: {  	_ = 	snop;
	(pc) =	sbr.rel @p1 .LBB2_7-.Ltmp5, $4  }
.Ltmp6:
0xbb: {  	_ = 	snop;
	(pc) =	sbr.rel @!p1 .LBB2_10-.Ltmp6, $4  }
0xbc: {  	_ =	swait.ge [sflag:s25], $0x4000  }
0xbd: {  	[sflag:s25] =	ssyncset.done $0x0  }
0xbe: {  	[sflag:s25] =	ssyncadd.s32 $0xFFFFC000  }
0xbf: {  	_ = 	snop  }
.LBB2_4:
0xc0: {  	s15 =	smul.u32 $0x28, s14;
	_ =	sdelay $0x1  }
0xc1: {  	s15 =	sadd.s32 s9, s15  }
0xc2: {  	s15 =	sshll.u32 s15, $0x4  }
0xc3: {  	s16 =	sadd.s32 s5, s15  }
0xc4: {  	[tilespmem:s26], [sflag:$0x3] =	stream.linear.gather [hbm4b:s16+s13], $0x1400, $0x38;
	[tilespmem:$0x1E800] =	vst v63  }
0xc5: {  	_ =	swait.ge [sflag:s25], $0x1400  }
0xc6: {  	[sflag:s25] =	ssyncset.done $0x0  }
0xc7: {  	s15 =	sadd.s32 s6, s15;
	[sflag:s25] =	ssyncadd.s32 $0xFFFFEC00  }
0xc8: {  	[tilespmem:s28], [sflag:$0x3] =	stream.linear.gather [hbm4b:s15+s13], $0x1400, $0x38;
	[tilespmem:$0x1E800] =	vst v63  }
0xc9: {  	_ =	swait.ge [sflag:s25], $0x1400  }
0xca: {  	[sflag:s25] =	ssyncset.done $0x0  }
0xcb: {  	[sflag:s25] =	ssyncadd.s32 $0xFFFFEC00  }
0xcc: {  	[tilespmem:s24], [sflag:$0x1] =	stream.indirect.gather [hbm4b:s1+s29], $0x80, s26, s29, $0xb8;
	[tilespmem:$0x1E800] =	vst v63  }
0xcd: {  	s16 =	simm.s32 $0x14080  }
0xce: {  	[tilespmem:s30], [sflag:$0x2] =	stream.indirect.gather [hbm4b:s1+s29], $0x80, s16, s29, $0xb8;
	[tilespmem:$0x1E800] =	vst v63  }
0xcf: {  	_ =	swait.ge [sflag:s31], $0x4000  }
0xd0: {  	[sflag:s31] =	ssyncset.done $0x0  }
0xd1: {  	s17 =	simm.s32 $0x15400;
	[sflag:s31] =	ssyncadd.s32 $0xFFFFC000  }
0xd2: {  	[spmem:s2] =	stream.indirect.scatter.add.f32 [tilespmem:s24], [sflag:$0x3], $0x80, s17, s29, $0xb8;
	[tilespmem:$0x1E800] =	vst v63  }
0xd3: {  	_ =	swait.ge [sflag:s25], $0x4000  }
0xd4: {  	[sflag:s25] =	ssyncset.done $0x0  }
0xd5: {  	s18 =	simm.s32 $0x14100;
	[sflag:s25] =	ssyncadd.s32 $0xFFFFC000  }
0xd6: {  	[tilespmem:s24], [sflag:$0x1] =	stream.indirect.gather [hbm4b:s1+s29], $0x80, s18, s29, $0xb8;
	[tilespmem:$0x1E800] =	vst v63  }
0xd7: {  	_ =	swait.ge [sflag:s0], $0x4000  }
0xd8: {  	[sflag:s0] =	ssyncset.done $0x0  }
0xd9: {  	s19 =	simm.s32 $0x15480;
	[sflag:s0] =	ssyncadd.s32 $0xFFFFC000  }
0xda: {  	[spmem:s2] =	stream.indirect.scatter.add.f32 [tilespmem:s30], [sflag:$0x3], $0x80, s19, s29, $0xb8;
	[tilespmem:$0x1E800] =	vst v63  }
0xdb: {  	_ =	swait.ge [sflag:s25], $0x4000  }
0xdc: {  	s15 =	simm.s32 $0x100;
	s16 =	simm.s32 $0x800;
	[sflag:s25] =	ssyncset.done $0x0  }
.LBB2_5:
0xdd: {  	s17 =	sadd.s32 $0x14080, s15  }
0xde: {  	[sflag:s25] =	ssyncadd.s32 $0xFFFFC000;
	s18 =	smov.u32 s16;
	s19 =	sadd.s32 $0x400, s16  }
0xdf: {  	[tilespmem:s30], [sflag:$0x2] =	stream.indirect.gather [hbm4b:s1+s29], $0x80, s17, s29, $0xb8;
	[tilespmem:$0x1E800] =	vst v63  }
0xe0: {  	p1 =	sne.s32 s16, $0x4800;
	_ =	swait.ge [sflag:s31], $0x4000  }
0xe1: {  	[sflag:s31] =	ssyncset.done $0x0  }
0xe2: {  	s16 =	sadd.s32 $0x15400, s15;
	[sflag:s31] =	ssyncadd.s32 $0xFFFFC000  }
0xe3: {  	[spmem:s2] =	stream.indirect.scatter.add.f32 [tilespmem:s24], [sflag:$0x3], $0x80, s16, s29, $0xb8;
	[tilespmem:$0x1E800] =	vst v63  }
0xe4: {  	_ =	swait.ge [sflag:s25], $0x4000  }
0xe5: {  	[sflag:s25] =	ssyncset.done $0x0  }
0xe6: {  	s16 =	sadd.s32 $0x14100, s15;
	[sflag:s25] =	ssyncadd.s32 $0xFFFFC000  }
0xe7: {  	[tilespmem:s24], [sflag:$0x1] =	stream.indirect.gather [hbm4b:s1+s29], $0x80, s16, s29, $0xb8;
	[tilespmem:$0x1E800] =	vst v63  }
0xe8: {  	_ =	swait.ge [sflag:s0], $0x4000  }
.Ltmp7:
0xe9: {  	[sflag:s0] =	ssyncset.done $0x0;
	(pc) =	sbr.rel @p1 .LBB2_5-.Ltmp7, $4  }
0xea: {  	s15 =	sadd.s32 $0x15480, s15;
	[sflag:s0] =	ssyncadd.s32 $0xFFFFC000  }
0xeb: {  	[spmem:s2] =	stream.indirect.scatter.add.f32 [tilespmem:s30], [sflag:$0x3], $0x80, s15, s29, $0xb8;
	[tilespmem:$0x1E800] =	vst v63  }
0xec: {  	_ =	swait.ge [sflag:s25], $0x4000  }
0xed: {  	s16 =	smov.u32 s19;
	s15 =	sshra.s32 s18, $0x2;
	[sflag:s25] =	ssyncset.done $0x0  }
0xee: {  	s16 =	sadd.s32 $0x14080, s15;
	[sflag:s25] =	ssyncadd.s32 $0xFFFFC000  }
0xef: {  	[tilespmem:s30], [sflag:$0x2] =	stream.indirect.gather [hbm4b:s1+s29], $0x80, s16, s29, $0xb8;
	[tilespmem:$0x1E800] =	vst v63  }
0xf0: {  	_ =	swait.ge [sflag:s31], $0x4000  }
0xf1: {  	[sflag:s31] =	ssyncset.done $0x0  }
0xf2: {  	s17 =	sadd.s32 $0x15400, s15;
	[sflag:s31] =	ssyncadd.s32 $0xFFFFC000  }
0xf3: {  	[spmem:s2] =	stream.indirect.scatter.add.f32 [tilespmem:s24], [sflag:$0x3], $0x80, s17, s29, $0xb8;
	[tilespmem:$0x1E800] =	vst v63  }
0xf4: {  	_ =	swait.ge [sflag:s25], $0x4000  }
0xf5: {  	[sflag:s25] =	ssyncset.done $0x0  }
0xf6: {  	s18 =	sadd.s32 $0x14100, s15;
	[sflag:s25] =	ssyncadd.s32 $0xFFFFC000  }
0xf7: {  	[tilespmem:s24], [sflag:$0x1] =	stream.indirect.gather [hbm4b:s1+s29], $0x80, s18, s29, $0xb8;
	[tilespmem:$0x1E800] =	vst v63  }
0xf8: {  	_ =	swait.ge [sflag:s0], $0x4000  }
0xf9: {  	[sflag:s0] =	ssyncset.done $0x0  }
0xfa: {  	s19 =	sadd.s32 $0x15480, s15;
	[sflag:s0] =	ssyncadd.s32 $0xFFFFC000  }
0xfb: {  	[spmem:s2] =	stream.indirect.scatter.add.f32 [tilespmem:s30], [sflag:$0x3], $0x80, s19, s29, $0xb8;
	[tilespmem:$0x1E800] =	vst v63  }
0xfc: {  	_ =	swait.ge [sflag:s25], $0x4000  }
0xfd: {  	[sflag:s25] =	ssyncset.done $0x0  }
0xfe: {  	[sflag:s25] =	ssyncadd.s32 $0xFFFFC000  }
0xff: {  	[tilespmem:s30], [sflag:$0x2] =	stream.indirect.gather [hbm4b:s1+s29], $0x80, s4, s29, $0xb8;
	[tilespmem:$0x1E800] =	vst v63  }
0x100: {  	_ =	swait.ge [sflag:s31], $0x4000  }
0x101: {  	[sflag:s31] =	ssyncset.done $0x0  }
0x102: {  	[sflag:s31] =	ssyncadd.s32 $0xFFFFC000  }
0x103: {  	[spmem:s2] =	stream.indirect.scatter.add.f32 [tilespmem:s24], [sflag:$0x3], $0x80, s10, s29, $0xb8;
	[tilespmem:$0x1E800] =	vst v63  }
0x104: {  	_ =	swait.ge [sflag:s25], $0x4000  }
0x105: {  	[sflag:s25] =	ssyncset.done $0x0  }
0x106: {  	[sflag:s25] =	ssyncadd.s32 $0xFFFFC000  }
0x107: {  	_ =	swait.ge [sflag:s0], $0x4000  }
0x108: {  	s14 =	sadd.s32 $0x1, s14;
	[sflag:s0] =	ssyncset.done $0x0  }
0x109: {  	p1 =	seq.s32 s14, $0x4;
	[sflag:s0] =	ssyncadd.s32 $0xFFFFC000  }
0x10a: {  	[spmem:s2] =	stream.indirect.scatter.add.f32 [tilespmem:s30], [sflag:$0x3], $0x80, s11, s29, $0xb8;
	[tilespmem:$0x1E800] =	vst v63  }
.Ltmp8:
0x10b: {  	_ = 	snop;
	(pc) =	sbr.rel @!p1 .LBB2_4-.Ltmp8, $4  }
.Ltmp9:
0x10c: {  	_ = 	snop;
	(pc) =	sbr.rel @p1 .LBB2_10-.Ltmp9, $4  }
0x10d: {  	_ =	swait.ge [sflag:s25], $0x4000  }
0x10e: {  	[sflag:s25] =	ssyncset.done $0x0  }
0x10f: {  	[sflag:s25] =	ssyncadd.s32 $0xFFFFC000  }
0x110: {  	_ = 	snop  }
.LBB2_11:
0x111: {  	_ =	sfence.sel $0x180000  }
0x112: {  	[bflag:$0x0] =	sbarrier.arrive $0xFFFF  }
0x113: {  	_ =	strace $0x90000047  }
0x114: {  	s0 =	stileid.u32;
	[bflag:$0x2] =	sbarrier.arrive $0xFFFF  }
0x115: {  	p0 =	sne.s32 s0, $0x0;
	s0 =	rddreg [dreg:$0x3]  }
0x116: {  	s0 =	sadd.s32 @!p0 $0x100000, s0  }
0x117: {  	[sflag:s0] =	ssyncadd.tile.s32 @!p0 $0x1;
	_ =	shalt  }
.Lfunc_end2:
_tile_overlayer_lowered:
.L_overlay_start_2:
0x118: {  	(tag) =	ssettag $0x2  }
0x119: {  	s0 =	rddreg [dreg:$0x0];
	s2 =	stileid.u32  }
0x11a: {  	s1 =	rddreg [dreg:$0x1];
	p0 =	sne.s32 s2, $0x0  }
0x11b: {  	s3 =	rddreg [dreg:$0x2];
	[bflag:$0x3] =	sbarrier.arrive $0xFFFF;
	s2 =	simm.s32 @!p0 $0x1C03  }
0x11c: {  	[timem:s3], [sflag:s2] =	dma.local @!p0 [hbm:s0], s1  }
0x11d: {  	s0 =	simm.s32 @!p0 $0x3  }
0x11e: {  	_ =	swait.ge @!p0 [sflag:s0], s1  }
0x11f: {  	s1 =	ssub.s32 @!p0 $0x0, s1;
	[sflag:s0] =	ssyncset.done @!p0 $0x0  }
0x120: {  	[sflag:s0] =	ssyncadd.s32 @!p0 s1  }
0x121: {  	[bflag:$0x3] =	sbarrier.arrive $0xFFFF  }
0x122: {  	_ =	shalt  }

// kernel: kernel.9.cloned.1.call-start
scs
__scs_entry_jumppad:
0x0: {  	(pc) =	sbr.rel $0x88, $3  }
0x1: {  	(tag) =	ssettag $0x0;
	lr =	simm.s32 $0x1  }
0x2: {  	[smem:$0x3F9A] =	sst lr;
	_ =	strace $0xD0000000  }
0x3: {  	_ = 	snop  }
0x4: {  	_ = 	snop  }
0x5: {  	_ = 	snop  }
0x6: {  	_ = 	snop  }
0x7: {  	_ = 	snop  }
__scs_overlays_trampoline_lowered:
0x8: {  	[smem:$0x3FA9] =	sst s0  }
0x9: {  	[smem:$0x3FAA] =	sst s1  }
0xa: {  	[smem:$0x3FAB] =	sst s2  }
0xb: {  	[smem:$0x3FAC] =	sst s3  }
0xc: {  	[smem:$0x3FAD] =	sst s4  }
0xd: {  	[smem:$0x3FAE] =	sst s5  }
0xe: {  	[smem:$0x3FAF] =	sst s6  }
0xf: {  	[smem:$0x3FB0] =	sst s7  }
0x10: {  	[smem:$0x3FB1] =	sst s8  }
0x11: {  	[smem:$0x3FB2] =	sst s9;
	s0 =	simm.s32 @!p0 $0x0  }
0x12: {  	s1 =	sld [smem:$0x3F98];
	s0 =	simm.s32 @p0 $0x1  }
0x13: {  	[smem:$0x3FB3] =	sst s0;
	s0 =	simm.s32 @!p1 $0x0  }
0x14: {  	s2 =	sld [smem:$0x3F97];
	s0 =	simm.s32 @p1 $0x1  }
0x15: {  	[smem:$0x3FB4] =	sst s0;
	s0 =	simm.s32 @!p2 $0x0  }
0x16: {  	s3 =	sld [smem:$0x3FDB];
	s0 =	simm.s32 @p2 $0x1  }
0x17: {  	s4 =	simm.s32 $0x1BF5;
	[smem:$0x3FB6] =	sst s0  }
0x18: {  	s0 =	sld [smem:$0x3F99];
	_ =	swait.ge [sflag:s4], $0x0  }
0x19: {  	s7 =	sld [smem:$0x3F9A]  }
0x1a: {  	s8 =	sadd.s32 $0xFFFFE003, lr  }
0x1b: {  	s9 =	sadd.s32 $0xFFFFFEF7, lr;
	s5 =	simm.s32 $0xFFFFFFFF;
	p2 =	slt.u32 s8, $0xFFFFF086  }
0x1c: {  	p1 =	slt.u32 s9, $0xF7A;
	s5 =	simm.s32 @!p2 $0x0  }
0x1d: {  	s5 =	simm.s32 @p1 $0x1;
	p0 =	seq.s32 s7, s2  }
0x1e: {  	s7 =	smul.u32 @!p0 $0xF7A, s2;
	p2 =	seq.s32 @!p0 s5, $0x0  }
0x1f: {  	s9 =	smul.u32 $0xF7A, s1;
	s8 =	simm.s32 @!p0 $0x1BF5;
	p2 =	por !p2, p0  }
0x20: {  	[sflag:s8] =	ssyncset.s32 @!p0 $0xFFFFF086;
	s6 =	sadd.s32 @!p0 s3, s7;
	s7 =	simm.s32 @!p0 $0x108  }
0x21: {  	s3 =	sadd.s32 s3, s9;
	s6 =	sadd.s32 @!p0 $0x88, s6;
	s7 =	simm.s32 @p2 $0x1082  }
0x22: {  	[simem:s7], [sflag:s8] =	dma.local @!p0 [hbm:s6], $0xF7A  }
0x23: {  	s9 =	sor.u32 $0xD0000000, s2;
	s6 =	simm.s32 $0x108;
	_ =	swait.ge @!p0 [sflag:s8], $0x0  }
0x24: {  	s3 =	sadd.s32 $0x88, s3;
	s6 =	simm.s32 @!p1 $0x1082;
	[sflag:s4] =	ssyncset.s32 $0xFFFFF086  }
0x25: {  	[simem:s6], [sflag:s4] =	dma.local [hbm:s3], $0xF7A  }
0x26: {  	[smem:$0x3F9A] =	sst s1;
	(tag) =	ssettag s2;
	_ =	strace s9  }
0x27: {  	s1 =	sld [smem:$0x3FAA]  }
0x28: {  	s2 =	sld [smem:$0x3FAB]  }
0x29: {  	s4 =	sld [smem:$0x3FAD]  }
0x2a: {  	p0 =	seq.s32 s5, $0x0;
	s5 =	sld [smem:$0x3FAE]  }
0x2b: {  	s6 =	sld [smem:$0x3FAF]  }
0x2c: {  	s7 =	sld [smem:$0x3FB0]  }
0x2d: {  	s3 =	simm.s32 $0x108;
	s8 =	sld [smem:$0x3FB1]  }
0x2e: {  	s3 =	simm.s32 @!p0 $0x1082;
	s9 =	sld [smem:$0x3FB2]  }
0x2f: {  	lr =	sadd.s32 s0, s3;
	s0 =	sld [smem:$0x3FA9]  }
0x30: {  	s3 =	sld [smem:$0x3FAC]  }
0x31: {  	[smem:$0x3FB5] =	sst s10  }
0x32: {  	s10 =	sld [smem:$0x3FB3];
	_ =	sdelay $0x3  }
0x33: {  	p0 =	seq.s32 s10, $0x1;
	s10 =	sld [smem:$0x3FB5];
	_ =	sdelay $0x3  }
0x34: {  	[smem:$0x3FB5] =	sst s10  }
0x35: {  	s10 =	sld [smem:$0x3FB4];
	_ =	sdelay $0x3  }
0x36: {  	p1 =	seq.s32 s10, $0x1;
	s10 =	sld [smem:$0x3FB5];
	_ =	sdelay $0x3  }
0x37: {  	[smem:$0x3FB5] =	sst s10  }
0x38: {  	s10 =	sld [smem:$0x3FB6]  }
0x39: {  	_ = 	snop;
	(pc) =	sbr.ind lr, $3  }
0x3a: {  	_ = 	snop  }
0x3b: {  	_ = 	snop  }
0x3c: {  	p2 =	seq.s32 s10, $0x1;
	s10 =	sld [smem:$0x3FB5]  }
0x3d: {  	_ =	shalt  }
0x3e: {  	_ =	shalt  }
0x3f: {  	_ =	shalt  }
0x40: {  	_ =	shalt  }
0x41: {  	_ =	shalt  }
0x42: {  	_ =	shalt  }
0x43: {  	_ =	shalt  }
0x44: {  	_ =	shalt  }
0x45: {  	_ =	shalt  }
0x46: {  	_ =	shalt  }
0x47: {  	_ =	shalt  }
0x48: {  	_ =	shalt  }
0x49: {  	_ =	shalt  }
0x4a: {  	_ =	shalt  }
0x4b: {  	_ =	shalt  }
0x4c: {  	_ =	shalt  }
0x4d: {  	_ =	shalt  }
0x4e: {  	_ =	shalt  }
0x4f: {  	_ =	shalt  }
0x50: {  	_ =	shalt  }
0x51: {  	_ =	shalt  }
0x52: {  	_ =	shalt  }
0x53: {  	_ =	shalt  }
0x54: {  	_ =	shalt  }
0x55: {  	_ =	shalt  }
0x56: {  	_ =	shalt  }
0x57: {  	_ =	shalt  }
0x58: {  	_ =	shalt  }
0x59: {  	_ =	shalt  }
0x5a: {  	_ =	shalt  }
0x5b: {  	_ =	shalt  }
0x5c: {  	_ =	shalt  }
0x5d: {  	_ =	shalt  }
0x5e: {  	_ =	shalt  }
0x5f: {  	_ =	shalt  }
0x60: {  	_ =	shalt  }
0x61: {  	_ =	shalt  }
0x62: {  	_ =	shalt  }
0x63: {  	_ =	shalt  }
0x64: {  	_ =	shalt  }
0x65: {  	_ =	shalt  }
0x66: {  	_ =	shalt  }
0x67: {  	_ =	shalt  }
0x68: {  	_ =	shalt  }
0x69: {  	_ =	shalt  }
0x6a: {  	_ =	shalt  }
0x6b: {  	_ =	shalt  }
0x6c: {  	_ =	shalt  }
0x6d: {  	_ =	shalt  }
0x6e: {  	_ =	shalt  }
0x6f: {  	_ =	shalt  }
0x70: {  	_ =	shalt  }
0x71: {  	_ =	shalt  }
0x72: {  	_ =	shalt  }
0x73: {  	_ =	shalt  }
0x74: {  	_ =	shalt  }
0x75: {  	_ =	shalt  }
0x76: {  	_ =	shalt  }
0x77: {  	_ =	shalt  }
0x78: {  	_ =	shalt  }
0x79: {  	_ =	shalt  }
0x7a: {  	_ =	shalt  }
0x7b: {  	_ =	shalt  }
0x7c: {  	_ =	shalt  }
0x7d: {  	_ =	shalt  }
0x7e: {  	_ =	shalt  }
0x7f: {  	_ =	shalt  }
0x80: {  	_ =	shalt  }
0x81: {  	_ =	shalt  }
0x82: {  	_ =	shalt  }
0x83: {  	_ =	shalt  }
0x84: {  	_ =	shalt  }
0x85: {  	_ =	shalt  }
0x86: {  	_ =	shalt  }
0x87: {  	_ =	shalt  }
.Lfunc_end0:
.L_simem_size_0:
called_computation.1_lowered:
.L_overlay_start_0:
0x88: {  	s2 =	sld [smem:$0x3FD9]  }
0x89: {  	s3 =	sld [smem:$0x3FFE];
	_ =	sdelay $0x1  }
0x8a: {  	s1 =	srdreg.scid  }
0x8b: {  	s0 =	sand.u32 $0x1, s1  }
0x8c: {  	s16 =	sshll.u32 s0, $0xA;
	s2 =	sadd.s32 s3, s2  }
0x8d: {  	s2 =	sadd.s32 s2, s16  }
0x8e: {  	[smem:$0x3FC1] =	sst s2  }
0x8f: {  	_ = 	snop  }
0x90: {  	(tm) =	ssettm $0x1  }
0x91: {  	s17 =	sld [smem:$0x3FFB];
	_ =	sdelay $0x3  }
0x92: {  	_ =	strace s17  }
0x93: {  	s2 =	sld [smem:$0x3FFC];
	_ =	sdelay $0x3  }
0x94: {  	_ =	strace s2  }
0x95: {  	s2 =	sld [smem:$0x3FFD];
	_ =	sdelay $0x3  }
0x96: {  	_ =	strace s2  }
0x97: {  	_ =	strace $0x8FFFFFFF  }
0x98: {  	s18 =	sld [smem:$0x3FDB];
	_ =	sdelay $0x1  }
0x99: {  	s19 =	simm.s32 $_scs_section_size  }
0x9a: {  	s4 =	simm.s32 $_size__tile_overlayer_lowered;
	s5 =	simm.s32 $_tile_overlayer_lowered  }
0x9b: {  	s22 =	simm.s32 $0x1BFF;
	s21 =	sshll.u32 s5, $0x1;
	s2 =	sadd.s32 s19, s18  }
0x9c: {  	s6 =	simm.s32 $0x0;
	s20 =	sshll.u32 s4, $0x1;
	s4 =	sadd.s32 s21, s2  }
0x9d: {  	[timem:s6], [sflag:s22] =	dma.local [hbm:s4], s20  }
0x9e: {  	_ =	swait.ge [sflag:s22], s20  }
0x9f: {  	s3 =	ssub.s32 $0x0, s20;
	[sflag:s22] =	ssyncset.done $0x0  }
0xa0: {  	[sflag:s22] =	ssyncadd.s32 s3;
	_ =	sdelay $0x1  }
0xa1: {  	s23 =	simm.s32 $0x1B8B  }
0xa2: {  	_ =	swait.ge [sflag:s23], $0x1  }
0xa3: {  	[sflag:s23] =	ssyncset.done $0x0  }
0xa4: {  	s25 =	simm.s32 $0x1B8E;
	s24 =	sld [smem:$0x3FFE];
	[sflag:s23] =	ssyncadd.s32 $0xFFFFFFFF  }
0xa5: {  	s26 =	simm.s32 $execute0_lowered;
	[smem:$0x3FD2] =	sst s25  }
0xa6: {  	s4 =	sshll.u32 s26, $0x1;
	_ =	strace $0x80000049;
	[dreg:$0x1] =	wrdreg $0xFFFFFFFF  }
0xa7: {  	s28 =	simm.s32 $_size_execute0_lowered;
	s2 =	sadd.s32 s2, s4;
	[dreg:$0x0] =	wrdreg $0x0  }
0xa8: {  	s4 =	sshll.u32 s28, $0x1;
	[dreg:$0x2] =	wrdreg s2  }
0xa9: {  	[dreg:$0x3] =	wrdreg s4  }
0xaa: {  	[dreg:$0x4] =	wrdreg $0xC0  }
0xab: {  	_ =	task [dreg:s6], $0x5FFFF  }
0xac: {  	[dreg:$0x1] =	wrdreg $0xFFFFFFFF  }
0xad: {  	[dreg:$0x0] =	wrdreg $0x60  }
0xae: {  	[dreg:$0x2] =	wrdreg s24  }
0xaf: {  	[dreg:$0x3] =	wrdreg $0x0  }
0xb0: {  	[dreg:$0x4] =	wrdreg $0x9  }
0xb1: {  	_ =	task.clear_ibuf [dreg:s6], $0x5FFFF;
	_ =	strace $0x90000049  }
0xb2: {  	s29 =	simm.s32 $0x9;
	_ =	strace $0x8000004B  }
0xb3: {  	_ =	swait.ge [sflag:s29], $0x1  }
0xb4: {  	[sflag:s29] =	ssyncadd.s32 $0xFFFFFFFF  }
0xb5: {  	_ =	strace $0x9000004B  }
0xb6: {  	_ =	sfence  }
0xb7: {  	s30 =	sld [smem:$0x0];
	_ =	sdelay $0x2  }
0xb8: {  	s31 =	sshll.u32 s1, $0xD;
	s1 =	sshrl.u32 s1, $0x2  }
0xb9: {  	s3 =	sand.u32 $0x4000, s31;
	s1 =	sadd.s32 s1, s30  }
0xba: {  	s0 =	sor.u32 s3, s0;
	s1 =	sshll.u32 s1, $0x11  }
0xbb: {  	s0 =	sor.u32 s1, s0  }
0xbc: {  	s0 =	sadd.s32 $0x8F2B, s0  }
0xbd: {  	[sflag:s0] =	ssyncadd.remote.s32 $0x1  }
0xbe: {  	_ =	sfence.sel $0xFFFF  }
0xbf: {  	[dreg:$0x0] =	wrdreg $0xFFFFFFFF;
	(pc) =	sbr.abs _section_cstart, $3  }
0xc0: {  	[dreg:$0x1] =	wrdreg $0xFFFFFFFF  }
0xc1: {  	_ =	task.clear_ibuf [dreg:s6], $0x2FFFF;
	_ =	strace $0x9FFFFFFF  }
0xc2: {  	(tm) =	ssettm $0x7FFFFFFF  }
0xc3: {  	_ =	shalt  }
tec
execute0_lowered:
.L_overlay_start_1:
0x0: {  	(tag) =	ssettag $0x1  }
0x1: {  	s0 =	rddreg [dreg:$0x0]  }
0x2: {  	s1 =	rddreg [dreg:$0x1]  }
0x3: {  	s2 =	simm.s32 $0x0;
	s3 =	srdreg.scid;
	s20 =	stileid.u32  }
0x4: {  	[smem:$0x7FF] =	sst s2;
	s3 =	sand.u32 $0x1, s3;
	s10 =	smul.u32 $0x14000, s20  }
0x5: {  	s4 =	sadd.s32 $0x1FC00, s0;
	s5 =	sadd.s32 $0x46E00, s0;
	s13 =	smul.u32 $0x50, s20  }
0x6: {  	s6 =	sadd.s32 $0x6E000, s0;
	s11 =	sadd.s32 $0x95200, s0;
	s30 =	smul.u32 $0xA0, s20  }
0x7: {  	_ =	strace $0x8000004A;
	s7 =	smul.u32 $0x140000, s3;
	s9 =	ssub.s32 $0x2, s3  }
0x8: {  	s8 =	smul.u32 $0x500, s3;
	p0 =	seq.s32 s3, $0x1;
	s12 =	sshrl.u32 s9, $0x1  }
0x9: {  	s15 =	sadd.s32 $0x8000, s10;
	s16 =	sadd.s32 $0xC000, s10;
	s22 =	sadd.s32 $0x10000, s10  }
0xa: {  	s9 =	ssub.s32 s9, s12;
	s12 =	smul.u32 $0x50000, s20;
	s14 =	sadd.s32 s7, s10  }
0xb: {  	s3 =	sadd.s32 s13, s8;
	s13 =	sadd.s32 $0x280000, s7;
	s17 =	sadd.s32 s7, s15  }
0xc: {  	s18 =	sadd.s32 s7, s16;
	s31 =	sadd.s32 s15, s1;
	s20 =	simm.s32 $0x16700  }
0xd: {  	s26 =	sshrl.u32 s14, $0x3;
	s17 =	sshrl.u32 s17, $0x3;
	s19 =	sshrl.u32 s18, $0x3  }
0xe: {  	s18 =	sadd.s32 $0xBC00, s0;
	s3 =	sshll.u32 s3, $0x4;
	s8 =	sadd.s32 s11, s26  }
0xf: {  	s21 =	sadd.s32 s11, s19;
	s26 =	sadd.s32 s15, s13;
	s12 =	sshrl.u32 s12, $0x2  }
0x10: {  	s15 =	simm.s32 $0x2;
	[dreg:$0x3] =	wrdreg s8;
	s8 =	sadd.s32 $0x4000, s10  }
0x11: {  	[dreg:$0x6] =	wrdreg s21;
	s10 =	sadd.s32 s10, s13;
	s19 =	sadd.s32 s12, s1  }
0x12: {  	s21 =	sadd.s32 s22, s1;
	s12 =	simm.s32 $0x80;
	s28 =	sadd.s32 s7, s8  }
0x13: {  	s7 =	sadd.s32 s7, s22;
	s23 =	sadd.s32 s8, s13;
	s10 =	sshrl.u32 s10, $0x3  }
0x14: {  	s29 =	sadd.s32 s8, s1;
	[dreg:$0xf] =	wrdreg s21;
	s8 =	simm.s32 $0x16800  }
0x15: {  	s14 =	sshrl.u32 s28, $0x3;
	s7 =	sshrl.u32 s7, $0x3;
	s24 =	sadd.s32 s11, s10  }
0x16: {  	s28 =	sadd.s32 s16, s13;
	s16 =	sadd.s32 s16, s1;
	[dreg:$0x8] =	wrdreg s24  }
0x17: {  	s13 =	sadd.s32 s22, s13;
	s14 =	sadd.s32 s11, s14;
	[dreg:$0xe] =	wrdreg s16  }
0x18: {  	s22 =	sadd.s32 $0x280, s3;
	s7 =	sadd.s32 s11, s7;
	[dreg:$0x4] =	wrdreg s14  }
0x19: {  	s10 =	sshrl.u32 s28, $0x3;
	s28 =	sadd.s32 $0xC000, s19;
	[dreg:$0x7] =	wrdreg s7  }
0x1a: {  	s13 =	sshrl.u32 s13, $0x3;
	s14 =	sadd.s32 s11, s17;
	[dreg:$0x16] =	wrdreg s28  }
0x1b: {  	s17 =	sshrl.u32 s23, $0x3;
	s10 =	sadd.s32 s11, s10;
	[dreg:$0x5] =	wrdreg s14  }
0x1c: {  	s7 =	sshrl.u32 s26, $0x3;
	s26 =	sadd.s32 $0x8000, s19;
	[dreg:$0xb] =	wrdreg s10  }
0x1d: {  	s16 =	simm.s32 $0x15380;
	s25 =	sadd.s32 s11, s17;
	[dreg:$0x15] =	wrdreg s26  }
0x1e: {  	s7 =	sadd.s32 s11, s7;
	s11 =	sadd.s32 s11, s13;
	[dreg:$0x9] =	wrdreg s25  }
0x1f: {  	s17 =	sadd.s32 $0x15C00, s0;
	s0 =	sadd.s32 $0x1C00, s0;
	[dreg:$0xa] =	wrdreg s7  }
0x20: {  	s13 =	smax.u32 s9, $0x1;
	s9 =	simm.s32 $0x3;
	[dreg:$0xc] =	wrdreg s11  }
0x21: {  	s10 =	simm.s32 $0x14000;
	[dreg:$0xd] =	wrdreg s13;
	s23 =	sadd.s32 s17, s3  }
0x22: {  	s14 =	simm.s32 $0x1;
	s3 =	sadd.s32 s0, s3;
	[dreg:$0x10] =	wrdreg s23  }
0x23: {  	s26 =	simm.s32 $0x0;
	s0 =	sadd.s32 s0, s22;
	[dreg:$0x11] =	wrdreg s3  }
0x24: {  	s24 =	sadd.s32 s17, s22;
	s25 =	sadd.s32 $0x4000, s19;
	[dreg:$0x12] =	wrdreg s0  }
0x25: {  	s7 =	sadd.s32 $0x10000, s19;
	s11 =	simm.s32 $0x15400;
	[dreg:$0x13] =	wrdreg s24  }
0x26: {  	v0 =	vimm.f32 $0.0e+00;
	s13 =	simm.s32 $0x1A800;
	[dreg:$0x14] =	wrdreg s25;
	s25 =	simm.s32 $0x16780  }
.LBB2_1:
0x27: {  	s3 =	smov.u32 s31  }
0x28: {  	s0 =	smov.u32 s29;
	s21 =	simm.s32 $0x0;
	s28 =	simm.s32 $0x200  }
.LBB2_2:
0x29: {  	p1 =	sne.s32 s28, $0xFE00;
	[tilespmem:s21+$0x16870] =	vst v0  }
0x2a: {  	[tilespmem:s21+$0x16800] =	vst v0  }
0x2b: {  	[tilespmem:s21+$0x16810] =	vst v0  }
.Ltmp0:
0x2c: {  	[tilespmem:s21+$0x16820] =	vst v0;
	(pc) =	sbr.rel @p1 .LBB2_2-.Ltmp0, $4  }
0x2d: {  	[tilespmem:s21+$0x16830] =	vst v0  }
0x2e: {  	[tilespmem:s21+$0x16840] =	vst v0  }
0x2f: {  	[tilespmem:s21+$0x16850] =	vst v0  }
0x30: {  	[tilespmem:s21+$0x16860] =	vst v0;
	s21 =	sshra.s32 s28, $0x2;
	s28 =	sadd.s32 $0x200, s28  }
0x31: {  	[tilespmem:s21+$0x16870] =	vst v0  }
0x32: {  	[tilespmem:s21+$0x16800] =	vst v0  }
0x33: {  	[tilespmem:s21+$0x16810] =	vst v0  }
0x34: {  	[tilespmem:s21+$0x16820] =	vst v0  }
0x35: {  	[tilespmem:s21+$0x16830] =	vst v0  }
0x36: {  	[tilespmem:s21+$0x16840] =	vst v0  }
0x37: {  	[tilespmem:s21+$0x16850] =	vst v0  }
0x38: {  	[tilespmem:s21+$0x16860] =	vst v0  }
0x39: {  	[spmem:s19] =	stream.linear.scatter [tilespmem:s8], [sflag:$0x3], $0x4000, $0x38;
	[tilespmem:$0x1E800] =	vst v63  }
0x3a: {  	_ =	swait.ge [sflag:s9], $0x4000  }
0x3b: {  	[sflag:s9] =	ssyncset.done $0x0  }
0x3c: {  	s23 =	rddreg [dreg:$0x14];
	[sflag:s9] =	ssyncadd.s32 $0xFFFFC000  }
0x3d: {  	[spmem:s23] =	stream.linear.scatter [tilespmem:s8], [sflag:$0x3], $0x4000, $0x38;
	[tilespmem:$0x1E800] =	vst v63  }
0x3e: {  	_ =	swait.ge [sflag:s9], $0x4000  }
0x3f: {  	[sflag:s9] =	ssyncset.done $0x0  }
0x40: {  	s24 =	rddreg [dreg:$0x15];
	[sflag:s9] =	ssyncadd.s32 $0xFFFFC000  }
0x41: {  	[spmem:s24] =	stream.linear.scatter [tilespmem:s8], [sflag:$0x3], $0x4000, $0x38;
	[tilespmem:$0x1E800] =	vst v63  }
0x42: {  	_ =	swait.ge [sflag:s9], $0x4000  }
0x43: {  	[sflag:s9] =	ssyncset.done $0x0  }
0x44: {  	s31 =	rddreg [dreg:$0x16];
	[sflag:s9] =	ssyncadd.s32 $0xFFFFC000  }
0x45: {  	[spmem:s31] =	stream.linear.scatter [tilespmem:s8], [sflag:$0x3], $0x4000, $0x38;
	[tilespmem:$0x1E800] =	vst v63  }
0x46: {  	_ =	swait.ge [sflag:s9], $0x4000  }
0x47: {  	[sflag:s9] =	ssyncset.done $0x0  }
0x48: {  	[sflag:s9] =	ssyncadd.s32 $0xFFFFC000  }
0x49: {  	[spmem:s7] =	stream.linear.scatter [tilespmem:s8], [sflag:$0x3], $0x4000, $0x38;
	[tilespmem:$0x1E800] =	vst v63  }
.Ltmp1:
0x4a: {  	_ =	swait.ge [sflag:s9], $0x4000;
	(pc) =	sbr.rel @!p0 .LBB2_4-.Ltmp1, $4  }
0x4b: {  	[sflag:s9] =	ssyncset.done $0x0  }
0x4c: {  	[sflag:s9] =	ssyncadd.s32 $0xFFFFC000  }
0x4d: {  	[bflag:$0x0] =	sbarrier.arrive $0xFFFF  }
0x4e: {  	s28 =	simm.s32 $0x0;
	s29 =	simm.s32 $0x0;
	s21 =	simm.s32 $0x0  }
.LBB2_7:
0x4f: {  	s22 =	smul.u32 $0x28, s21;
	_ =	sdelay $0x1  }
0x50: {  	s22 =	sadd.s32 s30, s22  }
0x51: {  	s22 =	sshll.u32 s22, $0x4  }
0x52: {  	s23 =	sadd.s32 s17, s22  }
0x53: {  	[tilespmem:s10], [sflag:$0x3] =	stream.linear.gather [hbm4b:s23+s28], $0x1400, $0x38;
	[tilespmem:$0x1E800] =	vst v63  }
0x54: {  	_ =	swait.ge [sflag:s9], $0x1400  }
0x55: {  	[sflag:s9] =	ssyncset.done $0x0  }
0x56: {  	s22 =	sadd.s32 s18, s22;
	[sflag:s9] =	ssyncadd.s32 $0xFFFFEC00  }
0x57: {  	[tilespmem:s11], [sflag:$0x3] =	stream.linear.gather [hbm4b:s22+s28], $0x1400, $0x38;
	[tilespmem:$0x1E800] =	vst v63  }
0x58: {  	_ =	swait.ge [sflag:s9], $0x1400  }
0x59: {  	[sflag:s9] =	ssyncset.done $0x0  }
0x5a: {  	[sflag:s9] =	ssyncadd.s32 $0xFFFFEC00  }
0x5b: {  	[tilespmem:s8], [sflag:$0x1] =	stream.indirect.gather [hbm4b:s5+s12], $0x80, s10, s12, $0xb8;
	[tilespmem:$0x1E800] =	vst v63  }
0x5c: {  	s31 =	simm.s32 $0x14080  }
0x5d: {  	[tilespmem:s13], [sflag:$0x2] =	stream.indirect.gather [hbm4b:s5+s12], $0x80, s31, s12, $0xb8;
	[tilespmem:$0x1E800] =	vst v63  }
0x5e: {  	_ =	swait.ge [sflag:s14], $0x4000  }
0x5f: {  	[sflag:s14] =	ssyncset.done $0x0  }
0x60: {  	s23 =	simm.s32 $0x15400;
	[sflag:s14] =	ssyncadd.s32 $0xFFFFC000  }
0x61: {  	[spmem:s1] =	stream.indirect.scatter.add.f32 [tilespmem:s8], [sflag:$0x3], $0x80, s23, s12, $0xb8;
	[tilespmem:$0x1E800] =	vst v63  }
0x62: {  	_ =	swait.ge [sflag:s9], $0x4000  }
0x63: {  	[sflag:s9] =	ssyncset.done $0x0  }
0x64: {  	s24 =	simm.s32 $0x14100;
	[sflag:s9] =	ssyncadd.s32 $0xFFFFC000  }
0x65: {  	[tilespmem:s8], [sflag:$0x1] =	stream.indirect.gather [hbm4b:s5+s12], $0x80, s24, s12, $0xb8;
	[tilespmem:$0x1E800] =	vst v63  }
0x66: {  	_ =	swait.ge [sflag:s15], $0x4000  }
0x67: {  	[sflag:s15] =	ssyncset.done $0x0  }
0x68: {  	s31 =	simm.s32 $0x15480;
	[sflag:s15] =	ssyncadd.s32 $0xFFFFC000  }
0x69: {  	[spmem:s1] =	stream.indirect.scatter.add.f32 [tilespmem:s13], [sflag:$0x3], $0x80, s31, s12, $0xb8;
	[tilespmem:$0x1E800] =	vst v63  }
0x6a: {  	_ =	swait.ge [sflag:s9], $0x4000  }
0x6b: {  	s29 =	simm.s32 $0x100;
	s22 =	simm.s32 $0x800;
	[sflag:s9] =	ssyncset.done $0x0  }
.LBB2_8:
0x6c: {  	s23 =	sadd.s32 $0x14080, s29  }
0x6d: {  	[sflag:s9] =	ssyncadd.s32 $0xFFFFC000;
	s24 =	smov.u32 s22;
	s31 =	sadd.s32 $0x400, s22  }
0x6e: {  	[tilespmem:s13], [sflag:$0x2] =	stream.indirect.gather [hbm4b:s5+s12], $0x80, s23, s12, $0xb8;
	[tilespmem:$0x1E800] =	vst v63  }
0x6f: {  	p1 =	sne.s32 s22, $0x4800;
	_ =	swait.ge [sflag:s14], $0x4000  }
0x70: {  	[sflag:s14] =	ssyncset.done $0x0  }
0x71: {  	s22 =	sadd.s32 $0x15400, s29;
	[sflag:s14] =	ssyncadd.s32 $0xFFFFC000  }
0x72: {  	[spmem:s1] =	stream.indirect.scatter.add.f32 [tilespmem:s8], [sflag:$0x3], $0x80, s22, s12, $0xb8;
	[tilespmem:$0x1E800] =	vst v63  }
0x73: {  	_ =	swait.ge [sflag:s9], $0x4000  }
0x74: {  	[sflag:s9] =	ssyncset.done $0x0  }
0x75: {  	s22 =	sadd.s32 $0x14100, s29;
	[sflag:s9] =	ssyncadd.s32 $0xFFFFC000  }
0x76: {  	[tilespmem:s8], [sflag:$0x1] =	stream.indirect.gather [hbm4b:s5+s12], $0x80, s22, s12, $0xb8;
	[tilespmem:$0x1E800] =	vst v63  }
0x77: {  	_ =	swait.ge [sflag:s15], $0x4000  }
.Ltmp2:
0x78: {  	[sflag:s15] =	ssyncset.done $0x0;
	(pc) =	sbr.rel @p1 .LBB2_8-.Ltmp2, $4  }
0x79: {  	s22 =	sadd.s32 $0x15480, s29;
	[sflag:s15] =	ssyncadd.s32 $0xFFFFC000  }
0x7a: {  	[spmem:s1] =	stream.indirect.scatter.add.f32 [tilespmem:s13], [sflag:$0x3], $0x80, s22, s12, $0xb8;
	[tilespmem:$0x1E800] =	vst v63  }
0x7b: {  	_ =	swait.ge [sflag:s9], $0x4000  }
0x7c: {  	s29 =	sshra.s32 s24, $0x2;
	s22 =	smov.u32 s31;
	[sflag:s9] =	ssyncset.done $0x0  }
0x7d: {  	s22 =	sadd.s32 $0x14080, s29;
	[sflag:s9] =	ssyncadd.s32 $0xFFFFC000  }
0x7e: {  	[tilespmem:s13], [sflag:$0x2] =	stream.indirect.gather [hbm4b:s5+s12], $0x80, s22, s12, $0xb8;
	[tilespmem:$0x1E800] =	vst v63  }
0x7f: {  	_ =	swait.ge [sflag:s14], $0x4000  }
0x80: {  	[sflag:s14] =	ssyncset.done $0x0  }
0x81: {  	s23 =	sadd.s32 $0x15400, s29;
	[sflag:s14] =	ssyncadd.s32 $0xFFFFC000  }
0x82: {  	[spmem:s1] =	stream.indirect.scatter.add.f32 [tilespmem:s8], [sflag:$0x3], $0x80, s23, s12, $0xb8;
	[tilespmem:$0x1E800] =	vst v63  }
0x83: {  	_ =	swait.ge [sflag:s9], $0x4000  }
0x84: {  	[sflag:s9] =	ssyncset.done $0x0  }
0x85: {  	s24 =	sadd.s32 $0x14100, s29;
	[sflag:s9] =	ssyncadd.s32 $0xFFFFC000  }
0x86: {  	[tilespmem:s8], [sflag:$0x1] =	stream.indirect.gather [hbm4b:s5+s12], $0x80, s24, s12, $0xb8;
	[tilespmem:$0x1E800] =	vst v63  }
0x87: {  	_ =	swait.ge [sflag:s15], $0x4000  }
0x88: {  	[sflag:s15] =	ssyncset.done $0x0  }
0x89: {  	s31 =	sadd.s32 $0x15480, s29;
	[sflag:s15] =	ssyncadd.s32 $0xFFFFC000  }
0x8a: {  	[spmem:s1] =	stream.indirect.scatter.add.f32 [tilespmem:s13], [sflag:$0x3], $0x80, s31, s12, $0xb8;
	[tilespmem:$0x1E800] =	vst v63  }
0x8b: {  	_ =	swait.ge [sflag:s9], $0x4000  }
0x8c: {  	[sflag:s9] =	ssyncset.done $0x0  }
0x8d: {  	[sflag:s9] =	ssyncadd.s32 $0xFFFFC000  }
0x8e: {  	[tilespmem:s13], [sflag:$0x2] =	stream.indirect.gather [hbm4b:s5+s12], $0x80, s16, s12, $0xb8;
	[tilespmem:$0x1E800] =	vst v63  }
0x8f: {  	_ =	swait.ge [sflag:s14], $0x4000  }
0x90: {  	[sflag:s14] =	ssyncset.done $0x0  }
0x91: {  	[sflag:s14] =	ssyncadd.s32 $0xFFFFC000  }
0x92: {  	[spmem:s1] =	stream.indirect.scatter.add.f32 [tilespmem:s8], [sflag:$0x3], $0x80, s20, s12, $0xb8;
	[tilespmem:$0x1E800] =	vst v63  }
0x93: {  	_ =	swait.ge [sflag:s9], $0x4000  }
0x94: {  	[sflag:s9] =	ssyncset.done $0x0  }
0x95: {  	[sflag:s9] =	ssyncadd.s32 $0xFFFFC000  }
0x96: {  	_ =	swait.ge [sflag:s15], $0x4000  }
0x97: {  	s21 =	sadd.s32 $0x1, s21;
	[sflag:s15] =	ssyncset.done $0x0  }
0x98: {  	p1 =	sne.s32 s21, $0x4;
	[sflag:s15] =	ssyncadd.s32 $0xFFFFC000  }
0x99: {  	[spmem:s1] =	stream.indirect.scatter.add.f32 [tilespmem:s13], [sflag:$0x3], $0x80, s25, s12, $0xb8;
	[tilespmem:$0x1E800] =	vst v63  }
.Ltmp3:
0x9a: {  	_ = 	snop;
	(pc) =	sbr.rel @p1 .LBB2_7-.Ltmp3, $4  }
.Ltmp4:
0x9b: {  	_ = 	snop;
	(pc) =	sbr.rel @!p1 .LBB2_10-.Ltmp4, $4  }
0x9c: {  	_ =	swait.ge [sflag:s9], $0x4000  }
0x9d: {  	[sflag:s9] =	ssyncset.done $0x0  }
0x9e: {  	[sflag:s9] =	ssyncadd.s32 $0xFFFFC000  }
0x9f: {  	_ = 	snop  }
.LBB2_4:
0xa0: {  	s21 =	smul.u32 $0x28, s29;
	_ =	sdelay $0x1  }
0xa1: {  	s21 =	sadd.s32 s30, s21  }
0xa2: {  	s21 =	sshll.u32 s21, $0x4  }
0xa3: {  	s22 =	sadd.s32 s17, s21  }
0xa4: {  	[tilespmem:s10], [sflag:$0x3] =	stream.linear.gather [hbm4b:s22+s28], $0x1400, $0x38;
	[tilespmem:$0x1E800] =	vst v63  }
0xa5: {  	_ =	swait.ge [sflag:s9], $0x1400  }
0xa6: {  	[sflag:s9] =	ssyncset.done $0x0  }
0xa7: {  	s21 =	sadd.s32 s18, s21;
	[sflag:s9] =	ssyncadd.s32 $0xFFFFEC00  }
0xa8: {  	[tilespmem:s11], [sflag:$0x3] =	stream.linear.gather [hbm4b:s21+s28], $0x1400, $0x38;
	[tilespmem:$0x1E800] =	vst v63  }
0xa9: {  	_ =	swait.ge [sflag:s9], $0x1400  }
0xaa: {  	[sflag:s9] =	ssyncset.done $0x0  }
0xab: {  	[sflag:s9] =	ssyncadd.s32 $0xFFFFEC00  }
0xac: {  	[tilespmem:s8], [sflag:$0x1] =	stream.indirect.gather [hbm4b:s4+s12], $0x80, s10, s12, $0xb8;
	[tilespmem:$0x1E800] =	vst v63  }
0xad: {  	s22 =	simm.s32 $0x14080  }
0xae: {  	[tilespmem:s13], [sflag:$0x2] =	stream.indirect.gather [hbm4b:s4+s12], $0x80, s22, s12, $0xb8;
	[tilespmem:$0x1E800] =	vst v63  }
0xaf: {  	_ =	swait.ge [sflag:s14], $0x4000  }
0xb0: {  	[sflag:s14] =	ssyncset.done $0x0  }
0xb1: {  	s23 =	simm.s32 $0x15400;
	[sflag:s14] =	ssyncadd.s32 $0xFFFFC000  }
0xb2: {  	[spmem:s1] =	stream.indirect.scatter.add.f32 [tilespmem:s8], [sflag:$0x3], $0x80, s23, s12, $0xb8;
	[tilespmem:$0x1E800] =	vst v63  }
0xb3: {  	_ =	swait.ge [sflag:s9], $0x4000  }
0xb4: {  	[sflag:s9] =	ssyncset.done $0x0  }
0xb5: {  	s24 =	simm.s32 $0x14100;
	[sflag:s9] =	ssyncadd.s32 $0xFFFFC000  }
0xb6: {  	[tilespmem:s8], [sflag:$0x1] =	stream.indirect.gather [hbm4b:s4+s12], $0x80, s24, s12, $0xb8;
	[tilespmem:$0x1E800] =	vst v63  }
0xb7: {  	_ =	swait.ge [sflag:s15], $0x4000  }
0xb8: {  	[sflag:s15] =	ssyncset.done $0x0  }
0xb9: {  	s31 =	simm.s32 $0x15480;
	[sflag:s15] =	ssyncadd.s32 $0xFFFFC000  }
0xba: {  	[spmem:s1] =	stream.indirect.scatter.add.f32 [tilespmem:s13], [sflag:$0x3], $0x80, s31, s12, $0xb8;
	[tilespmem:$0x1E800] =	vst v63  }
0xbb: {  	_ =	swait.ge [sflag:s9], $0x4000  }
0xbc: {  	s21 =	simm.s32 $0x100;
	s22 =	simm.s32 $0x800;
	[sflag:s9] =	ssyncset.done $0x0  }
.LBB2_5:
0xbd: {  	s23 =	sadd.s32 $0x14080, s21  }
0xbe: {  	[sflag:s9] =	ssyncadd.s32 $0xFFFFC000;
	s24 =	smov.u32 s22;
	s31 =	sadd.s32 $0x400, s22  }
0xbf: {  	[tilespmem:s13], [sflag:$0x2] =	stream.indirect.gather [hbm4b:s4+s12], $0x80, s23, s12, $0xb8;
	[tilespmem:$0x1E800] =	vst v63  }
0xc0: {  	p1 =	sne.s32 s22, $0x4800;
	_ =	swait.ge [sflag:s14], $0x4000  }
0xc1: {  	[sflag:s14] =	ssyncset.done $0x0  }
0xc2: {  	s22 =	sadd.s32 $0x15400, s21;
	[sflag:s14] =	ssyncadd.s32 $0xFFFFC000  }
0xc3: {  	[spmem:s1] =	stream.indirect.scatter.add.f32 [tilespmem:s8], [sflag:$0x3], $0x80, s22, s12, $0xb8;
	[tilespmem:$0x1E800] =	vst v63  }
0xc4: {  	_ =	swait.ge [sflag:s9], $0x4000  }
0xc5: {  	[sflag:s9] =	ssyncset.done $0x0  }
0xc6: {  	s22 =	sadd.s32 $0x14100, s21;
	[sflag:s9] =	ssyncadd.s32 $0xFFFFC000  }
0xc7: {  	[tilespmem:s8], [sflag:$0x1] =	stream.indirect.gather [hbm4b:s4+s12], $0x80, s22, s12, $0xb8;
	[tilespmem:$0x1E800] =	vst v63  }
0xc8: {  	_ =	swait.ge [sflag:s15], $0x4000  }
.Ltmp5:
0xc9: {  	[sflag:s15] =	ssyncset.done $0x0;
	(pc) =	sbr.rel @p1 .LBB2_5-.Ltmp5, $4  }
0xca: {  	s21 =	sadd.s32 $0x15480, s21;
	[sflag:s15] =	ssyncadd.s32 $0xFFFFC000  }
0xcb: {  	[spmem:s1] =	stream.indirect.scatter.add.f32 [tilespmem:s13], [sflag:$0x3], $0x80, s21, s12, $0xb8;
	[tilespmem:$0x1E800] =	vst v63  }
0xcc: {  	_ =	swait.ge [sflag:s9], $0x4000  }
0xcd: {  	s22 =	smov.u32 s31;
	s21 =	sshra.s32 s24, $0x2;
	[sflag:s9] =	ssyncset.done $0x0  }
0xce: {  	s22 =	sadd.s32 $0x14080, s21;
	[sflag:s9] =	ssyncadd.s32 $0xFFFFC000  }
0xcf: {  	[tilespmem:s13], [sflag:$0x2] =	stream.indirect.gather [hbm4b:s4+s12], $0x80, s22, s12, $0xb8;
	[tilespmem:$0x1E800] =	vst v63  }
0xd0: {  	_ =	swait.ge [sflag:s14], $0x4000  }
0xd1: {  	[sflag:s14] =	ssyncset.done $0x0  }
0xd2: {  	s23 =	sadd.s32 $0x15400, s21;
	[sflag:s14] =	ssyncadd.s32 $0xFFFFC000  }
0xd3: {  	[spmem:s1] =	stream.indirect.scatter.add.f32 [tilespmem:s8], [sflag:$0x3], $0x80, s23, s12, $0xb8;
	[tilespmem:$0x1E800] =	vst v63  }
0xd4: {  	_ =	swait.ge [sflag:s9], $0x4000  }
0xd5: {  	[sflag:s9] =	ssyncset.done $0x0  }
0xd6: {  	s24 =	sadd.s32 $0x14100, s21;
	[sflag:s9] =	ssyncadd.s32 $0xFFFFC000  }
0xd7: {  	[tilespmem:s8], [sflag:$0x1] =	stream.indirect.gather [hbm4b:s4+s12], $0x80, s24, s12, $0xb8;
	[tilespmem:$0x1E800] =	vst v63  }
0xd8: {  	_ =	swait.ge [sflag:s15], $0x4000  }
0xd9: {  	[sflag:s15] =	ssyncset.done $0x0  }
0xda: {  	s31 =	sadd.s32 $0x15480, s21;
	[sflag:s15] =	ssyncadd.s32 $0xFFFFC000  }
0xdb: {  	[spmem:s1] =	stream.indirect.scatter.add.f32 [tilespmem:s13], [sflag:$0x3], $0x80, s31, s12, $0xb8;
	[tilespmem:$0x1E800] =	vst v63  }
0xdc: {  	_ =	swait.ge [sflag:s9], $0x4000  }
0xdd: {  	[sflag:s9] =	ssyncset.done $0x0  }
0xde: {  	[sflag:s9] =	ssyncadd.s32 $0xFFFFC000  }
0xdf: {  	[tilespmem:s13], [sflag:$0x2] =	stream.indirect.gather [hbm4b:s4+s12], $0x80, s16, s12, $0xb8;
	[tilespmem:$0x1E800] =	vst v63  }
0xe0: {  	_ =	swait.ge [sflag:s14], $0x4000  }
0xe1: {  	[sflag:s14] =	ssyncset.done $0x0  }
0xe2: {  	[sflag:s14] =	ssyncadd.s32 $0xFFFFC000  }
0xe3: {  	[spmem:s1] =	stream.indirect.scatter.add.f32 [tilespmem:s8], [sflag:$0x3], $0x80, s20, s12, $0xb8;
	[tilespmem:$0x1E800] =	vst v63  }
0xe4: {  	_ =	swait.ge [sflag:s9], $0x4000  }
0xe5: {  	[sflag:s9] =	ssyncset.done $0x0  }
0xe6: {  	[sflag:s9] =	ssyncadd.s32 $0xFFFFC000  }
0xe7: {  	s29 =	sadd.s32 $0x1, s29;
	_ =	swait.ge [sflag:s15], $0x4000  }
0xe8: {  	p1 =	seq.s32 s29, $0x4;
	[sflag:s15] =	ssyncset.done $0x0  }
.Ltmp6:
0xe9: {  	[sflag:s15] =	ssyncadd.s32 $0xFFFFC000;
	(pc) =	sbr.rel @!p1 .LBB2_4-.Ltmp6, $4  }
0xea: {  	[spmem:s1] =	stream.indirect.scatter.add.f32 [tilespmem:s13], [sflag:$0x3], $0x80, s25, s12, $0xb8;
	[tilespmem:$0x1E800] =	vst v63  }
0xeb: {  	_ =	swait.ge [sflag:s9], $0x4000  }
0xec: {  	[sflag:s9] =	ssyncset.done $0x0  }
0xed: {  	[sflag:s9] =	ssyncadd.s32 $0xFFFFC000  }
.LBB2_10:
0xee: {  	[bflag:$0x0] =	sbarrier.arrive $0xFFFF  }
0xef: {  	[tilespmem:s8], [sflag:$0x3] =	stream.linear.gather [spmem:s19], $0x4000, $0x38;
	[tilespmem:$0x1E800] =	vst v63  }
0xf0: {  	_ =	swait.ge [sflag:s9], $0x4000  }
0xf1: {  	[sflag:s9] =	ssyncset.done $0x0  }
0xf2: {  	s21 =	simm.s32 $0x0;
	s22 =	rddreg [dreg:$0x3];
	[sflag:s9] =	ssyncadd.s32 $0xFFFFC000  }
0xf3: {  	[hbm4b:s22+s21] =	stream.linear.scatter [tilespmem:s8], [sflag:$0x3], $0x4000, $0x38;
	[tilespmem:$0x1E800] =	vst v63  }
0xf4: {  	_ =	swait.ge [sflag:s9], $0x4000  }
0xf5: {  	[sflag:s9] =	ssyncset.done $0x0  }
0xf6: {  	[sflag:s9] =	ssyncadd.s32 $0xFFFFC000  }
0xf7: {  	[tilespmem:s8], [sflag:$0x3] =	stream.linear.gather [spmem:s0], $0x4000, $0x38;
	[tilespmem:$0x1E800] =	vst v63  }
0xf8: {  	_ =	swait.ge [sflag:s9], $0x4000  }
0xf9: {  	[sflag:s9] =	ssyncset.done $0x0  }
0xfa: {  	s29 =	smov.u32 s0;
	s0 =	rddreg [dreg:$0x4];
	[sflag:s9] =	ssyncadd.s32 $0xFFFFC000  }
0xfb: {  	[hbm4b:s0+s21] =	stream.linear.scatter [tilespmem:s8], [sflag:$0x3], $0x4000, $0x38;
	[tilespmem:$0x1E800] =	vst v63  }
0xfc: {  	_ =	swait.ge [sflag:s9], $0x4000  }
0xfd: {  	[sflag:s9] =	ssyncset.done $0x0  }
0xfe: {  	[sflag:s9] =	ssyncadd.s32 $0xFFFFC000  }
0xff: {  	[tilespmem:s8], [sflag:$0x3] =	stream.linear.gather [spmem:s3], $0x4000, $0x38;
	[tilespmem:$0x1E800] =	vst v63  }
0x100: {  	_ =	swait.ge [sflag:s9], $0x4000  }
0x101: {  	[sflag:s9] =	ssyncset.done $0x0  }
0x102: {  	s23 =	rddreg [dreg:$0x5];
	[sflag:s9] =	ssyncadd.s32 $0xFFFFC000  }
0x103: {  	[hbm4b:s23+s21] =	stream.linear.scatter [tilespmem:s8], [sflag:$0x3], $0x4000, $0x38;
	[tilespmem:$0x1E800] =	vst v63  }
0x104: {  	_ =	swait.ge [sflag:s9], $0x4000  }
0x105: {  	[sflag:s9] =	ssyncset.done $0x0  }
0x106: {  	s24 =	rddreg [dreg:$0xe];
	[sflag:s9] =	ssyncadd.s32 $0xFFFFC000  }
0x107: {  	[tilespmem:s8], [sflag:$0x3] =	stream.linear.gather [spmem:s24], $0x4000, $0x38;
	[tilespmem:$0x1E800] =	vst v63  }
0x108: {  	_ =	swait.ge [sflag:s9], $0x4000  }
0x109: {  	[sflag:s9] =	ssyncset.done $0x0  }
0x10a: {  	s0 =	rddreg [dreg:$0x6];
	[sflag:s9] =	ssyncadd.s32 $0xFFFFC000  }
0x10b: {  	[hbm4b:s0+s21] =	stream.linear.scatter [tilespmem:s8], [sflag:$0x3], $0x4000, $0x38;
	[tilespmem:$0x1E800] =	vst v63  }
0x10c: {  	_ =	swait.ge [sflag:s9], $0x4000  }
0x10d: {  	[sflag:s9] =	ssyncset.done $0x0  }
0x10e: {  	s23 =	rddreg [dreg:$0xf];
	[sflag:s9] =	ssyncadd.s32 $0xFFFFC000  }
0x10f: {  	[tilespmem:s8], [sflag:$0x3] =	stream.linear.gather [spmem:s23], $0x4000, $0x38;
	[tilespmem:$0x1E800] =	vst v63  }
0x110: {  	_ =	swait.ge [sflag:s9], $0x4000  }
0x111: {  	[sflag:s9] =	ssyncset.done $0x0  }
0x112: {  	s24 =	rddreg [dreg:$0x7];
	[sflag:s9] =	ssyncadd.s32 $0xFFFFC000  }
0x113: {  	[hbm4b:s24+s21] =	stream.linear.scatter [tilespmem:s8], [sflag:$0x3], $0x4000, $0x38;
	[tilespmem:$0x1E800] =	vst v63  }
0x114: {  	_ =	swait.ge [sflag:s9], $0x4000  }
0x115: {  	[sflag:s9] =	ssyncset.done $0x0  }
0x116: {  	s31 =	smov.u32 s3;
	[sflag:s9] =	ssyncadd.s32 $0xFFFFC000  }
0x117: {  	s28 =	simm.s32 $0x200;
	s21 =	simm.s32 $0x0;
	[bflag:$0x0] =	sbarrier.arrive $0xFFFF  }
.LBB2_11:
0x118: {  	p1 =	seq.s32 s28, $0xFE00;
	[tilespmem:s21+$0x16870] =	vst v0  }
0x119: {  	[tilespmem:s21+$0x16800] =	vst v0  }
0x11a: {  	[tilespmem:s21+$0x16810] =	vst v0  }
.Ltmp7:
0x11b: {  	[tilespmem:s21+$0x16820] =	vst v0;
	(pc) =	sbr.rel @!p1 .LBB2_11-.Ltmp7, $4  }
0x11c: {  	[tilespmem:s21+$0x16830] =	vst v0  }
0x11d: {  	[tilespmem:s21+$0x16840] =	vst v0  }
0x11e: {  	[tilespmem:s21+$0x16850] =	vst v0  }
0x11f: {  	[tilespmem:s21+$0x16860] =	vst v0;
	s21 =	sshra.s32 s28, $0x2;
	s28 =	sadd.s32 $0x200, s28  }
0x120: {  	[tilespmem:s21+$0x16870] =	vst v0  }
0x121: {  	[tilespmem:s21+$0x16800] =	vst v0  }
0x122: {  	[tilespmem:s21+$0x16810] =	vst v0  }
0x123: {  	[tilespmem:s21+$0x16820] =	vst v0  }
0x124: {  	[tilespmem:s21+$0x16830] =	vst v0  }
0x125: {  	[tilespmem:s21+$0x16840] =	vst v0  }
0x126: {  	[tilespmem:s21+$0x16850] =	vst v0  }
0x127: {  	[tilespmem:s21+$0x16860] =	vst v0  }
0x128: {  	[spmem:s19] =	stream.linear.scatter [tilespmem:s8], [sflag:$0x3], $0x4000, $0x38;
	[tilespmem:$0x1E800] =	vst v63  }
0x129: {  	_ =	swait.ge [sflag:s9], $0x4000  }
0x12a: {  	[sflag:s9] =	ssyncset.done $0x0  }
0x12b: {  	s0 =	rddreg [dreg:$0x14];
	[sflag:s9] =	ssyncadd.s32 $0xFFFFC000  }
0x12c: {  	[spmem:s0] =	stream.linear.scatter [tilespmem:s8], [sflag:$0x3], $0x4000, $0x38;
	[tilespmem:$0x1E800] =	vst v63  }
0x12d: {  	_ =	swait.ge [sflag:s9], $0x4000  }
0x12e: {  	[sflag:s9] =	ssyncset.done $0x0  }
0x12f: {  	s22 =	rddreg [dreg:$0x15];
	[sflag:s9] =	ssyncadd.s32 $0xFFFFC000  }
0x130: {  	[spmem:s22] =	stream.linear.scatter [tilespmem:s8], [sflag:$0x3], $0x4000, $0x38;
	[tilespmem:$0x1E800] =	vst v63  }
0x131: {  	_ =	swait.ge [sflag:s9], $0x4000  }
0x132: {  	[sflag:s9] =	ssyncset.done $0x0  }
0x133: {  	s23 =	rddreg [dreg:$0x16];
	[sflag:s9] =	ssyncadd.s32 $0xFFFFC000  }
0x134: {  	[spmem:s23] =	stream.linear.scatter [tilespmem:s8], [sflag:$0x3], $0x4000, $0x38;
	[tilespmem:$0x1E800] =	vst v63  }
0x135: {  	_ =	swait.ge [sflag:s9], $0x4000  }
0x136: {  	[sflag:s9] =	ssyncset.done $0x0  }
0x137: {  	[sflag:s9] =	ssyncadd.s32 $0xFFFFC000  }
0x138: {  	[spmem:s7] =	stream.linear.scatter [tilespmem:s8], [sflag:$0x3], $0x4000, $0x38;
	[tilespmem:$0x1E800] =	vst v63  }
0x139: {  	_ =	swait.ge [sflag:s9], $0x4000  }
0x13a: {  	[sflag:s9] =	ssyncset.done $0x0  }
0x13b: {  	[sflag:s9] =	ssyncadd.s32 $0xFFFFC000  }
0x13c: {  	[bflag:$0x0] =	sbarrier.arrive $0xFFFF  }
0x13d: {  	s24 =	simm.s32 $0x0;
	s28 =	rddreg [dreg:$0x10]  }
0x13e: {  	[tilespmem:s10], [sflag:$0x3] =	stream.linear.gather [hbm4b:s28+s24], $0x1400, $0x38;
	[tilespmem:$0x1E800] =	vst v63  }
0x13f: {  	_ =	swait.ge [sflag:s9], $0x1400  }
0x140: {  	[sflag:s9] =	ssyncset.done $0x0  }
0x141: {  	s3 =	rddreg [dreg:$0x11];
	[sflag:s9] =	ssyncadd.s32 $0xFFFFEC00  }
0x142: {  	[tilespmem:s11], [sflag:$0x3] =	stream.linear.gather [hbm4b:s3+s24], $0x1400, $0x38;
	[tilespmem:$0x1E800] =	vst v63  }
0x143: {  	_ =	swait.ge [sflag:s9], $0x1400  }
0x144: {  	[sflag:s9] =	ssyncset.done $0x0  }
0x145: {  	[sflag:s9] =	ssyncadd.s32 $0xFFFFEC00  }
0x146: {  	[tilespmem:s8], [sflag:$0x1] =	stream.indirect.gather [hbm4b:s6+s12], $0x80, s10, s12, $0xb8;
	[tilespmem:$0x1E800] =	vst v63  }
0x147: {  	s22 =	simm.s32 $0x14080  }
0x148: {  	[tilespmem:s13], [sflag:$0x2] =	stream.indirect.gather [hbm4b:s6+s12], $0x80, s22, s12, $0xb8;
	[tilespmem:$0x1E800] =	vst v63  }
0x149: {  	_ =	swait.ge [sflag:s14], $0x4000  }
0x14a: {  	[sflag:s14] =	ssyncset.done $0x0  }
0x14b: {  	s23 =	simm.s32 $0x15400;
	[sflag:s14] =	ssyncadd.s32 $0xFFFFC000  }
0x14c: {  	[spmem:s1] =	stream.indirect.scatter.add.f32 [tilespmem:s8], [sflag:$0x3], $0x80, s23, s12, $0xb8;
	[tilespmem:$0x1E800] =	vst v63  }
0x14d: {  	_ =	swait.ge [sflag:s9], $0x4000  }
0x14e: {  	[sflag:s9] =	ssyncset.done $0x0  }
0x14f: {  	s24 =	simm.s32 $0x14100;
	[sflag:s9] =	ssyncadd.s32 $0xFFFFC000  }
0x150: {  	[tilespmem:s8], [sflag:$0x1] =	stream.indirect.gather [hbm4b:s6+s12], $0x80, s24, s12, $0xb8;
	[tilespmem:$0x1E800] =	vst v63  }
0x151: {  	_ =	swait.ge [sflag:s15], $0x4000  }
0x152: {  	[sflag:s15] =	ssyncset.done $0x0  }
0x153: {  	s28 =	simm.s32 $0x15480;
	[sflag:s15] =	ssyncadd.s32 $0xFFFFC000  }
0x154: {  	[spmem:s1] =	stream.indirect.scatter.add.f32 [tilespmem:s13], [sflag:$0x3], $0x80, s28, s12, $0xb8;
	[tilespmem:$0x1E800] =	vst v63  }
0x155: {  	_ =	swait.ge [sflag:s9], $0x4000  }
0x156: {  	s21 =	simm.s32 $0x100;
	s22 =	simm.s32 $0x800;
	[sflag:s9] =	ssyncset.done $0x0  }
.LBB2_13:
0x157: {  	s23 =	sadd.s32 $0x14080, s21  }
0x158: {  	[sflag:s9] =	ssyncadd.s32 $0xFFFFC000;
	s24 =	smov.u32 s22;
	s28 =	sadd.s32 $0x400, s22  }
0x159: {  	[tilespmem:s13], [sflag:$0x2] =	stream.indirect.gather [hbm4b:s6+s12], $0x80, s23, s12, $0xb8;
	[tilespmem:$0x1E800] =	vst v63  }
0x15a: {  	p1 =	sne.s32 s22, $0x4800;
	_ =	swait.ge [sflag:s14], $0x4000  }
0x15b: {  	[sflag:s14] =	ssyncset.done $0x0  }
0x15c: {  	s22 =	sadd.s32 $0x15400, s21;
	[sflag:s14] =	ssyncadd.s32 $0xFFFFC000  }
0x15d: {  	[spmem:s1] =	stream.indirect.scatter.add.f32 [tilespmem:s8], [sflag:$0x3], $0x80, s22, s12, $0xb8;
	[tilespmem:$0x1E800] =	vst v63  }
0x15e: {  	_ =	swait.ge [sflag:s9], $0x4000  }
0x15f: {  	[sflag:s9] =	ssyncset.done $0x0  }
0x160: {  	s22 =	sadd.s32 $0x14100, s21;
	[sflag:s9] =	ssyncadd.s32 $0xFFFFC000  }
0x161: {  	[tilespmem:s8], [sflag:$0x1] =	stream.indirect.gather [hbm4b:s6+s12], $0x80, s22, s12, $0xb8;
	[tilespmem:$0x1E800] =	vst v63  }
0x162: {  	_ =	swait.ge [sflag:s15], $0x4000  }
.Ltmp8:
0x163: {  	[sflag:s15] =	ssyncset.done $0x0;
	(pc) =	sbr.rel @p1 .LBB2_13-.Ltmp8, $4  }
0x164: {  	s21 =	sadd.s32 $0x15480, s21;
	[sflag:s15] =	ssyncadd.s32 $0xFFFFC000  }
0x165: {  	[spmem:s1] =	stream.indirect.scatter.add.f32 [tilespmem:s13], [sflag:$0x3], $0x80, s21, s12, $0xb8;
	[tilespmem:$0x1E800] =	vst v63  }
0x166: {  	_ =	swait.ge [sflag:s9], $0x4000  }
0x167: {  	s22 =	smov.u32 s28;
	s21 =	sshra.s32 s24, $0x2;
	[sflag:s9] =	ssyncset.done $0x0  }
0x168: {  	s22 =	sadd.s32 $0x14080, s21;
	[sflag:s9] =	ssyncadd.s32 $0xFFFFC000  }
0x169: {  	[tilespmem:s13], [sflag:$0x2] =	stream.indirect.gather [hbm4b:s6+s12], $0x80, s22, s12, $0xb8;
	[tilespmem:$0x1E800] =	vst v63  }
0x16a: {  	_ =	swait.ge [sflag:s14], $0x4000  }
0x16b: {  	[sflag:s14] =	ssyncset.done $0x0  }
0x16c: {  	s3 =	sadd.s32 $0x15400, s21;
	[sflag:s14] =	ssyncadd.s32 $0xFFFFC000  }
0x16d: {  	[spmem:s1] =	stream.indirect.scatter.add.f32 [tilespmem:s8], [sflag:$0x3], $0x80, s3, s12, $0xb8;
	[tilespmem:$0x1E800] =	vst v63  }
0x16e: {  	_ =	swait.ge [sflag:s9], $0x4000  }
0x16f: {  	[sflag:s9] =	ssyncset.done $0x0  }
0x170: {  	s23 =	sadd.s32 $0x14100, s21;
	[sflag:s9] =	ssyncadd.s32 $0xFFFFC000  }
0x171: {  	[tilespmem:s8], [sflag:$0x1] =	stream.indirect.gather [hbm4b:s6+s12], $0x80, s23, s12, $0xb8;
	[tilespmem:$0x1E800] =	vst v63  }
0x172: {  	_ =	swait.ge [sflag:s15], $0x4000  }
0x173: {  	[sflag:s15] =	ssyncset.done $0x0  }
0x174: {  	s24 =	sadd.s32 $0x15480, s21;
	[sflag:s15] =	ssyncadd.s32 $0xFFFFC000  }
0x175: {  	[spmem:s1] =	stream.indirect.scatter.add.f32 [tilespmem:s13], [sflag:$0x3], $0x80, s24, s12, $0xb8;
	[tilespmem:$0x1E800] =	vst v63  }
0x176: {  	_ =	swait.ge [sflag:s9], $0x4000  }
0x177: {  	[sflag:s9] =	ssyncset.done $0x0  }
0x178: {  	[sflag:s9] =	ssyncadd.s32 $0xFFFFC000  }
0x179: {  	[tilespmem:s13], [sflag:$0x2] =	stream.indirect.gather [hbm4b:s6+s12], $0x80, s16, s12, $0xb8;
	[tilespmem:$0x1E800] =	vst v63  }
0x17a: {  	_ =	swait.ge [sflag:s14], $0x4000  }
0x17b: {  	[sflag:s14] =	ssyncset.done $0x0  }
0x17c: {  	[sflag:s14] =	ssyncadd.s32 $0xFFFFC000  }
0x17d: {  	[spmem:s1] =	stream.indirect.scatter.add.f32 [tilespmem:s8], [sflag:$0x3], $0x80, s20, s12, $0xb8;
	[tilespmem:$0x1E800] =	vst v63  }
0x17e: {  	_ =	swait.ge [sflag:s9], $0x4000  }
0x17f: {  	[sflag:s9] =	ssyncset.done $0x0  }
0x180: {  	[sflag:s9] =	ssyncadd.s32 $0xFFFFC000  }
0x181: {  	_ =	swait.ge [sflag:s15], $0x4000  }
0x182: {  	[sflag:s15] =	ssyncset.done $0x0  }
0x183: {  	[sflag:s15] =	ssyncadd.s32 $0xFFFFC000  }
0x184: {  	[spmem:s1] =	stream.indirect.scatter.add.f32 [tilespmem:s13], [sflag:$0x3], $0x80, s25, s12, $0xb8;
	[tilespmem:$0x1E800] =	vst v63  }
0x185: {  	_ =	swait.ge [sflag:s9], $0x4000  }
0x186: {  	[sflag:s9] =	ssyncset.done $0x0  }
0x187: {  	s28 =	simm.s32 $0x0;
	s0 =	rddreg [dreg:$0x13];
	[sflag:s9] =	ssyncadd.s32 $0xFFFFC000  }
0x188: {  	[tilespmem:s10], [sflag:$0x3] =	stream.linear.gather [hbm4b:s0+s28], $0x1400, $0x38;
	[tilespmem:$0x1E800] =	vst v63  }
0x189: {  	_ =	swait.ge [sflag:s9], $0x1400  }
0x18a: {  	[sflag:s9] =	ssyncset.done $0x0  }
0x18b: {  	s3 =	rddreg [dreg:$0x12];
	[sflag:s9] =	ssyncadd.s32 $0xFFFFEC00  }
0x18c: {  	[tilespmem:s11], [sflag:$0x3] =	stream.linear.gather [hbm4b:s3+s28], $0x1400, $0x38;
	[tilespmem:$0x1E800] =	vst v63  }
0x18d: {  	_ =	swait.ge [sflag:s9], $0x1400  }
0x18e: {  	[sflag:s9] =	ssyncset.done $0x0  }
0x18f: {  	[sflag:s9] =	ssyncadd.s32 $0xFFFFEC00  }
0x190: {  	[tilespmem:s8], [sflag:$0x1] =	stream.indirect.gather [hbm4b:s6+s12], $0x80, s10, s12, $0xb8;
	[tilespmem:$0x1E800] =	vst v63  }
0x191: {  	s22 =	simm.s32 $0x14080  }
0x192: {  	[tilespmem:s13], [sflag:$0x2] =	stream.indirect.gather [hbm4b:s6+s12], $0x80, s22, s12, $0xb8;
	[tilespmem:$0x1E800] =	vst v63  }
0x193: {  	_ =	swait.ge [sflag:s14], $0x4000  }
0x194: {  	[sflag:s14] =	ssyncset.done $0x0  }
0x195: {  	s23 =	simm.s32 $0x15400;
	[sflag:s14] =	ssyncadd.s32 $0xFFFFC000  }
0x196: {  	[spmem:s1] =	stream.indirect.scatter.add.f32 [tilespmem:s8], [sflag:$0x3], $0x80, s23, s12, $0xb8;
	[tilespmem:$0x1E800] =	vst v63  }
0x197: {  	_ =	swait.ge [sflag:s9], $0x4000  }
0x198: {  	[sflag:s9] =	ssyncset.done $0x0  }
0x199: {  	s24 =	simm.s32 $0x14100;
	[sflag:s9] =	ssyncadd.s32 $0xFFFFC000  }
0x19a: {  	[tilespmem:s8], [sflag:$0x1] =	stream.indirect.gather [hbm4b:s6+s12], $0x80, s24, s12, $0xb8;
	[tilespmem:$0x1E800] =	vst v63  }
0x19b: {  	_ =	swait.ge [sflag:s15], $0x4000  }
0x19c: {  	[sflag:s15] =	ssyncset.done $0x0  }
0x19d: {  	s28 =	simm.s32 $0x15480;
	[sflag:s15] =	ssyncadd.s32 $0xFFFFC000  }
0x19e: {  	[spmem:s1] =	stream.indirect.scatter.add.f32 [tilespmem:s13], [sflag:$0x3], $0x80, s28, s12, $0xb8;
	[tilespmem:$0x1E800] =	vst v63  }
0x19f: {  	_ =	swait.ge [sflag:s9], $0x4000  }
0x1a0: {  	s21 =	simm.s32 $0x100;
	s22 =	simm.s32 $0x800;
	[sflag:s9] =	ssyncset.done $0x0  }
.LBB2_15:
0x1a1: {  	s23 =	sadd.s32 $0x14080, s21  }
0x1a2: {  	[sflag:s9] =	ssyncadd.s32 $0xFFFFC000;
	s24 =	smov.u32 s22;
	s28 =	sadd.s32 $0x400, s22  }
0x1a3: {  	[tilespmem:s13], [sflag:$0x2] =	stream.indirect.gather [hbm4b:s6+s12], $0x80, s23, s12, $0xb8;
	[tilespmem:$0x1E800] =	vst v63  }
0x1a4: {  	p1 =	sne.s32 s22, $0x4800;
	_ =	swait.ge [sflag:s14], $0x4000  }
0x1a5: {  	[sflag:s14] =	ssyncset.done $0x0  }
0x1a6: {  	s22 =	sadd.s32 $0x15400, s21;
	[sflag:s14] =	ssyncadd.s32 $0xFFFFC000  }
0x1a7: {  	[spmem:s1] =	stream.indirect.scatter.add.f32 [tilespmem:s8], [sflag:$0x3], $0x80, s22, s12, $0xb8;
	[tilespmem:$0x1E800] =	vst v63  }
0x1a8: {  	_ =	swait.ge [sflag:s9], $0x4000  }
0x1a9: {  	[sflag:s9] =	ssyncset.done $0x0  }
0x1aa: {  	s22 =	sadd.s32 $0x14100, s21;
	[sflag:s9] =	ssyncadd.s32 $0xFFFFC000  }
0x1ab: {  	[tilespmem:s8], [sflag:$0x1] =	stream.indirect.gather [hbm4b:s6+s12], $0x80, s22, s12, $0xb8;
	[tilespmem:$0x1E800] =	vst v63  }
0x1ac: {  	_ =	swait.ge [sflag:s15], $0x4000  }
.Ltmp9:
0x1ad: {  	[sflag:s15] =	ssyncset.done $0x0;
	(pc) =	sbr.rel @p1 .LBB2_15-.Ltmp9, $4  }
0x1ae: {  	s21 =	sadd.s32 $0x15480, s21;
	[sflag:s15] =	ssyncadd.s32 $0xFFFFC000  }
0x1af: {  	[spmem:s1] =	stream.indirect.scatter.add.f32 [tilespmem:s13], [sflag:$0x3], $0x80, s21, s12, $0xb8;
	[tilespmem:$0x1E800] =	vst v63  }
0x1b0: {  	_ =	swait.ge [sflag:s9], $0x4000  }
0x1b1: {  	s22 =	smov.u32 s28;
	s21 =	sshra.s32 s24, $0x2;
	[sflag:s9] =	ssyncset.done $0x0  }
0x1b2: {  	s22 =	sadd.s32 $0x14080, s21;
	[sflag:s9] =	ssyncadd.s32 $0xFFFFC000  }
0x1b3: {  	[tilespmem:s13], [sflag:$0x2] =	stream.indirect.gather [hbm4b:s6+s12], $0x80, s22, s12, $0xb8;
	[tilespmem:$0x1E800] =	vst v63  }
0x1b4: {  	_ =	swait.ge [sflag:s14], $0x4000  }
0x1b5: {  	[sflag:s14] =	ssyncset.done $0x0  }
0x1b6: {  	s3 =	sadd.s32 $0x15400, s21;
	[sflag:s14] =	ssyncadd.s32 $0xFFFFC000  }
0x1b7: {  	[spmem:s1] =	stream.indirect.scatter.add.f32 [tilespmem:s8], [sflag:$0x3], $0x80, s3, s12, $0xb8;
	[tilespmem:$0x1E800] =	vst v63  }
0x1b8: {  	_ =	swait.ge [sflag:s9], $0x4000  }
0x1b9: {  	[sflag:s9] =	ssyncset.done $0x0  }
0x1ba: {  	s23 =	sadd.s32 $0x14100, s21;
	[sflag:s9] =	ssyncadd.s32 $0xFFFFC000  }
0x1bb: {  	[tilespmem:s8], [sflag:$0x1] =	stream.indirect.gather [hbm4b:s6+s12], $0x80, s23, s12, $0xb8;
	[tilespmem:$0x1E800] =	vst v63  }
0x1bc: {  	_ =	swait.ge [sflag:s15], $0x4000  }
0x1bd: {  	[sflag:s15] =	ssyncset.done $0x0  }
0x1be: {  	s24 =	sadd.s32 $0x15480, s21;
	[sflag:s15] =	ssyncadd.s32 $0xFFFFC000  }
0x1bf: {  	[spmem:s1] =	stream.indirect.scatter.add.f32 [tilespmem:s13], [sflag:$0x3], $0x80, s24, s12, $0xb8;
	[tilespmem:$0x1E800] =	vst v63  }
0x1c0: {  	_ =	swait.ge [sflag:s9], $0x4000  }
0x1c1: {  	[sflag:s9] =	ssyncset.done $0x0  }
0x1c2: {  	[sflag:s9] =	ssyncadd.s32 $0xFFFFC000  }
0x1c3: {  	[tilespmem:s13], [sflag:$0x2] =	stream.indirect.gather [hbm4b:s6+s12], $0x80, s16, s12, $0xb8;
	[tilespmem:$0x1E800] =	vst v63  }
0x1c4: {  	_ =	swait.ge [sflag:s14], $0x4000  }
0x1c5: {  	[sflag:s14] =	ssyncset.done $0x0  }
0x1c6: {  	[sflag:s14] =	ssyncadd.s32 $0xFFFFC000  }
0x1c7: {  	[spmem:s1] =	stream.indirect.scatter.add.f32 [tilespmem:s8], [sflag:$0x3], $0x80, s20, s12, $0xb8;
	[tilespmem:$0x1E800] =	vst v63  }
0x1c8: {  	_ =	swait.ge [sflag:s9], $0x4000  }
0x1c9: {  	[sflag:s9] =	ssyncset.done $0x0  }
0x1ca: {  	[sflag:s9] =	ssyncadd.s32 $0xFFFFC000  }
0x1cb: {  	_ =	swait.ge [sflag:s15], $0x4000  }
0x1cc: {  	[sflag:s15] =	ssyncset.done $0x0  }
0x1cd: {  	[sflag:s15] =	ssyncadd.s32 $0xFFFFC000  }
0x1ce: {  	[spmem:s1] =	stream.indirect.scatter.add.f32 [tilespmem:s13], [sflag:$0x3], $0x80, s25, s12, $0xb8;
	[tilespmem:$0x1E800] =	vst v63  }
0x1cf: {  	_ =	swait.ge [sflag:s9], $0x4000  }
0x1d0: {  	[sflag:s9] =	ssyncset.done $0x0  }
0x1d1: {  	[sflag:s9] =	ssyncadd.s32 $0xFFFFC000  }
0x1d2: {  	[bflag:$0x0] =	sbarrier.arrive $0xFFFF  }
0x1d3: {  	[tilespmem:s8], [sflag:$0x3] =	stream.linear.gather [spmem:s19], $0x4000, $0x38;
	[tilespmem:$0x1E800] =	vst v63  }
0x1d4: {  	_ =	swait.ge [sflag:s9], $0x4000  }
0x1d5: {  	[sflag:s9] =	ssyncset.done $0x0  }
0x1d6: {  	s28 =	rddreg [dreg:$0x8];
	[sflag:s9] =	ssyncadd.s32 $0xFFFFC000  }
0x1d7: {  	[hbm4b:s28+s2] =	stream.linear.scatter [tilespmem:s8], [sflag:$0x3], $0x4000, $0x38;
	[tilespmem:$0x1E800] =	vst v63  }
0x1d8: {  	_ =	swait.ge [sflag:s9], $0x4000  }
0x1d9: {  	[sflag:s9] =	ssyncset.done $0x0  }
0x1da: {  	[sflag:s9] =	ssyncadd.s32 $0xFFFFC000  }
0x1db: {  	[tilespmem:s8], [sflag:$0x3] =	stream.linear.gather [spmem:s29], $0x4000, $0x38;
	[tilespmem:$0x1E800] =	vst v63  }
0x1dc: {  	_ =	swait.ge [sflag:s9], $0x4000  }
0x1dd: {  	[sflag:s9] =	ssyncset.done $0x0  }
0x1de: {  	s0 =	rddreg [dreg:$0x9];
	[sflag:s9] =	ssyncadd.s32 $0xFFFFC000  }
0x1df: {  	[hbm4b:s0+s2] =	stream.linear.scatter [tilespmem:s8], [sflag:$0x3], $0x4000, $0x38;
	[tilespmem:$0x1E800] =	vst v63  }
0x1e0: {  	_ =	swait.ge [sflag:s9], $0x4000  }
0x1e1: {  	[sflag:s9] =	ssyncset.done $0x0  }
0x1e2: {  	[sflag:s9] =	ssyncadd.s32 $0xFFFFC000  }
0x1e3: {  	[tilespmem:s8], [sflag:$0x3] =	stream.linear.gather [spmem:s31], $0x4000, $0x38;
	[tilespmem:$0x1E800] =	vst v63  }
0x1e4: {  	_ =	swait.ge [sflag:s9], $0x4000  }
0x1e5: {  	[sflag:s9] =	ssyncset.done $0x0  }
0x1e6: {  	s3 =	rddreg [dreg:$0xa];
	[sflag:s9] =	ssyncadd.s32 $0xFFFFC000  }
0x1e7: {  	[hbm4b:s3+s2] =	stream.linear.scatter [tilespmem:s8], [sflag:$0x3], $0x4000, $0x38;
	[tilespmem:$0x1E800] =	vst v63  }
0x1e8: {  	_ =	swait.ge [sflag:s9], $0x4000  }
0x1e9: {  	[sflag:s9] =	ssyncset.done $0x0  }
0x1ea: {  	s0 =	rddreg [dreg:$0xe];
	[sflag:s9] =	ssyncadd.s32 $0xFFFFC000  }
0x1eb: {  	[tilespmem:s8], [sflag:$0x3] =	stream.linear.gather [spmem:s0], $0x4000, $0x38;
	[tilespmem:$0x1E800] =	vst v63  }
0x1ec: {  	_ =	swait.ge [sflag:s9], $0x4000  }
0x1ed: {  	[sflag:s9] =	ssyncset.done $0x0  }
0x1ee: {  	s22 =	rddreg [dreg:$0xb];
	[sflag:s9] =	ssyncadd.s32 $0xFFFFC000  }
0x1ef: {  	[hbm4b:s22+s2] =	stream.linear.scatter [tilespmem:s8], [sflag:$0x3], $0x4000, $0x38;
	[tilespmem:$0x1E800] =	vst v63  }
0x1f0: {  	_ =	swait.ge [sflag:s9], $0x4000  }
0x1f1: {  	[sflag:s9] =	ssyncset.done $0x0  }
0x1f2: {  	s23 =	rddreg [dreg:$0xf];
	[sflag:s9] =	ssyncadd.s32 $0xFFFFC000  }
0x1f3: {  	[tilespmem:s8], [sflag:$0x3] =	stream.linear.gather [spmem:s23], $0x4000, $0x38;
	[tilespmem:$0x1E800] =	vst v63  }
0x1f4: {  	_ =	swait.ge [sflag:s9], $0x4000  }
0x1f5: {  	[sflag:s9] =	ssyncset.done $0x0  }
0x1f6: {  	s24 =	rddreg [dreg:$0xc];
	[sflag:s9] =	ssyncadd.s32 $0xFFFFC000  }
0x1f7: {  	[hbm4b:s24+s2] =	stream.linear.scatter [tilespmem:s8], [sflag:$0x3], $0x4000, $0x38;
	[tilespmem:$0x1E800] =	vst v63  }
0x1f8: {  	_ =	swait.ge [sflag:s9], $0x4000  }
0x1f9: {  	s26 =	sadd.s32 $0x1, s26;
	s28 =	rddreg [dreg:$0xd]  }
0x1fa: {  	p1 =	sne.s32 s26, s28  }
.Ltmp10:
0x1fb: {  	_ = 	snop;
	(pc) =	sbr.rel @p1 .LBB2_1-.Ltmp10, $3  }
0x1fc: {  	_ =	sdelay $0x1  }
0x1fd: {  	[sflag:s9] =	ssyncset.done $0x0  }
0x1fe: {  	[sflag:s9] =	ssyncadd.s32 $0xFFFFC000  }
0x1ff: {  	_ =	sfence.sel $0x180000  }
0x200: {  	[bflag:$0x0] =	sbarrier.arrive $0xFFFF  }
0x201: {  	_ =	strace $0x9000004A  }
0x202: {  	s0 =	stileid.u32;
	[bflag:$0x2] =	sbarrier.arrive $0xFFFF  }
0x203: {  	p0 =	sne.s32 s0, $0x0;
	s0 =	rddreg [dreg:$0x2]  }
0x204: {  	s0 =	sadd.s32 @!p0 $0x100000, s0  }
0x205: {  	[sflag:s0] =	ssyncadd.tile.s32 @!p0 $0x1;
	_ =	shalt  }
.Lfunc_end2:
_tile_overlayer_lowered:
.L_overlay_start_2:
0x206: {  	(tag) =	ssettag $0x2  }
0x207: {  	s0 =	rddreg [dreg:$0x0];
	s2 =	stileid.u32  }
0x208: {  	s1 =	rddreg [dreg:$0x1];
	p0 =	sne.s32 s2, $0x0  }
0x209: {  	s3 =	rddreg [dreg:$0x2];
	[bflag:$0x3] =	sbarrier.arrive $0xFFFF;
	s2 =	simm.s32 @!p0 $0x1C03  }
0x20a: {  	[timem:s3], [sflag:s2] =	dma.local @!p0 [hbm:s0], s1  }
0x20b: {  	s0 =	simm.s32 @!p0 $0x3  }
0x20c: {  	_ =	swait.ge @!p0 [sflag:s0], s1  }
0x20d: {  	s1 =	ssub.s32 @!p0 $0x0, s1;
	[sflag:s0] =	ssyncset.done @!p0 $0x0  }
0x20e: {  	[sflag:s0] =	ssyncadd.s32 @!p0 s1  }
0x20f: {  	[bflag:$0x3] =	sbarrier.arrive $0xFFFF  }
0x210: {  	_ =	shalt  }

</sc_bundles>
